<compile_context>
chip_gen: v7x
topology: tpu7x:2x2x1
jax: 0.10.2.dev20260603
libtpu: 0.0.44.dev20260713+nightly
codegen_flags: <defaults>
</compile_context>

<pallas_src>
import functools

import jax
import jax.numpy as jnp
from jax import lax
from jax.experimental import pallas as pl
from jax.experimental.pallas import tpu as pltpu
from jax.experimental.pallas import tpu_sc as plsc

D = 128
NSLOT = 11
NC, NS = 2, 16
NW = NC * NS
R = 112
BLK = 4096


def _sc_gather_sum(table, idxT, b_pad, pairs_c0, pairs_c1):
    bps = b_pad // NS
    npairs = bps // (2 * R)
    assert pairs_c0 + pairs_c1 == npairs
    dt = table.dtype
    mesh = plsc.VectorSubcoreMesh(core_axis_name="c", subcore_axis_name="s")

    @functools.partial(
        pl.kernel,
        out_type=(jax.ShapeDtypeStruct((b_pad, D), dt),
                  jax.ShapeDtypeStruct((b_pad, D), dt),
                  jax.ShapeDtypeStruct((b_pad, D), dt)),
        mesh=mesh,
        scratch_types=[
            pltpu.VMEM((NSLOT, bps), jnp.int32),
            pltpu.VMEM((2, R, D), dt),
            pltpu.VMEM((4, R, D), dt),
            pltpu.SemaphoreType.DMA,
            pltpu.SemaphoreType.DMA,
            [pltpu.SemaphoreType.DMA] * 4,
        ],
        compiler_params=pltpu.CompilerParams(use_tc_tiling_on_sc=False),
    )
    def k(feat_hbm, idxT_hbm, self_hbm, nsa_hbm, nsb_hbm, idx_v, sbuf, nbuf,
          ssem, osem, csems):
        c = lax.axis_index("c")
        s = lax.axis_index("s")
        coff = jnp.where(c == 0, 0, pairs_c0 * 2 * R)
        my_pairs = jnp.where(c == 0, pairs_c0, pairs_c1)
        base = s * bps
        pltpu.sync_copy(idxT_hbm.at[s], idx_v)

        def chain_idx(q, off0, j):
            off = off0 + (q // 2) * R
            slot = 1 + (q % 2) * 5 + j
            return idx_v.at[slot, pl.ds(off, R)]

        def pair(pi, carry):
            off0 = coff + (2 * pi) * R
            scps = [
                pltpu.async_copy(
                    feat_hbm.at[idx_v.at[0, pl.ds(off0 + h * R, R)]],
                    sbuf.at[h], ssem)
                for h in range(2)
            ]
            prev = [
                pltpu.async_copy(
                    feat_hbm.at[chain_idx(q, off0, 0)], nbuf.at[q], csems[q])
                for q in range(4)
            ]
            for j in range(1, 5):
                nxt = []
                for q in range(4):
                    prev[q].wait()
                    nxt.append(pltpu.async_copy(
                        feat_hbm.at[chain_idx(q, off0, j)], nbuf.at[q],
                        csems[q], add=True))
                prev = nxt
            outs = []
            for h in range(2):
                scps[h].wait()
                outs.append(pltpu.async_copy(
                    sbuf.at[h], self_hbm.at[pl.ds(base + off0 + h * R, R)],
                    osem))
            for q in range(4):
                prev[q].wait()
                dst = nsa_hbm if q % 2 == 0 else nsb_hbm
                outs.append(pltpu.async_copy(
                    nbuf.at[q],
                    dst.at[pl.ds(base + off0 + (q // 2) * R, R)], osem))
            for cp in outs:
                cp.wait()
            return carry

        lax.fori_loop(0, my_pairs, pair, 0)

    return k(table, idxT)


def _tc_combine(self_rows, nsa, nsb, w1, w2, b):

    def body(x1, x2, x3, w1r, w2r, o):
        acc = jnp.dot(x1[...], w1r[...], preferred_element_type=jnp.float32)
        acc = acc + jnp.dot(x2[...] + x3[...], w2r[...],
                            preferred_element_type=jnp.float32) * \
            jnp.float32(0.1)
        o[...] = jnp.maximum(acc, 0.0)

    row_spec = pl.BlockSpec((BLK, D), lambda i: (i, 0))
    w_spec = pl.BlockSpec((D, D), lambda i: (0, 0))
    return pl.pallas_call(
        body,
        grid=((b + BLK - 1) // BLK,),
        in_specs=[row_spec] * 3 + [w_spec] * 2,
        out_specs=row_spec,
        out_shape=jax.ShapeDtypeStruct((b, D), jnp.float32),
    )(self_rows, nsa, nsb, w1, w2)


def kernel(features, weight, nodes, neigh_idx):
    b = nodes.shape[0]
    step = NW * R * 2
    b_pad = ((b + step - 1) // step) * step

    idx_all = jnp.concatenate(
        [nodes[:, None].astype(jnp.int32), neigh_idx.astype(jnp.int32)],
        axis=1).T
    idxT = jnp.pad(idx_all, ((0, 0), (0, b_pad - b)))
    idxT = idxT.reshape(NSLOT, NS, b_pad // NS).transpose(1, 0, 2)

    npairs = b_pad // (NS * 2 * R)
    pairs_c0 = npairs // 2
    self_rows, nsa, nsb = _sc_gather_sum(features, idxT, b_pad, pairs_c0,
                                         npairs - pairs_c0)
    return _tc_combine(self_rows, nsa, nsb, weight[:D], weight[D:], b)

# --- scband reference (transcript-rebuilt; emitter-appended) ---
"""Pipeline reference for scband-encoder-45913200394468 (READ-ONLY COPY).

The authoritative reference and input builder live on the scoring server;
editing this copy changes nothing except your own understanding.
"""

import jax, jax.numpy as jnp
import numpy as np

N_NODES = 100000
D_FEAT = 128
D_OUT = 128
BATCH = 50000
NUM_SAMPLE = 10


def setup_inputs(seed: int = 0) -> dict:
    key = jax.random.key(seed)
    k1, k2, k3, k4 = jax.random.split(key, 4)
    nodes = jax.random.randint(k1, (BATCH,), 0, N_NODES, dtype=jnp.int64 if jax.config.jax_enable_x64 else jnp.int32)
    neigh_idx = jax.random.randint(k2, (BATCH, NUM_SAMPLE), 0, N_NODES, dtype=jnp.int64 if jax.config.jax_enable_x64 else jnp.int32)
    # learned parameters: node feature table (the `features` embedding) and xavier-init weight
    features = jax.random.normal(k3, (N_NODES, D_FEAT), dtype=jnp.float32)
    limit = float(np.sqrt(6.0 / (2 * D_FEAT + D_OUT)))
    weight = jax.random.uniform(k4, (2 * D_FEAT, D_OUT), minval=-limit, maxval=limit, dtype=jnp.float32)
    return {"features": features, "weight": weight, "nodes": nodes, "neigh_idx": neigh_idx}


def reference(features, weight, nodes, neigh_idx):
    # MeanAggregator over sampled neighbors: gather then mean (aggregator.forward)
    neigh_feats = jnp.take(features, neigh_idx, axis=0)          # [B, S, d_feat]
    neighbor_features = jnp.mean(neigh_feats, axis=1)            # [B, d_feat]
    # self loop: self feature lookup (self.features(LongTensor(nodes)))
    self_features = jnp.take(features, nodes, axis=0)            # [B, d_feat]
    combined = jnp.concatenate([self_features, neighbor_features], axis=1)  # [B, 2*d_feat]
    out = jax.nn.relu(combined @ weight)                         # [B, d_out]
    return out

if __name__ == "__main__":
    import jax
    _d = setup_inputs()
    print(jax.jit(kernel)(*tuple(_d.values())))

</pallas_src>

<mosaic_0001>
#map = affine_map<(d0, d1) -> (0, 0)>
#map1 = affine_map<(d0, d1) -> (0, 0, 0)>
module attributes {stable_mosaic.version = 14 : i64} {
  func.func @k(%arg0: i32, %arg1: i32, %arg2: memref<100000x128xf32, #tpu.memory_space<hbm>>, %arg3: memref<16x11x3136xi32, #tpu.memory_space<hbm>>, %arg4: memref<50176x128xf32, #tpu.memory_space<hbm>>, %arg5: memref<50176x128xf32, #tpu.memory_space<hbm>>, %arg6: memref<50176x128xf32, #tpu.memory_space<hbm>>, %arg7: memref<11x3136xi32, #tpu.memory_space<vmem>>, %arg8: memref<2x112x128xf32, #tpu.memory_space<vmem>>, %arg9: memref<4x112x128xf32, #tpu.memory_space<vmem>>, %arg10: memref<!tpu.dma_semaphore, #tpu.memory_space<semaphore_mem>>, %arg11: memref<!tpu.dma_semaphore, #tpu.memory_space<semaphore_mem>>, %arg12: memref<!tpu.dma_semaphore, #tpu.memory_space<semaphore_mem>>, %arg13: memref<!tpu.dma_semaphore, #tpu.memory_space<semaphore_mem>>, %arg14: memref<!tpu.dma_semaphore, #tpu.memory_space<semaphore_mem>>, %arg15: memref<!tpu.dma_semaphore, #tpu.memory_space<semaphore_mem>>) attributes {dimension_semantics = [#tpu.dimension_semantics<core_parallel>, #tpu.dimension_semantics<subcore_parallel>], iteration_bounds = array<i64: 2, 16>, scalar_prefetch = 0 : i64, scratch_operands = 9 : i64, tpu.core_type = #tpu.core_type<sc_vector_subcore>, window_params = [{transform_indices = #map}, {transform_indices = #map1}, {transform_indices = #map}, {transform_indices = #map}, {transform_indices = #map}]} {
    %eq3A = arith.constant 0 : i32
    %eq3A_0 = arith.cmpi eq, %arg0, %eq3A : i32
    %jit3A = arith.constant 0 : i32
    %jit3A_1 = arith.constant 1568 : i32
    %select_n3A = arith.select %eq3A_0, %jit3A, %jit3A_1 : i32
    %eq3A_2 = arith.constant 0 : i32
    %eq3A_3 = arith.cmpi eq, %arg0, %eq3A_2 : i32
    %jit3A_4 = arith.constant 7 : i32
    %jit3A_5 = arith.constant 7 : i32
    %select_n3A_6 = arith.select %eq3A_3, %jit3A_4, %jit3A_5 : i32
    %mul3A = arith.constant 3136 : i32
    %mul3A_7 = arith.muli %arg1, %mul3A : i32
    "tpu.region"() ({
      %run_scoped3A = tpu.sem_alloc : memref<!tpu.dma_semaphore, #tpu.memory_space<semaphore_mem>>
      %dma_start3A = arith.constant 0 : i32
      %dma_start3A_17 = arith.constant 0 : i32
      %dma_start3A_18 = tpu.memref_slice %arg3[%arg1, %dma_start3A, %dma_start3A_17] : memref<16x11x3136xi32, #tpu.memory_space<hbm>> -> memref<1x11x3136xi32, #tpu.memory_space<hbm>>
      %dma_start3A_19 = tpu.memref_squeeze %dma_start3A_18 : memref<1x11x3136xi32, #tpu.memory_space<hbm>> -> memref<11x3136xi32, #tpu.memory_space<hbm>>
      %dma_start3A_20 = arith.constant 0 : i32
      %dma_start3A_21 = arith.constant 0 : i32
      %dma_start3A_22 = tpu.memref_slice %arg3[%arg1, %dma_start3A_20, %dma_start3A_21] : memref<16x11x3136xi32, #tpu.memory_space<hbm>> -> memref<1x11x3136xi32, #tpu.memory_space<hbm>>
      %dma_start3A_23 = tpu.memref_squeeze %dma_start3A_22 : memref<1x11x3136xi32, #tpu.memory_space<hbm>> -> memref<11x3136xi32, #tpu.memory_space<hbm>>
      tpu.enqueue_dma source(%dma_start3A_23 : memref<11x3136xi32, #tpu.memory_space<hbm>>) target(%arg7 : memref<11x3136xi32, #tpu.memory_space<vmem>>) target_semaphore(%run_scoped3A : memref<!tpu.dma_semaphore, #tpu.memory_space<semaphore_mem>>)
      %dma_wait3A = arith.constant 0 : i32
      %dma_wait3A_24 = arith.constant 0 : i32
      %dma_wait3A_25 = tpu.memref_slice %arg3[%arg1, %dma_wait3A, %dma_wait3A_24] : memref<16x11x3136xi32, #tpu.memory_space<hbm>> -> memref<1x11x3136xi32, #tpu.memory_space<hbm>>
      %dma_wait3A_26 = tpu.memref_squeeze %dma_wait3A_25 : memref<1x11x3136xi32, #tpu.memory_space<hbm>> -> memref<11x3136xi32, #tpu.memory_space<hbm>>
      %dma_wait3A_27 = arith.constant 0 : i32
      %dma_wait3A_28 = arith.constant 0 : i32
      %dma_wait3A_29 = tpu.memref_slice %arg3[%arg1, %dma_wait3A_27, %dma_wait3A_28] : memref<16x11x3136xi32, #tpu.memory_space<hbm>> -> memref<1x11x3136xi32, #tpu.memory_space<hbm>>
      %dma_wait3A_30 = tpu.memref_squeeze %dma_wait3A_29 : memref<1x11x3136xi32, #tpu.memory_space<hbm>> -> memref<11x3136xi32, #tpu.memory_space<hbm>>
      tpu.wait_dma2 semaphore(%run_scoped3A : memref<!tpu.dma_semaphore, #tpu.memory_space<semaphore_mem>>) src(%dma_wait3A_30 : memref<11x3136xi32, #tpu.memory_space<hbm>>) dst(%arg7 : memref<11x3136xi32, #tpu.memory_space<vmem>>)
      tpu.yield
    }) : () -> ()
    %while3A = arith.constant 0 : i32
    %while3A_8 = arith.constant 0 : i32
    %while3A_9 = arith.subi %select_n3A_6, %while3A_8 : i32
    %while3A_10 = arith.addi %while3A_8, %while3A_9 : i32
    %while3A_11 = arith.constant 1 : i32
    %while3A_12 = arith.divsi %while3A_9, %while3A_11 : i32
    %while3A_13 = arith.muli %while3A_12, %while3A_11 : i32
    %while3A_14 = arith.addi %while3A_8, %while3A_13 : i32
    %while3A_15 = arith.constant 1 : i32
    scf.for %while3A_17 = %while3A_8 to %while3A_14 step %while3A_15  : i32 {
      %mul3A_18 = arith.constant 2 : i32
      %mul3A_19 = arith.muli %mul3A_18, %while3A_17 : i32
      %mul3A_20 = arith.constant 112 : i32
      %mul3A_21 = arith.muli %mul3A_19, %mul3A_20 : i32
      %add3A = arith.addi %select_n3A, %mul3A_21 : i32
      %add3A_22 = arith.constant 0 : i32
      %add3A_23 = arith.addi %add3A, %add3A_22 : i32
      %dma_start3A = arith.constant 0 : i32
      %dma_start3A_24 = arith.constant 0 : i32
      %dma_start3A_25 = arith.constant 0 : i32
      %dma_start3A_26 = arith.constant 0 : i32
      %dma_start3A_27 = tpu.memref_slice %arg8[%dma_start3A_24, %dma_start3A_25, %dma_start3A_26] : memref<2x112x128xf32, #tpu.memory_space<vmem>> -> memref<1x112x128xf32, #tpu.memory_space<vmem>>
      %dma_start3A_28 = tpu.memref_squeeze %dma_start3A_27 : memref<1x112x128xf32, #tpu.memory_space<vmem>> -> memref<112x128xf32, #tpu.memory_space<vmem>>
      %dma_start3A_29 = tpu.memref_slice %arg7[%dma_start3A, %add3A_23] : memref<11x3136xi32, #tpu.memory_space<vmem>> -> memref<1x112xi32, #tpu.memory_space<vmem>>
      %dma_start3A_30 = tpu.memref_squeeze %dma_start3A_29 : memref<1x112xi32, #tpu.memory_space<vmem>> -> memref<112xi32, #tpu.memory_space<vmem>>
      %dma_start3A_31 = arith.constant 0 : i32
      %dma_start3A_32 = arith.constant 0 : i32
      %dma_start3A_33 = tpu.memref_slice %arg2[%dma_start3A_31, %dma_start3A_32] : memref<100000x128xf32, #tpu.memory_space<hbm>> -> memref<100000x128xf32, #tpu.memory_space<hbm>>
      tpu.enqueue_indirect_dma source(%dma_start3A_33 : memref<100000x128xf32, #tpu.memory_space<hbm>>) target(%dma_start3A_28 : memref<112x128xf32, #tpu.memory_space<vmem>>) offsets(%dma_start3A_30 : memref<112xi32, #tpu.memory_space<vmem>>) semaphore(%arg10 : memref<!tpu.dma_semaphore, #tpu.memory_space<semaphore_mem>>)
      %add3A_34 = arith.constant 112 : i32
      %add3A_35 = arith.addi %add3A, %add3A_34 : i32
      %dma_start3A_36 = arith.constant 0 : i32
      %dma_start3A_37 = arith.constant 1 : i32
      %dma_start3A_38 = arith.constant 0 : i32
      %dma_start3A_39 = arith.constant 0 : i32
      %dma_start3A_40 = tpu.memref_slice %arg8[%dma_start3A_37, %dma_start3A_38, %dma_start3A_39] : memref<2x112x128xf32, #tpu.memory_space<vmem>> -> memref<1x112x128xf32, #tpu.memory_space<vmem>>
      %dma_start3A_41 = tpu.memref_squeeze %dma_start3A_40 : memref<1x112x128xf32, #tpu.memory_space<vmem>> -> memref<112x128xf32, #tpu.memory_space<vmem>>
      %dma_start3A_42 = tpu.memref_slice %arg7[%dma_start3A_36, %add3A_35] : memref<11x3136xi32, #tpu.memory_space<vmem>> -> memref<1x112xi32, #tpu.memory_space<vmem>>
      %dma_start3A_43 = tpu.memref_squeeze %dma_start3A_42 : memref<1x112xi32, #tpu.memory_space<vmem>> -> memref<112xi32, #tpu.memory_space<vmem>>
      %dma_start3A_44 = arith.constant 0 : i32
      %dma_start3A_45 = arith.constant 0 : i32
      %dma_start3A_46 = tpu.memref_slice %arg2[%dma_start3A_44, %dma_start3A_45] : memref<100000x128xf32, #tpu.memory_space<hbm>> -> memref<100000x128xf32, #tpu.memory_space<hbm>>
      tpu.enqueue_indirect_dma source(%dma_start3A_46 : memref<100000x128xf32, #tpu.memory_space<hbm>>) target(%dma_start3A_41 : memref<112x128xf32, #tpu.memory_space<vmem>>) offsets(%dma_start3A_43 : memref<112xi32, #tpu.memory_space<vmem>>) semaphore(%arg10 : memref<!tpu.dma_semaphore, #tpu.memory_space<semaphore_mem>>)
      %add3A_47 = arith.constant 0 : i32
      %add3A_48 = arith.addi %add3A, %add3A_47 : i32
      %dma_start3A_49 = arith.constant 1 : i32
      %dma_start3A_50 = arith.constant 0 : i32
      %dma_start3A_51 = arith.constant 0 : i32
      %dma_start3A_52 = arith.constant 0 : i32
      %dma_start3A_53 = tpu.memref_slice %arg9[%dma_start3A_50, %dma_start3A_51, %dma_start3A_52] : memref<4x112x128xf32, #tpu.memory_space<vmem>> -> memref<1x112x128xf32, #tpu.memory_space<vmem>>
      %dma_start3A_54 = tpu.memref_squeeze %dma_start3A_53 : memref<1x112x128xf32, #tpu.memory_space<vmem>> -> memref<112x128xf32, #tpu.memory_space<vmem>>
      %dma_start3A_55 = tpu.memref_slice %arg7[%dma_start3A_49, %add3A_48] : memref<11x3136xi32, #tpu.memory_space<vmem>> -> memref<1x112xi32, #tpu.memory_space<vmem>>
      %dma_start3A_56 = tpu.memref_squeeze %dma_start3A_55 : memref<1x112xi32, #tpu.memory_space<vmem>> -> memref<112xi32, #tpu.memory_space<vmem>>
      %dma_start3A_57 = arith.constant 0 : i32
      %dma_start3A_58 = arith.constant 0 : i32
      %dma_start3A_59 = tpu.memref_slice %arg2[%dma_start3A_57, %dma_start3A_58] : memref<100000x128xf32, #tpu.memory_space<hbm>> -> memref<100000x128xf32, #tpu.memory_space<hbm>>
      tpu.enqueue_indirect_dma source(%dma_start3A_59 : memref<100000x128xf32, #tpu.memory_space<hbm>>) target(%dma_start3A_54 : memref<112x128xf32, #tpu.memory_space<vmem>>) offsets(%dma_start3A_56 : memref<112xi32, #tpu.memory_space<vmem>>) semaphore(%arg12 : memref<!tpu.dma_semaphore, #tpu.memory_space<semaphore_mem>>)
      %add3A_60 = arith.constant 0 : i32
      %add3A_61 = arith.addi %add3A, %add3A_60 : i32
      %dma_start3A_62 = arith.constant 6 : i32
      %dma_start3A_63 = arith.constant 1 : i32
      %dma_start3A_64 = arith.constant 0 : i32
      %dma_start3A_65 = arith.constant 0 : i32
      %dma_start3A_66 = tpu.memref_slice %arg9[%dma_start3A_63, %dma_start3A_64, %dma_start3A_65] : memref<4x112x128xf32, #tpu.memory_space<vmem>> -> memref<1x112x128xf32, #tpu.memory_space<vmem>>
      %dma_start3A_67 = tpu.memref_squeeze %dma_start3A_66 : memref<1x112x128xf32, #tpu.memory_space<vmem>> -> memref<112x128xf32, #tpu.memory_space<vmem>>
      %dma_start3A_68 = tpu.memref_slice %arg7[%dma_start3A_62, %add3A_61] : memref<11x3136xi32, #tpu.memory_space<vmem>> -> memref<1x112xi32, #tpu.memory_space<vmem>>
      %dma_start3A_69 = tpu.memref_squeeze %dma_start3A_68 : memref<1x112xi32, #tpu.memory_space<vmem>> -> memref<112xi32, #tpu.memory_space<vmem>>
      %dma_start3A_70 = arith.constant 0 : i32
      %dma_start3A_71 = arith.constant 0 : i32
      %dma_start3A_72 = tpu.memref_slice %arg2[%dma_start3A_70, %dma_start3A_71] : memref<100000x128xf32, #tpu.memory_space<hbm>> -> memref<100000x128xf32, #tpu.memory_space<hbm>>
      tpu.enqueue_indirect_dma source(%dma_start3A_72 : memref<100000x128xf32, #tpu.memory_space<hbm>>) target(%dma_start3A_67 : memref<112x128xf32, #tpu.memory_space<vmem>>) offsets(%dma_start3A_69 : memref<112xi32, #tpu.memory_space<vmem>>) semaphore(%arg13 : memref<!tpu.dma_semaphore, #tpu.memory_space<semaphore_mem>>)
      %add3A_73 = arith.constant 112 : i32
      %add3A_74 = arith.addi %add3A, %add3A_73 : i32
      %dma_start3A_75 = arith.constant 1 : i32
      %dma_start3A_76 = arith.constant 2 : i32
      %dma_start3A_77 = arith.constant 0 : i32
      %dma_start3A_78 = arith.constant 0 : i32
      %dma_start3A_79 = tpu.memref_slice %arg9[%dma_start3A_76, %dma_start3A_77, %dma_start3A_78] : memref<4x112x128xf32, #tpu.memory_space<vmem>> -> memref<1x112x128xf32, #tpu.memory_space<vmem>>
      %dma_start3A_80 = tpu.memref_squeeze %dma_start3A_79 : memref<1x112x128xf32, #tpu.memory_space<vmem>> -> memref<112x128xf32, #tpu.memory_space<vmem>>
      %dma_start3A_81 = tpu.memref_slice %arg7[%dma_start3A_75, %add3A_74] : memref<11x3136xi32, #tpu.memory_space<vmem>> -> memref<1x112xi32, #tpu.memory_space<vmem>>
      %dma_start3A_82 = tpu.memref_squeeze %dma_start3A_81 : memref<1x112xi32, #tpu.memory_space<vmem>> -> memref<112xi32, #tpu.memory_space<vmem>>
      %dma_start3A_83 = arith.constant 0 : i32
      %dma_start3A_84 = arith.constant 0 : i32
      %dma_start3A_85 = tpu.memref_slice %arg2[%dma_start3A_83, %dma_start3A_84] : memref<100000x128xf32, #tpu.memory_space<hbm>> -> memref<100000x128xf32, #tpu.memory_space<hbm>>
      tpu.enqueue_indirect_dma source(%dma_start3A_85 : memref<100000x128xf32, #tpu.memory_space<hbm>>) target(%dma_start3A_80 : memref<112x128xf32, #tpu.memory_space<vmem>>) offsets(%dma_start3A_82 : memref<112xi32, #tpu.memory_space<vmem>>) semaphore(%arg14 : memref<!tpu.dma_semaphore, #tpu.memory_space<semaphore_mem>>)
      %add3A_86 = arith.constant 112 : i32
      %add3A_87 = arith.addi %add3A, %add3A_86 : i32
      %dma_start3A_88 = arith.constant 6 : i32
      %dma_start3A_89 = arith.constant 3 : i32
      %dma_start3A_90 = arith.constant 0 : i32
      %dma_start3A_91 = arith.constant 0 : i32
      %dma_start3A_92 = tpu.memref_slice %arg9[%dma_start3A_89, %dma_start3A_90, %dma_start3A_91] : memref<4x112x128xf32, #tpu.memory_space<vmem>> -> memref<1x112x128xf32, #tpu.memory_space<vmem>>
      %dma_start3A_93 = tpu.memref_squeeze %dma_start3A_92 : memref<1x112x128xf32, #tpu.memory_space<vmem>> -> memref<112x128xf32, #tpu.memory_space<vmem>>
      %dma_start3A_94 = tpu.memref_slice %arg7[%dma_start3A_88, %add3A_87] : memref<11x3136xi32, #tpu.memory_space<vmem>> -> memref<1x112xi32, #tpu.memory_space<vmem>>
      %dma_start3A_95 = tpu.memref_squeeze %dma_start3A_94 : memref<1x112xi32, #tpu.memory_space<vmem>> -> memref<112xi32, #tpu.memory_space<vmem>>
      %dma_start3A_96 = arith.constant 0 : i32
      %dma_start3A_97 = arith.constant 0 : i32
      %dma_start3A_98 = tpu.memref_slice %arg2[%dma_start3A_96, %dma_start3A_97] : memref<100000x128xf32, #tpu.memory_space<hbm>> -> memref<100000x128xf32, #tpu.memory_space<hbm>>
      tpu.enqueue_indirect_dma source(%dma_start3A_98 : memref<100000x128xf32, #tpu.memory_space<hbm>>) target(%dma_start3A_93 : memref<112x128xf32, #tpu.memory_space<vmem>>) offsets(%dma_start3A_95 : memref<112xi32, #tpu.memory_space<vmem>>) semaphore(%arg15 : memref<!tpu.dma_semaphore, #tpu.memory_space<semaphore_mem>>)
      %dma_wait3A = arith.constant 1 : i32
      %dma_wait3A_99 = arith.constant 0 : i32
      %dma_wait3A_100 = arith.constant 0 : i32
      %dma_wait3A_101 = arith.constant 0 : i32
      %dma_wait3A_102 = tpu.memref_slice %arg9[%dma_wait3A_99, %dma_wait3A_100, %dma_wait3A_101] : memref<4x112x128xf32, #tpu.memory_space<vmem>> -> memref<1x112x128xf32, #tpu.memory_space<vmem>>
      %dma_wait3A_103 = tpu.memref_squeeze %dma_wait3A_102 : memref<1x112x128xf32, #tpu.memory_space<vmem>> -> memref<112x128xf32, #tpu.memory_space<vmem>>
      %dma_wait3A_104 = tpu.memref_slice %arg7[%dma_wait3A, %add3A_48] : memref<11x3136xi32, #tpu.memory_space<vmem>> -> memref<1x112xi32, #tpu.memory_space<vmem>>
      %dma_wait3A_105 = tpu.memref_squeeze %dma_wait3A_104 : memref<1x112xi32, #tpu.memory_space<vmem>> -> memref<112xi32, #tpu.memory_space<vmem>>
      %dma_wait3A_106 = arith.constant 0 : i32
      %dma_wait3A_107 = arith.constant 0 : i32
      %dma_wait3A_108 = tpu.memref_slice %arg2[%dma_wait3A_106, %dma_wait3A_107] : memref<100000x128xf32, #tpu.memory_space<hbm>> -> memref<100000x128xf32, #tpu.memory_space<hbm>>
      tpu.wait_indirect_dma semaphore(%arg12 : memref<!tpu.dma_semaphore, #tpu.memory_space<semaphore_mem>>) src(%dma_wait3A_108 : memref<100000x128xf32, #tpu.memory_space<hbm>>) dst(%dma_wait3A_103 : memref<112x128xf32, #tpu.memory_space<vmem>>)
      %add3A_109 = arith.constant 0 : i32
      %add3A_110 = arith.addi %add3A, %add3A_109 : i32
      %dma_start3A_111 = arith.constant 2 : i32
      %dma_start3A_112 = arith.constant 0 : i32
      %dma_start3A_113 = arith.constant 0 : i32
      %dma_start3A_114 = arith.constant 0 : i32
      %dma_start3A_115 = tpu.memref_slice %arg9[%dma_start3A_112, %dma_start3A_113, %dma_start3A_114] : memref<4x112x128xf32, #tpu.memory_space<vmem>> -> memref<1x112x128xf32, #tpu.memory_space<vmem>>
      %dma_start3A_116 = tpu.memref_squeeze %dma_start3A_115 : memref<1x112x128xf32, #tpu.memory_space<vmem>> -> memref<112x128xf32, #tpu.memory_space<vmem>>
      %dma_start3A_117 = tpu.memref_slice %arg7[%dma_start3A_111, %add3A_110] : memref<11x3136xi32, #tpu.memory_space<vmem>> -> memref<1x112xi32, #tpu.memory_space<vmem>>
      %dma_start3A_118 = tpu.memref_squeeze %dma_start3A_117 : memref<1x112xi32, #tpu.memory_space<vmem>> -> memref<112xi32, #tpu.memory_space<vmem>>
      %dma_start3A_119 = arith.constant 0 : i32
      %dma_start3A_120 = arith.constant 0 : i32
      %dma_start3A_121 = tpu.memref_slice %arg2[%dma_start3A_119, %dma_start3A_120] : memref<100000x128xf32, #tpu.memory_space<hbm>> -> memref<100000x128xf32, #tpu.memory_space<hbm>>
      tpu.enqueue_indirect_dma source(%dma_start3A_121 : memref<100000x128xf32, #tpu.memory_space<hbm>>) target(%dma_start3A_116 : memref<112x128xf32, #tpu.memory_space<vmem>>) offsets(%dma_start3A_118 : memref<112xi32, #tpu.memory_space<vmem>>) semaphore(%arg12 : memref<!tpu.dma_semaphore, #tpu.memory_space<semaphore_mem>>) {add = true}
      %dma_wait3A_122 = arith.constant 6 : i32
      %dma_wait3A_123 = arith.constant 1 : i32
      %dma_wait3A_124 = arith.constant 0 : i32
      %dma_wait3A_125 = arith.constant 0 : i32
      %dma_wait3A_126 = tpu.memref_slice %arg9[%dma_wait3A_123, %dma_wait3A_124, %dma_wait3A_125] : memref<4x112x128xf32, #tpu.memory_space<vmem>> -> memref<1x112x128xf32, #tpu.memory_space<vmem>>
      %dma_wait3A_127 = tpu.memref_squeeze %dma_wait3A_126 : memref<1x112x128xf32, #tpu.memory_space<vmem>> -> memref<112x128xf32, #tpu.memory_space<vmem>>
      %dma_wait3A_128 = tpu.memref_slice %arg7[%dma_wait3A_122, %add3A_61] : memref<11x3136xi32, #tpu.memory_space<vmem>> -> memref<1x112xi32, #tpu.memory_space<vmem>>
      %dma_wait3A_129 = tpu.memref_squeeze %dma_wait3A_128 : memref<1x112xi32, #tpu.memory_space<vmem>> -> memref<112xi32, #tpu.memory_space<vmem>>
      %dma_wait3A_130 = arith.constant 0 : i32
      %dma_wait3A_131 = arith.constant 0 : i32
      %dma_wait3A_132 = tpu.memref_slice %arg2[%dma_wait3A_130, %dma_wait3A_131] : memref<100000x128xf32, #tpu.memory_space<hbm>> -> memref<100000x128xf32, #tpu.memory_space<hbm>>
      tpu.wait_indirect_dma semaphore(%arg13 : memref<!tpu.dma_semaphore, #tpu.memory_space<semaphore_mem>>) src(%dma_wait3A_132 : memref<100000x128xf32, #tpu.memory_space<hbm>>) dst(%dma_wait3A_127 : memref<112x128xf32, #tpu.memory_space<vmem>>)
      %add3A_133 = arith.constant 0 : i32
      %add3A_134 = arith.addi %add3A, %add3A_133 : i32
      %dma_start3A_135 = arith.constant 7 : i32
      %dma_start3A_136 = arith.constant 1 : i32
      %dma_start3A_137 = arith.constant 0 : i32
      %dma_start3A_138 = arith.constant 0 : i32
      %dma_start3A_139 = tpu.memref_slice %arg9[%dma_start3A_136, %dma_start3A_137, %dma_start3A_138] : memref<4x112x128xf32, #tpu.memory_space<vmem>> -> memref<1x112x128xf32, #tpu.memory_space<vmem>>
      %dma_start3A_140 = tpu.memref_squeeze %dma_start3A_139 : memref<1x112x128xf32, #tpu.memory_space<vmem>> -> memref<112x128xf32, #tpu.memory_space<vmem>>
      %dma_start3A_141 = tpu.memref_slice %arg7[%dma_start3A_135, %add3A_134] : memref<11x3136xi32, #tpu.memory_space<vmem>> -> memref<1x112xi32, #tpu.memory_space<vmem>>
      %dma_start3A_142 = tpu.memref_squeeze %dma_start3A_141 : memref<1x112xi32, #tpu.memory_space<vmem>> -> memref<112xi32, #tpu.memory_space<vmem>>
      %dma_start3A_143 = arith.constant 0 : i32
      %dma_start3A_144 = arith.constant 0 : i32
      %dma_start3A_145 = tpu.memref_slice %arg2[%dma_start3A_143, %dma_start3A_144] : memref<100000x128xf32, #tpu.memory_space<hbm>> -> memref<100000x128xf32, #tpu.memory_space<hbm>>
      tpu.enqueue_indirect_dma source(%dma_start3A_145 : memref<100000x128xf32, #tpu.memory_space<hbm>>) target(%dma_start3A_140 : memref<112x128xf32, #tpu.memory_space<vmem>>) offsets(%dma_start3A_142 : memref<112xi32, #tpu.memory_space<vmem>>) semaphore(%arg13 : memref<!tpu.dma_semaphore, #tpu.memory_space<semaphore_mem>>) {add = true}
      %dma_wait3A_146 = arith.constant 1 : i32
      %dma_wait3A_147 = arith.constant 2 : i32
      %dma_wait3A_148 = arith.constant 0 : i32
      %dma_wait3A_149 = arith.constant 0 : i32
      %dma_wait3A_150 = tpu.memref_slice %arg9[%dma_wait3A_147, %dma_wait3A_148, %dma_wait3A_149] : memref<4x112x128xf32, #tpu.memory_space<vmem>> -> memref<1x112x128xf32, #tpu.memory_space<vmem>>
      %dma_wait3A_151 = tpu.memref_squeeze %dma_wait3A_150 : memref<1x112x128xf32, #tpu.memory_space<vmem>> -> memref<112x128xf32, #tpu.memory_space<vmem>>
      %dma_wait3A_152 = tpu.memref_slice %arg7[%dma_wait3A_146, %add3A_74] : memref<11x3136xi32, #tpu.memory_space<vmem>> -> memref<1x112xi32, #tpu.memory_space<vmem>>
      %dma_wait3A_153 = tpu.memref_squeeze %dma_wait3A_152 : memref<1x112xi32, #tpu.memory_space<vmem>> -> memref<112xi32, #tpu.memory_space<vmem>>
      %dma_wait3A_154 = arith.constant 0 : i32
      %dma_wait3A_155 = arith.constant 0 : i32
      %dma_wait3A_156 = tpu.memref_slice %arg2[%dma_wait3A_154, %dma_wait3A_155] : memref<100000x128xf32, #tpu.memory_space<hbm>> -> memref<100000x128xf32, #tpu.memory_space<hbm>>
      tpu.wait_indirect_dma semaphore(%arg14 : memref<!tpu.dma_semaphore, #tpu.memory_space<semaphore_mem>>) src(%dma_wait3A_156 : memref<100000x128xf32, #tpu.memory_space<hbm>>) dst(%dma_wait3A_151 : memref<112x128xf32, #tpu.memory_space<vmem>>)
      %add3A_157 = arith.constant 112 : i32
      %add3A_158 = arith.addi %add3A, %add3A_157 : i32
      %dma_start3A_159 = arith.constant 2 : i32
      %dma_start3A_160 = arith.constant 2 : i32
      %dma_start3A_161 = arith.constant 0 : i32
      %dma_start3A_162 = arith.constant 0 : i32
      %dma_start3A_163 = tpu.memref_slice %arg9[%dma_start3A_160, %dma_start3A_161, %dma_start3A_162] : memref<4x112x128xf32, #tpu.memory_space<vmem>> -> memref<1x112x128xf32, #tpu.memory_space<vmem>>
      %dma_start3A_164 = tpu.memref_squeeze %dma_start3A_163 : memref<1x112x128xf32, #tpu.memory_space<vmem>> -> memref<112x128xf32, #tpu.memory_space<vmem>>
      %dma_start3A_165 = tpu.memref_slice %arg7[%dma_start3A_159, %add3A_158] : memref<11x3136xi32, #tpu.memory_space<vmem>> -> memref<1x112xi32, #tpu.memory_space<vmem>>
      %dma_start3A_166 = tpu.memref_squeeze %dma_start3A_165 : memref<1x112xi32, #tpu.memory_space<vmem>> -> memref<112xi32, #tpu.memory_space<vmem>>
      %dma_start3A_167 = arith.constant 0 : i32
      %dma_start3A_168 = arith.constant 0 : i32
      %dma_start3A_169 = tpu.memref_slice %arg2[%dma_start3A_167, %dma_start3A_168] : memref<100000x128xf32, #tpu.memory_space<hbm>> -> memref<100000x128xf32, #tpu.memory_space<hbm>>
      tpu.enqueue_indirect_dma source(%dma_start3A_169 : memref<100000x128xf32, #tpu.memory_space<hbm>>) target(%dma_start3A_164 : memref<112x128xf32, #tpu.memory_space<vmem>>) offsets(%dma_start3A_166 : memref<112xi32, #tpu.memory_space<vmem>>) semaphore(%arg14 : memref<!tpu.dma_semaphore, #tpu.memory_space<semaphore_mem>>) {add = true}
      %dma_wait3A_170 = arith.constant 6 : i32
      %dma_wait3A_171 = arith.constant 3 : i32
      %dma_wait3A_172 = arith.constant 0 : i32
      %dma_wait3A_173 = arith.constant 0 : i32
      %dma_wait3A_174 = tpu.memref_slice %arg9[%dma_wait3A_171, %dma_wait3A_172, %dma_wait3A_173] : memref<4x112x128xf32, #tpu.memory_space<vmem>> -> memref<1x112x128xf32, #tpu.memory_space<vmem>>
      %dma_wait3A_175 = tpu.memref_squeeze %dma_wait3A_174 : memref<1x112x128xf32, #tpu.memory_space<vmem>> -> memref<112x128xf32, #tpu.memory_space<vmem>>
      %dma_wait3A_176 = tpu.memref_slice %arg7[%dma_wait3A_170, %add3A_87] : memref<11x3136xi32, #tpu.memory_space<vmem>> -> memref<1x112xi32, #tpu.memory_space<vmem>>
      %dma_wait3A_177 = tpu.memref_squeeze %dma_wait3A_176 : memref<1x112xi32, #tpu.memory_space<vmem>> -> memref<112xi32, #tpu.memory_space<vmem>>
      %dma_wait3A_178 = arith.constant 0 : i32
      %dma_wait3A_179 = arith.constant 0 : i32
      %dma_wait3A_180 = tpu.memref_slice %arg2[%dma_wait3A_178, %dma_wait3A_179] : memref<100000x128xf32, #tpu.memory_space<hbm>> -> memref<100000x128xf32, #tpu.memory_space<hbm>>
      tpu.wait_indirect_dma semaphore(%arg15 : memref<!tpu.dma_semaphore, #tpu.memory_space<semaphore_mem>>) src(%dma_wait3A_180 : memref<100000x128xf32, #tpu.memory_space<hbm>>) dst(%dma_wait3A_175 : memref<112x128xf32, #tpu.memory_space<vmem>>)
      %add3A_181 = arith.constant 112 : i32
      %add3A_182 = arith.addi %add3A, %add3A_181 : i32
      %dma_start3A_183 = arith.constant 7 : i32
      %dma_start3A_184 = arith.constant 3 : i32
      %dma_start3A_185 = arith.constant 0 : i32
      %dma_start3A_186 = arith.constant 0 : i32
      %dma_start3A_187 = tpu.memref_slice %arg9[%dma_start3A_184, %dma_start3A_185, %dma_start3A_186] : memref<4x112x128xf32, #tpu.memory_space<vmem>> -> memref<1x112x128xf32, #tpu.memory_space<vmem>>
      %dma_start3A_188 = tpu.memref_squeeze %dma_start3A_187 : memref<1x112x128xf32, #tpu.memory_space<vmem>> -> memref<112x128xf32, #tpu.memory_space<vmem>>
      %dma_start3A_189 = tpu.memref_slice %arg7[%dma_start3A_183, %add3A_182] : memref<11x3136xi32, #tpu.memory_space<vmem>> -> memref<1x112xi32, #tpu.memory_space<vmem>>
      %dma_start3A_190 = tpu.memref_squeeze %dma_start3A_189 : memref<1x112xi32, #tpu.memory_space<vmem>> -> memref<112xi32, #tpu.memory_space<vmem>>
      %dma_start3A_191 = arith.constant 0 : i32
      %dma_start3A_192 = arith.constant 0 : i32
      %dma_start3A_193 = tpu.memref_slice %arg2[%dma_start3A_191, %dma_start3A_192] : memref<100000x128xf32, #tpu.memory_space<hbm>> -> memref<100000x128xf32, #tpu.memory_space<hbm>>
      tpu.enqueue_indirect_dma source(%dma_start3A_193 : memref<100000x128xf32, #tpu.memory_space<hbm>>) target(%dma_start3A_188 : memref<112x128xf32, #tpu.memory_space<vmem>>) offsets(%dma_start3A_190 : memref<112xi32, #tpu.memory_space<vmem>>) semaphore(%arg15 : memref<!tpu.dma_semaphore, #tpu.memory_space<semaphore_mem>>) {add = true}
      %dma_wait3A_194 = arith.constant 2 : i32
      %dma_wait3A_195 = arith.constant 0 : i32
      %dma_wait3A_196 = arith.constant 0 : i32
      %dma_wait3A_197 = arith.constant 0 : i32
      %dma_wait3A_198 = tpu.memref_slice %arg9[%dma_wait3A_195, %dma_wait3A_196, %dma_wait3A_197] : memref<4x112x128xf32, #tpu.memory_space<vmem>> -> memref<1x112x128xf32, #tpu.memory_space<vmem>>
      %dma_wait3A_199 = tpu.memref_squeeze %dma_wait3A_198 : memref<1x112x128xf32, #tpu.memory_space<vmem>> -> memref<112x128xf32, #tpu.memory_space<vmem>>
      %dma_wait3A_200 = tpu.memref_slice %arg7[%dma_wait3A_194, %add3A_110] : memref<11x3136xi32, #tpu.memory_space<vmem>> -> memref<1x112xi32, #tpu.memory_space<vmem>>
      %dma_wait3A_201 = tpu.memref_squeeze %dma_wait3A_200 : memref<1x112xi32, #tpu.memory_space<vmem>> -> memref<112xi32, #tpu.memory_space<vmem>>
      %dma_wait3A_202 = arith.constant 0 : i32
      %dma_wait3A_203 = arith.constant 0 : i32
      %dma_wait3A_204 = tpu.memref_slice %arg2[%dma_wait3A_202, %dma_wait3A_203] : memref<100000x128xf32, #tpu.memory_space<hbm>> -> memref<100000x128xf32, #tpu.memory_space<hbm>>
      tpu.wait_indirect_dma semaphore(%arg12 : memref<!tpu.dma_semaphore, #tpu.memory_space<semaphore_mem>>) src(%dma_wait3A_204 : memref<100000x128xf32, #tpu.memory_space<hbm>>) dst(%dma_wait3A_199 : memref<112x128xf32, #tpu.memory_space<vmem>>)
      %add3A_205 = arith.constant 0 : i32
      %add3A_206 = arith.addi %add3A, %add3A_205 : i32
      %dma_start3A_207 = arith.constant 3 : i32
      %dma_start3A_208 = arith.constant 0 : i32
      %dma_start3A_209 = arith.constant 0 : i32
      %dma_start3A_210 = arith.constant 0 : i32
      %dma_start3A_211 = tpu.memref_slice %arg9[%dma_start3A_208, %dma_start3A_209, %dma_start3A_210] : memref<4x112x128xf32, #tpu.memory_space<vmem>> -> memref<1x112x128xf32, #tpu.memory_space<vmem>>
      %dma_start3A_212 = tpu.memref_squeeze %dma_start3A_211 : memref<1x112x128xf32, #tpu.memory_space<vmem>> -> memref<112x128xf32, #tpu.memory_space<vmem>>
      %dma_start3A_213 = tpu.memref_slice %arg7[%dma_start3A_207, %add3A_206] : memref<11x3136xi32, #tpu.memory_space<vmem>> -> memref<1x112xi32, #tpu.memory_space<vmem>>
      %dma_start3A_214 = tpu.memref_squeeze %dma_start3A_213 : memref<1x112xi32, #tpu.memory_space<vmem>> -> memref<112xi32, #tpu.memory_space<vmem>>
      %dma_start3A_215 = arith.constant 0 : i32
      %dma_start3A_216 = arith.constant 0 : i32
      %dma_start3A_217 = tpu.memref_slice %arg2[%dma_start3A_215, %dma_start3A_216] : memref<100000x128xf32, #tpu.memory_space<hbm>> -> memref<100000x128xf32, #tpu.memory_space<hbm>>
      tpu.enqueue_indirect_dma source(%dma_start3A_217 : memref<100000x128xf32, #tpu.memory_space<hbm>>) target(%dma_start3A_212 : memref<112x128xf32, #tpu.memory_space<vmem>>) offsets(%dma_start3A_214 : memref<112xi32, #tpu.memory_space<vmem>>) semaphore(%arg12 : memref<!tpu.dma_semaphore, #tpu.memory_space<semaphore_mem>>) {add = true}
      %dma_wait3A_218 = arith.constant 7 : i32
      %dma_wait3A_219 = arith.constant 1 : i32
      %dma_wait3A_220 = arith.constant 0 : i32
      %dma_wait3A_221 = arith.constant 0 : i32
      %dma_wait3A_222 = tpu.memref_slice %arg9[%dma_wait3A_219, %dma_wait3A_220, %dma_wait3A_221] : memref<4x112x128xf32, #tpu.memory_space<vmem>> -> memref<1x112x128xf32, #tpu.memory_space<vmem>>
      %dma_wait3A_223 = tpu.memref_squeeze %dma_wait3A_222 : memref<1x112x128xf32, #tpu.memory_space<vmem>> -> memref<112x128xf32, #tpu.memory_space<vmem>>
      %dma_wait3A_224 = tpu.memref_slice %arg7[%dma_wait3A_218, %add3A_134] : memref<11x3136xi32, #tpu.memory_space<vmem>> -> memref<1x112xi32, #tpu.memory_space<vmem>>
      %dma_wait3A_225 = tpu.memref_squeeze %dma_wait3A_224 : memref<1x112xi32, #tpu.memory_space<vmem>> -> memref<112xi32, #tpu.memory_space<vmem>>
      %dma_wait3A_226 = arith.constant 0 : i32
      %dma_wait3A_227 = arith.constant 0 : i32
      %dma_wait3A_228 = tpu.memref_slice %arg2[%dma_wait3A_226, %dma_wait3A_227] : memref<100000x128xf32, #tpu.memory_space<hbm>> -> memref<100000x128xf32, #tpu.memory_space<hbm>>
      tpu.wait_indirect_dma semaphore(%arg13 : memref<!tpu.dma_semaphore, #tpu.memory_space<semaphore_mem>>) src(%dma_wait3A_228 : memref<100000x128xf32, #tpu.memory_space<hbm>>) dst(%dma_wait3A_223 : memref<112x128xf32, #tpu.memory_space<vmem>>)
      %add3A_229 = arith.constant 0 : i32
      %add3A_230 = arith.addi %add3A, %add3A_229 : i32
      %dma_start3A_231 = arith.constant 8 : i32
      %dma_start3A_232 = arith.constant 1 : i32
      %dma_start3A_233 = arith.constant 0 : i32
      %dma_start3A_234 = arith.constant 0 : i32
      %dma_start3A_235 = tpu.memref_slice %arg9[%dma_start3A_232, %dma_start3A_233, %dma_start3A_234] : memref<4x112x128xf32, #tpu.memory_space<vmem>> -> memref<1x112x128xf32, #tpu.memory_space<vmem>>
      %dma_start3A_236 = tpu.memref_squeeze %dma_start3A_235 : memref<1x112x128xf32, #tpu.memory_space<vmem>> -> memref<112x128xf32, #tpu.memory_space<vmem>>
      %dma_start3A_237 = tpu.memref_slice %arg7[%dma_start3A_231, %add3A_230] : memref<11x3136xi32, #tpu.memory_space<vmem>> -> memref<1x112xi32, #tpu.memory_space<vmem>>
      %dma_start3A_238 = tpu.memref_squeeze %dma_start3A_237 : memref<1x112xi32, #tpu.memory_space<vmem>> -> memref<112xi32, #tpu.memory_space<vmem>>
      %dma_start3A_239 = arith.constant 0 : i32
      %dma_start3A_240 = arith.constant 0 : i32
      %dma_start3A_241 = tpu.memref_slice %arg2[%dma_start3A_239, %dma_start3A_240] : memref<100000x128xf32, #tpu.memory_space<hbm>> -> memref<100000x128xf32, #tpu.memory_space<hbm>>
      tpu.enqueue_indirect_dma source(%dma_start3A_241 : memref<100000x128xf32, #tpu.memory_space<hbm>>) target(%dma_start3A_236 : memref<112x128xf32, #tpu.memory_space<vmem>>) offsets(%dma_start3A_238 : memref<112xi32, #tpu.memory_space<vmem>>) semaphore(%arg13 : memref<!tpu.dma_semaphore, #tpu.memory_space<semaphore_mem>>) {add = true}
      %dma_wait3A_242 = arith.constant 2 : i32
      %dma_wait3A_243 = arith.constant 2 : i32
      %dma_wait3A_244 = arith.constant 0 : i32
      %dma_wait3A_245 = arith.constant 0 : i32
      %dma_wait3A_246 = tpu.memref_slice %arg9[%dma_wait3A_243, %dma_wait3A_244, %dma_wait3A_245] : memref<4x112x128xf32, #tpu.memory_space<vmem>> -> memref<1x112x128xf32, #tpu.memory_space<vmem>>
      %dma_wait3A_247 = tpu.memref_squeeze %dma_wait3A_246 : memref<1x112x128xf32, #tpu.memory_space<vmem>> -> memref<112x128xf32, #tpu.memory_space<vmem>>
      %dma_wait3A_248 = tpu.memref_slice %arg7[%dma_wait3A_242, %add3A_158] : memref<11x3136xi32, #tpu.memory_space<vmem>> -> memref<1x112xi32, #tpu.memory_space<vmem>>
      %dma_wait3A_249 = tpu.memref_squeeze %dma_wait3A_248 : memref<1x112xi32, #tpu.memory_space<vmem>> -> memref<112xi32, #tpu.memory_space<vmem>>
      %dma_wait3A_250 = arith.constant 0 : i32
      %dma_wait3A_251 = arith.constant 0 : i32
      %dma_wait3A_252 = tpu.memref_slice %arg2[%dma_wait3A_250, %dma_wait3A_251] : memref<100000x128xf32, #tpu.memory_space<hbm>> -> memref<100000x128xf32, #tpu.memory_space<hbm>>
      tpu.wait_indirect_dma semaphore(%arg14 : memref<!tpu.dma_semaphore, #tpu.memory_space<semaphore_mem>>) src(%dma_wait3A_252 : memref<100000x128xf32, #tpu.memory_space<hbm>>) dst(%dma_wait3A_247 : memref<112x128xf32, #tpu.memory_space<vmem>>)
      %add3A_253 = arith.constant 112 : i32
      %add3A_254 = arith.addi %add3A, %add3A_253 : i32
      %dma_start3A_255 = arith.constant 3 : i32
      %dma_start3A_256 = arith.constant 2 : i32
      %dma_start3A_257 = arith.constant 0 : i32
      %dma_start3A_258 = arith.constant 0 : i32
      %dma_start3A_259 = tpu.memref_slice %arg9[%dma_start3A_256, %dma_start3A_257, %dma_start3A_258] : memref<4x112x128xf32, #tpu.memory_space<vmem>> -> memref<1x112x128xf32, #tpu.memory_space<vmem>>
      %dma_start3A_260 = tpu.memref_squeeze %dma_start3A_259 : memref<1x112x128xf32, #tpu.memory_space<vmem>> -> memref<112x128xf32, #tpu.memory_space<vmem>>
      %dma_start3A_261 = tpu.memref_slice %arg7[%dma_start3A_255, %add3A_254] : memref<11x3136xi32, #tpu.memory_space<vmem>> -> memref<1x112xi32, #tpu.memory_space<vmem>>
      %dma_start3A_262 = tpu.memref_squeeze %dma_start3A_261 : memref<1x112xi32, #tpu.memory_space<vmem>> -> memref<112xi32, #tpu.memory_space<vmem>>
      %dma_start3A_263 = arith.constant 0 : i32
      %dma_start3A_264 = arith.constant 0 : i32
      %dma_start3A_265 = tpu.memref_slice %arg2[%dma_start3A_263, %dma_start3A_264] : memref<100000x128xf32, #tpu.memory_space<hbm>> -> memref<100000x128xf32, #tpu.memory_space<hbm>>
      tpu.enqueue_indirect_dma source(%dma_start3A_265 : memref<100000x128xf32, #tpu.memory_space<hbm>>) target(%dma_start3A_260 : memref<112x128xf32, #tpu.memory_space<vmem>>) offsets(%dma_start3A_262 : memref<112xi32, #tpu.memory_space<vmem>>) semaphore(%arg14 : memref<!tpu.dma_semaphore, #tpu.memory_space<semaphore_mem>>) {add = true}
      %dma_wait3A_266 = arith.constant 7 : i32
      %dma_wait3A_267 = arith.constant 3 : i32
      %dma_wait3A_268 = arith.constant 0 : i32
      %dma_wait3A_269 = arith.constant 0 : i32
      %dma_wait3A_270 = tpu.memref_slice %arg9[%dma_wait3A_267, %dma_wait3A_268, %dma_wait3A_269] : memref<4x112x128xf32, #tpu.memory_space<vmem>> -> memref<1x112x128xf32, #tpu.memory_space<vmem>>
      %dma_wait3A_271 = tpu.memref_squeeze %dma_wait3A_270 : memref<1x112x128xf32, #tpu.memory_space<vmem>> -> memref<112x128xf32, #tpu.memory_space<vmem>>
      %dma_wait3A_272 = tpu.memref_slice %arg7[%dma_wait3A_266, %add3A_182] : memref<11x3136xi32, #tpu.memory_space<vmem>> -> memref<1x112xi32, #tpu.memory_space<vmem>>
      %dma_wait3A_273 = tpu.memref_squeeze %dma_wait3A_272 : memref<1x112xi32, #tpu.memory_space<vmem>> -> memref<112xi32, #tpu.memory_space<vmem>>
      %dma_wait3A_274 = arith.constant 0 : i32
      %dma_wait3A_275 = arith.constant 0 : i32
      %dma_wait3A_276 = tpu.memref_slice %arg2[%dma_wait3A_274, %dma_wait3A_275] : memref<100000x128xf32, #tpu.memory_space<hbm>> -> memref<100000x128xf32, #tpu.memory_space<hbm>>
      tpu.wait_indirect_dma semaphore(%arg15 : memref<!tpu.dma_semaphore, #tpu.memory_space<semaphore_mem>>) src(%dma_wait3A_276 : memref<100000x128xf32, #tpu.memory_space<hbm>>) dst(%dma_wait3A_271 : memref<112x128xf32, #tpu.memory_space<vmem>>)
      %add3A_277 = arith.constant 112 : i32
      %add3A_278 = arith.addi %add3A, %add3A_277 : i32
      %dma_start3A_279 = arith.constant 8 : i32
      %dma_start3A_280 = arith.constant 3 : i32
      %dma_start3A_281 = arith.constant 0 : i32
      %dma_start3A_282 = arith.constant 0 : i32
      %dma_start3A_283 = tpu.memref_slice %arg9[%dma_start3A_280, %dma_start3A_281, %dma_start3A_282] : memref<4x112x128xf32, #tpu.memory_space<vmem>> -> memref<1x112x128xf32, #tpu.memory_space<vmem>>
      %dma_start3A_284 = tpu.memref_squeeze %dma_start3A_283 : memref<1x112x128xf32, #tpu.memory_space<vmem>> -> memref<112x128xf32, #tpu.memory_space<vmem>>
      %dma_start3A_285 = tpu.memref_slice %arg7[%dma_start3A_279, %add3A_278] : memref<11x3136xi32, #tpu.memory_space<vmem>> -> memref<1x112xi32, #tpu.memory_space<vmem>>
      %dma_start3A_286 = tpu.memref_squeeze %dma_start3A_285 : memref<1x112xi32, #tpu.memory_space<vmem>> -> memref<112xi32, #tpu.memory_space<vmem>>
      %dma_start3A_287 = arith.constant 0 : i32
      %dma_start3A_288 = arith.constant 0 : i32
      %dma_start3A_289 = tpu.memref_slice %arg2[%dma_start3A_287, %dma_start3A_288] : memref<100000x128xf32, #tpu.memory_space<hbm>> -> memref<100000x128xf32, #tpu.memory_space<hbm>>
      tpu.enqueue_indirect_dma source(%dma_start3A_289 : memref<100000x128xf32, #tpu.memory_space<hbm>>) target(%dma_start3A_284 : memref<112x128xf32, #tpu.memory_space<vmem>>) offsets(%dma_start3A_286 : memref<112xi32, #tpu.memory_space<vmem>>) semaphore(%arg15 : memref<!tpu.dma_semaphore, #tpu.memory_space<semaphore_mem>>) {add = true}
      %dma_wait3A_290 = arith.constant 3 : i32
      %dma_wait3A_291 = arith.constant 0 : i32
      %dma_wait3A_292 = arith.constant 0 : i32
      %dma_wait3A_293 = arith.constant 0 : i32
      %dma_wait3A_294 = tpu.memref_slice %arg9[%dma_wait3A_291, %dma_wait3A_292, %dma_wait3A_293] : memref<4x112x128xf32, #tpu.memory_space<vmem>> -> memref<1x112x128xf32, #tpu.memory_space<vmem>>
      %dma_wait3A_295 = tpu.memref_squeeze %dma_wait3A_294 : memref<1x112x128xf32, #tpu.memory_space<vmem>> -> memref<112x128xf32, #tpu.memory_space<vmem>>
      %dma_wait3A_296 = tpu.memref_slice %arg7[%dma_wait3A_290, %add3A_206] : memref<11x3136xi32, #tpu.memory_space<vmem>> -> memref<1x112xi32, #tpu.memory_space<vmem>>
      %dma_wait3A_297 = tpu.memref_squeeze %dma_wait3A_296 : memref<1x112xi32, #tpu.memory_space<vmem>> -> memref<112xi32, #tpu.memory_space<vmem>>
      %dma_wait3A_298 = arith.constant 0 : i32
      %dma_wait3A_299 = arith.constant 0 : i32
      %dma_wait3A_300 = tpu.memref_slice %arg2[%dma_wait3A_298, %dma_wait3A_299] : memref<100000x128xf32, #tpu.memory_space<hbm>> -> memref<100000x128xf32, #tpu.memory_space<hbm>>
      tpu.wait_indirect_dma semaphore(%arg12 : memref<!tpu.dma_semaphore, #tpu.memory_space<semaphore_mem>>) src(%dma_wait3A_300 : memref<100000x128xf32, #tpu.memory_space<hbm>>) dst(%dma_wait3A_295 : memref<112x128xf32, #tpu.memory_space<vmem>>)
      %add3A_301 = arith.constant 0 : i32
      %add3A_302 = arith.addi %add3A, %add3A_301 : i32
      %dma_start3A_303 = arith.constant 4 : i32
      %dma_start3A_304 = arith.constant 0 : i32
      %dma_start3A_305 = arith.constant 0 : i32
      %dma_start3A_306 = arith.constant 0 : i32
      %dma_start3A_307 = tpu.memref_slice %arg9[%dma_start3A_304, %dma_start3A_305, %dma_start3A_306] : memref<4x112x128xf32, #tpu.memory_space<vmem>> -> memref<1x112x128xf32, #tpu.memory_space<vmem>>
      %dma_start3A_308 = tpu.memref_squeeze %dma_start3A_307 : memref<1x112x128xf32, #tpu.memory_space<vmem>> -> memref<112x128xf32, #tpu.memory_space<vmem>>
      %dma_start3A_309 = tpu.memref_slice %arg7[%dma_start3A_303, %add3A_302] : memref<11x3136xi32, #tpu.memory_space<vmem>> -> memref<1x112xi32, #tpu.memory_space<vmem>>
      %dma_start3A_310 = tpu.memref_squeeze %dma_start3A_309 : memref<1x112xi32, #tpu.memory_space<vmem>> -> memref<112xi32, #tpu.memory_space<vmem>>
      %dma_start3A_311 = arith.constant 0 : i32
      %dma_start3A_312 = arith.constant 0 : i32
      %dma_start3A_313 = tpu.memref_slice %arg2[%dma_start3A_311, %dma_start3A_312] : memref<100000x128xf32, #tpu.memory_space<hbm>> -> memref<100000x128xf32, #tpu.memory_space<hbm>>
      tpu.enqueue_indirect_dma source(%dma_start3A_313 : memref<100000x128xf32, #tpu.memory_space<hbm>>) target(%dma_start3A_308 : memref<112x128xf32, #tpu.memory_space<vmem>>) offsets(%dma_start3A_310 : memref<112xi32, #tpu.memory_space<vmem>>) semaphore(%arg12 : memref<!tpu.dma_semaphore, #tpu.memory_space<semaphore_mem>>) {add = true}
      %dma_wait3A_314 = arith.constant 8 : i32
      %dma_wait3A_315 = arith.constant 1 : i32
      %dma_wait3A_316 = arith.constant 0 : i32
      %dma_wait3A_317 = arith.constant 0 : i32
      %dma_wait3A_318 = tpu.memref_slice %arg9[%dma_wait3A_315, %dma_wait3A_316, %dma_wait3A_317] : memref<4x112x128xf32, #tpu.memory_space<vmem>> -> memref<1x112x128xf32, #tpu.memory_space<vmem>>
      %dma_wait3A_319 = tpu.memref_squeeze %dma_wait3A_318 : memref<1x112x128xf32, #tpu.memory_space<vmem>> -> memref<112x128xf32, #tpu.memory_space<vmem>>
      %dma_wait3A_320 = tpu.memref_slice %arg7[%dma_wait3A_314, %add3A_230] : memref<11x3136xi32, #tpu.memory_space<vmem>> -> memref<1x112xi32, #tpu.memory_space<vmem>>
      %dma_wait3A_321 = tpu.memref_squeeze %dma_wait3A_320 : memref<1x112xi32, #tpu.memory_space<vmem>> -> memref<112xi32, #tpu.memory_space<vmem>>
      %dma_wait3A_322 = arith.constant 0 : i32
      %dma_wait3A_323 = arith.constant 0 : i32
      %dma_wait3A_324 = tpu.memref_slice %arg2[%dma_wait3A_322, %dma_wait3A_323] : memref<100000x128xf32, #tpu.memory_space<hbm>> -> memref<100000x128xf32, #tpu.memory_space<hbm>>
      tpu.wait_indirect_dma semaphore(%arg13 : memref<!tpu.dma_semaphore, #tpu.memory_space<semaphore_mem>>) src(%dma_wait3A_324 : memref<100000x128xf32, #tpu.memory_space<hbm>>) dst(%dma_wait3A_319 : memref<112x128xf32, #tpu.memory_space<vmem>>)
      %add3A_325 = arith.constant 0 : i32
      %add3A_326 = arith.addi %add3A, %add3A_325 : i32
      %dma_start3A_327 = arith.constant 9 : i32
      %dma_start3A_328 = arith.constant 1 : i32
      %dma_start3A_329 = arith.constant 0 : i32
      %dma_start3A_330 = arith.constant 0 : i32
      %dma_start3A_331 = tpu.memref_slice %arg9[%dma_start3A_328, %dma_start3A_329, %dma_start3A_330] : memref<4x112x128xf32, #tpu.memory_space<vmem>> -> memref<1x112x128xf32, #tpu.memory_space<vmem>>
      %dma_start3A_332 = tpu.memref_squeeze %dma_start3A_331 : memref<1x112x128xf32, #tpu.memory_space<vmem>> -> memref<112x128xf32, #tpu.memory_space<vmem>>
      %dma_start3A_333 = tpu.memref_slice %arg7[%dma_start3A_327, %add3A_326] : memref<11x3136xi32, #tpu.memory_space<vmem>> -> memref<1x112xi32, #tpu.memory_space<vmem>>
      %dma_start3A_334 = tpu.memref_squeeze %dma_start3A_333 : memref<1x112xi32, #tpu.memory_space<vmem>> -> memref<112xi32, #tpu.memory_space<vmem>>
      %dma_start3A_335 = arith.constant 0 : i32
      %dma_start3A_336 = arith.constant 0 : i32
      %dma_start3A_337 = tpu.memref_slice %arg2[%dma_start3A_335, %dma_start3A_336] : memref<100000x128xf32, #tpu.memory_space<hbm>> -> memref<100000x128xf32, #tpu.memory_space<hbm>>
      tpu.enqueue_indirect_dma source(%dma_start3A_337 : memref<100000x128xf32, #tpu.memory_space<hbm>>) target(%dma_start3A_332 : memref<112x128xf32, #tpu.memory_space<vmem>>) offsets(%dma_start3A_334 : memref<112xi32, #tpu.memory_space<vmem>>) semaphore(%arg13 : memref<!tpu.dma_semaphore, #tpu.memory_space<semaphore_mem>>) {add = true}
      %dma_wait3A_338 = arith.constant 3 : i32
      %dma_wait3A_339 = arith.constant 2 : i32
      %dma_wait3A_340 = arith.constant 0 : i32
      %dma_wait3A_341 = arith.constant 0 : i32
      %dma_wait3A_342 = tpu.memref_slice %arg9[%dma_wait3A_339, %dma_wait3A_340, %dma_wait3A_341] : memref<4x112x128xf32, #tpu.memory_space<vmem>> -> memref<1x112x128xf32, #tpu.memory_space<vmem>>
      %dma_wait3A_343 = tpu.memref_squeeze %dma_wait3A_342 : memref<1x112x128xf32, #tpu.memory_space<vmem>> -> memref<112x128xf32, #tpu.memory_space<vmem>>
      %dma_wait3A_344 = tpu.memref_slice %arg7[%dma_wait3A_338, %add3A_254] : memref<11x3136xi32, #tpu.memory_space<vmem>> -> memref<1x112xi32, #tpu.memory_space<vmem>>
      %dma_wait3A_345 = tpu.memref_squeeze %dma_wait3A_344 : memref<1x112xi32, #tpu.memory_space<vmem>> -> memref<112xi32, #tpu.memory_space<vmem>>
      %dma_wait3A_346 = arith.constant 0 : i32
      %dma_wait3A_347 = arith.constant 0 : i32
      %dma_wait3A_348 = tpu.memref_slice %arg2[%dma_wait3A_346, %dma_wait3A_347] : memref<100000x128xf32, #tpu.memory_space<hbm>> -> memref<100000x128xf32, #tpu.memory_space<hbm>>
      tpu.wait_indirect_dma semaphore(%arg14 : memref<!tpu.dma_semaphore, #tpu.memory_space<semaphore_mem>>) src(%dma_wait3A_348 : memref<100000x128xf32, #tpu.memory_space<hbm>>) dst(%dma_wait3A_343 : memref<112x128xf32, #tpu.memory_space<vmem>>)
      %add3A_349 = arith.constant 112 : i32
      %add3A_350 = arith.addi %add3A, %add3A_349 : i32
      %dma_start3A_351 = arith.constant 4 : i32
      %dma_start3A_352 = arith.constant 2 : i32
      %dma_start3A_353 = arith.constant 0 : i32
      %dma_start3A_354 = arith.constant 0 : i32
      %dma_start3A_355 = tpu.memref_slice %arg9[%dma_start3A_352, %dma_start3A_353, %dma_start3A_354] : memref<4x112x128xf32, #tpu.memory_space<vmem>> -> memref<1x112x128xf32, #tpu.memory_space<vmem>>
      %dma_start3A_356 = tpu.memref_squeeze %dma_start3A_355 : memref<1x112x128xf32, #tpu.memory_space<vmem>> -> memref<112x128xf32, #tpu.memory_space<vmem>>
      %dma_start3A_357 = tpu.memref_slice %arg7[%dma_start3A_351, %add3A_350] : memref<11x3136xi32, #tpu.memory_space<vmem>> -> memref<1x112xi32, #tpu.memory_space<vmem>>
      %dma_start3A_358 = tpu.memref_squeeze %dma_start3A_357 : memref<1x112xi32, #tpu.memory_space<vmem>> -> memref<112xi32, #tpu.memory_space<vmem>>
      %dma_start3A_359 = arith.constant 0 : i32
      %dma_start3A_360 = arith.constant 0 : i32
      %dma_start3A_361 = tpu.memref_slice %arg2[%dma_start3A_359, %dma_start3A_360] : memref<100000x128xf32, #tpu.memory_space<hbm>> -> memref<100000x128xf32, #tpu.memory_space<hbm>>
      tpu.enqueue_indirect_dma source(%dma_start3A_361 : memref<100000x128xf32, #tpu.memory_space<hbm>>) target(%dma_start3A_356 : memref<112x128xf32, #tpu.memory_space<vmem>>) offsets(%dma_start3A_358 : memref<112xi32, #tpu.memory_space<vmem>>) semaphore(%arg14 : memref<!tpu.dma_semaphore, #tpu.memory_space<semaphore_mem>>) {add = true}
      %dma_wait3A_362 = arith.constant 8 : i32
      %dma_wait3A_363 = arith.constant 3 : i32
      %dma_wait3A_364 = arith.constant 0 : i32
      %dma_wait3A_365 = arith.constant 0 : i32
      %dma_wait3A_366 = tpu.memref_slice %arg9[%dma_wait3A_363, %dma_wait3A_364, %dma_wait3A_365] : memref<4x112x128xf32, #tpu.memory_space<vmem>> -> memref<1x112x128xf32, #tpu.memory_space<vmem>>
      %dma_wait3A_367 = tpu.memref_squeeze %dma_wait3A_366 : memref<1x112x128xf32, #tpu.memory_space<vmem>> -> memref<112x128xf32, #tpu.memory_space<vmem>>
      %dma_wait3A_368 = tpu.memref_slice %arg7[%dma_wait3A_362, %add3A_278] : memref<11x3136xi32, #tpu.memory_space<vmem>> -> memref<1x112xi32, #tpu.memory_space<vmem>>
      %dma_wait3A_369 = tpu.memref_squeeze %dma_wait3A_368 : memref<1x112xi32, #tpu.memory_space<vmem>> -> memref<112xi32, #tpu.memory_space<vmem>>
      %dma_wait3A_370 = arith.constant 0 : i32
      %dma_wait3A_371 = arith.constant 0 : i32
      %dma_wait3A_372 = tpu.memref_slice %arg2[%dma_wait3A_370, %dma_wait3A_371] : memref<100000x128xf32, #tpu.memory_space<hbm>> -> memref<100000x128xf32, #tpu.memory_space<hbm>>
      tpu.wait_indirect_dma semaphore(%arg15 : memref<!tpu.dma_semaphore, #tpu.memory_space<semaphore_mem>>) src(%dma_wait3A_372 : memref<100000x128xf32, #tpu.memory_space<hbm>>) dst(%dma_wait3A_367 : memref<112x128xf32, #tpu.memory_space<vmem>>)
      %add3A_373 = arith.constant 112 : i32
      %add3A_374 = arith.addi %add3A, %add3A_373 : i32
      %dma_start3A_375 = arith.constant 9 : i32
      %dma_start3A_376 = arith.constant 3 : i32
      %dma_start3A_377 = arith.constant 0 : i32
      %dma_start3A_378 = arith.constant 0 : i32
      %dma_start3A_379 = tpu.memref_slice %arg9[%dma_start3A_376, %dma_start3A_377, %dma_start3A_378] : memref<4x112x128xf32, #tpu.memory_space<vmem>> -> memref<1x112x128xf32, #tpu.memory_space<vmem>>
      %dma_start3A_380 = tpu.memref_squeeze %dma_start3A_379 : memref<1x112x128xf32, #tpu.memory_space<vmem>> -> memref<112x128xf32, #tpu.memory_space<vmem>>
      %dma_start3A_381 = tpu.memref_slice %arg7[%dma_start3A_375, %add3A_374] : memref<11x3136xi32, #tpu.memory_space<vmem>> -> memref<1x112xi32, #tpu.memory_space<vmem>>
      %dma_start3A_382 = tpu.memref_squeeze %dma_start3A_381 : memref<1x112xi32, #tpu.memory_space<vmem>> -> memref<112xi32, #tpu.memory_space<vmem>>
      %dma_start3A_383 = arith.constant 0 : i32
      %dma_start3A_384 = arith.constant 0 : i32
      %dma_start3A_385 = tpu.memref_slice %arg2[%dma_start3A_383, %dma_start3A_384] : memref<100000x128xf32, #tpu.memory_space<hbm>> -> memref<100000x128xf32, #tpu.memory_space<hbm>>
      tpu.enqueue_indirect_dma source(%dma_start3A_385 : memref<100000x128xf32, #tpu.memory_space<hbm>>) target(%dma_start3A_380 : memref<112x128xf32, #tpu.memory_space<vmem>>) offsets(%dma_start3A_382 : memref<112xi32, #tpu.memory_space<vmem>>) semaphore(%arg15 : memref<!tpu.dma_semaphore, #tpu.memory_space<semaphore_mem>>) {add = true}
      %dma_wait3A_386 = arith.constant 4 : i32
      %dma_wait3A_387 = arith.constant 0 : i32
      %dma_wait3A_388 = arith.constant 0 : i32
      %dma_wait3A_389 = arith.constant 0 : i32
      %dma_wait3A_390 = tpu.memref_slice %arg9[%dma_wait3A_387, %dma_wait3A_388, %dma_wait3A_389] : memref<4x112x128xf32, #tpu.memory_space<vmem>> -> memref<1x112x128xf32, #tpu.memory_space<vmem>>
      %dma_wait3A_391 = tpu.memref_squeeze %dma_wait3A_390 : memref<1x112x128xf32, #tpu.memory_space<vmem>> -> memref<112x128xf32, #tpu.memory_space<vmem>>
      %dma_wait3A_392 = tpu.memref_slice %arg7[%dma_wait3A_386, %add3A_302] : memref<11x3136xi32, #tpu.memory_space<vmem>> -> memref<1x112xi32, #tpu.memory_space<vmem>>
      %dma_wait3A_393 = tpu.memref_squeeze %dma_wait3A_392 : memref<1x112xi32, #tpu.memory_space<vmem>> -> memref<112xi32, #tpu.memory_space<vmem>>
      %dma_wait3A_394 = arith.constant 0 : i32
      %dma_wait3A_395 = arith.constant 0 : i32
      %dma_wait3A_396 = tpu.memref_slice %arg2[%dma_wait3A_394, %dma_wait3A_395] : memref<100000x128xf32, #tpu.memory_space<hbm>> -> memref<100000x128xf32, #tpu.memory_space<hbm>>
      tpu.wait_indirect_dma semaphore(%arg12 : memref<!tpu.dma_semaphore, #tpu.memory_space<semaphore_mem>>) src(%dma_wait3A_396 : memref<100000x128xf32, #tpu.memory_space<hbm>>) dst(%dma_wait3A_391 : memref<112x128xf32, #tpu.memory_space<vmem>>)
      %add3A_397 = arith.constant 0 : i32
      %add3A_398 = arith.addi %add3A, %add3A_397 : i32
      %dma_start3A_399 = arith.constant 5 : i32
      %dma_start3A_400 = arith.constant 0 : i32
      %dma_start3A_401 = arith.constant 0 : i32
      %dma_start3A_402 = arith.constant 0 : i32
      %dma_start3A_403 = tpu.memref_slice %arg9[%dma_start3A_400, %dma_start3A_401, %dma_start3A_402] : memref<4x112x128xf32, #tpu.memory_space<vmem>> -> memref<1x112x128xf32, #tpu.memory_space<vmem>>
      %dma_start3A_404 = tpu.memref_squeeze %dma_start3A_403 : memref<1x112x128xf32, #tpu.memory_space<vmem>> -> memref<112x128xf32, #tpu.memory_space<vmem>>
      %dma_start3A_405 = tpu.memref_slice %arg7[%dma_start3A_399, %add3A_398] : memref<11x3136xi32, #tpu.memory_space<vmem>> -> memref<1x112xi32, #tpu.memory_space<vmem>>
      %dma_start3A_406 = tpu.memref_squeeze %dma_start3A_405 : memref<1x112xi32, #tpu.memory_space<vmem>> -> memref<112xi32, #tpu.memory_space<vmem>>
      %dma_start3A_407 = arith.constant 0 : i32
      %dma_start3A_408 = arith.constant 0 : i32
      %dma_start3A_409 = tpu.memref_slice %arg2[%dma_start3A_407, %dma_start3A_408] : memref<100000x128xf32, #tpu.memory_space<hbm>> -> memref<100000x128xf32, #tpu.memory_space<hbm>>
      tpu.enqueue_indirect_dma source(%dma_start3A_409 : memref<100000x128xf32, #tpu.memory_space<hbm>>) target(%dma_start3A_404 : memref<112x128xf32, #tpu.memory_space<vmem>>) offsets(%dma_start3A_406 : memref<112xi32, #tpu.memory_space<vmem>>) semaphore(%arg12 : memref<!tpu.dma_semaphore, #tpu.memory_space<semaphore_mem>>) {add = true}
      %dma_wait3A_410 = arith.constant 9 : i32
      %dma_wait3A_411 = arith.constant 1 : i32
      %dma_wait3A_412 = arith.constant 0 : i32
      %dma_wait3A_413 = arith.constant 0 : i32
      %dma_wait3A_414 = tpu.memref_slice %arg9[%dma_wait3A_411, %dma_wait3A_412, %dma_wait3A_413] : memref<4x112x128xf32, #tpu.memory_space<vmem>> -> memref<1x112x128xf32, #tpu.memory_space<vmem>>
      %dma_wait3A_415 = tpu.memref_squeeze %dma_wait3A_414 : memref<1x112x128xf32, #tpu.memory_space<vmem>> -> memref<112x128xf32, #tpu.memory_space<vmem>>
      %dma_wait3A_416 = tpu.memref_slice %arg7[%dma_wait3A_410, %add3A_326] : memref<11x3136xi32, #tpu.memory_space<vmem>> -> memref<1x112xi32, #tpu.memory_space<vmem>>
      %dma_wait3A_417 = tpu.memref_squeeze %dma_wait3A_416 : memref<1x112xi32, #tpu.memory_space<vmem>> -> memref<112xi32, #tpu.memory_space<vmem>>
      %dma_wait3A_418 = arith.constant 0 : i32
      %dma_wait3A_419 = arith.constant 0 : i32
      %dma_wait3A_420 = tpu.memref_slice %arg2[%dma_wait3A_418, %dma_wait3A_419] : memref<100000x128xf32, #tpu.memory_space<hbm>> -> memref<100000x128xf32, #tpu.memory_space<hbm>>
      tpu.wait_indirect_dma semaphore(%arg13 : memref<!tpu.dma_semaphore, #tpu.memory_space<semaphore_mem>>) src(%dma_wait3A_420 : memref<100000x128xf32, #tpu.memory_space<hbm>>) dst(%dma_wait3A_415 : memref<112x128xf32, #tpu.memory_space<vmem>>)
      %add3A_421 = arith.constant 0 : i32
      %add3A_422 = arith.addi %add3A, %add3A_421 : i32
      %dma_start3A_423 = arith.constant 10 : i32
      %dma_start3A_424 = arith.constant 1 : i32
      %dma_start3A_425 = arith.constant 0 : i32
      %dma_start3A_426 = arith.constant 0 : i32
      %dma_start3A_427 = tpu.memref_slice %arg9[%dma_start3A_424, %dma_start3A_425, %dma_start3A_426] : memref<4x112x128xf32, #tpu.memory_space<vmem>> -> memref<1x112x128xf32, #tpu.memory_space<vmem>>
      %dma_start3A_428 = tpu.memref_squeeze %dma_start3A_427 : memref<1x112x128xf32, #tpu.memory_space<vmem>> -> memref<112x128xf32, #tpu.memory_space<vmem>>
      %dma_start3A_429 = tpu.memref_slice %arg7[%dma_start3A_423, %add3A_422] : memref<11x3136xi32, #tpu.memory_space<vmem>> -> memref<1x112xi32, #tpu.memory_space<vmem>>
      %dma_start3A_430 = tpu.memref_squeeze %dma_start3A_429 : memref<1x112xi32, #tpu.memory_space<vmem>> -> memref<112xi32, #tpu.memory_space<vmem>>
      %dma_start3A_431 = arith.constant 0 : i32
      %dma_start3A_432 = arith.constant 0 : i32
      %dma_start3A_433 = tpu.memref_slice %arg2[%dma_start3A_431, %dma_start3A_432] : memref<100000x128xf32, #tpu.memory_space<hbm>> -> memref<100000x128xf32, #tpu.memory_space<hbm>>
      tpu.enqueue_indirect_dma source(%dma_start3A_433 : memref<100000x128xf32, #tpu.memory_space<hbm>>) target(%dma_start3A_428 : memref<112x128xf32, #tpu.memory_space<vmem>>) offsets(%dma_start3A_430 : memref<112xi32, #tpu.memory_space<vmem>>) semaphore(%arg13 : memref<!tpu.dma_semaphore, #tpu.memory_space<semaphore_mem>>) {add = true}
      %dma_wait3A_434 = arith.constant 4 : i32
      %dma_wait3A_435 = arith.constant 2 : i32
      %dma_wait3A_436 = arith.constant 0 : i32
      %dma_wait3A_437 = arith.constant 0 : i32
      %dma_wait3A_438 = tpu.memref_slice %arg9[%dma_wait3A_435, %dma_wait3A_436, %dma_wait3A_437] : memref<4x112x128xf32, #tpu.memory_space<vmem>> -> memref<1x112x128xf32, #tpu.memory_space<vmem>>
      %dma_wait3A_439 = tpu.memref_squeeze %dma_wait3A_438 : memref<1x112x128xf32, #tpu.memory_space<vmem>> -> memref<112x128xf32, #tpu.memory_space<vmem>>
      %dma_wait3A_440 = tpu.memref_slice %arg7[%dma_wait3A_434, %add3A_350] : memref<11x3136xi32, #tpu.memory_space<vmem>> -> memref<1x112xi32, #tpu.memory_space<vmem>>
      %dma_wait3A_441 = tpu.memref_squeeze %dma_wait3A_440 : memref<1x112xi32, #tpu.memory_space<vmem>> -> memref<112xi32, #tpu.memory_space<vmem>>
      %dma_wait3A_442 = arith.constant 0 : i32
      %dma_wait3A_443 = arith.constant 0 : i32
      %dma_wait3A_444 = tpu.memref_slice %arg2[%dma_wait3A_442, %dma_wait3A_443] : memref<100000x128xf32, #tpu.memory_space<hbm>> -> memref<100000x128xf32, #tpu.memory_space<hbm>>
      tpu.wait_indirect_dma semaphore(%arg14 : memref<!tpu.dma_semaphore, #tpu.memory_space<semaphore_mem>>) src(%dma_wait3A_444 : memref<100000x128xf32, #tpu.memory_space<hbm>>) dst(%dma_wait3A_439 : memref<112x128xf32, #tpu.memory_space<vmem>>)
      %add3A_445 = arith.constant 112 : i32
      %add3A_446 = arith.addi %add3A, %add3A_445 : i32
      %dma_start3A_447 = arith.constant 5 : i32
      %dma_start3A_448 = arith.constant 2 : i32
      %dma_start3A_449 = arith.constant 0 : i32
      %dma_start3A_450 = arith.constant 0 : i32
      %dma_start3A_451 = tpu.memref_slice %arg9[%dma_start3A_448, %dma_start3A_449, %dma_start3A_450] : memref<4x112x128xf32, #tpu.memory_space<vmem>> -> memref<1x112x128xf32, #tpu.memory_space<vmem>>
      %dma_start3A_452 = tpu.memref_squeeze %dma_start3A_451 : memref<1x112x128xf32, #tpu.memory_space<vmem>> -> memref<112x128xf32, #tpu.memory_space<vmem>>
      %dma_start3A_453 = tpu.memref_slice %arg7[%dma_start3A_447, %add3A_446] : memref<11x3136xi32, #tpu.memory_space<vmem>> -> memref<1x112xi32, #tpu.memory_space<vmem>>
      %dma_start3A_454 = tpu.memref_squeeze %dma_start3A_453 : memref<1x112xi32, #tpu.memory_space<vmem>> -> memref<112xi32, #tpu.memory_space<vmem>>
      %dma_start3A_455 = arith.constant 0 : i32
      %dma_start3A_456 = arith.constant 0 : i32
      %dma_start3A_457 = tpu.memref_slice %arg2[%dma_start3A_455, %dma_start3A_456] : memref<100000x128xf32, #tpu.memory_space<hbm>> -> memref<100000x128xf32, #tpu.memory_space<hbm>>
      tpu.enqueue_indirect_dma source(%dma_start3A_457 : memref<100000x128xf32, #tpu.memory_space<hbm>>) target(%dma_start3A_452 : memref<112x128xf32, #tpu.memory_space<vmem>>) offsets(%dma_start3A_454 : memref<112xi32, #tpu.memory_space<vmem>>) semaphore(%arg14 : memref<!tpu.dma_semaphore, #tpu.memory_space<semaphore_mem>>) {add = true}
      %dma_wait3A_458 = arith.constant 9 : i32
      %dma_wait3A_459 = arith.constant 3 : i32
      %dma_wait3A_460 = arith.constant 0 : i32
      %dma_wait3A_461 = arith.constant 0 : i32
      %dma_wait3A_462 = tpu.memref_slice %arg9[%dma_wait3A_459, %dma_wait3A_460, %dma_wait3A_461] : memref<4x112x128xf32, #tpu.memory_space<vmem>> -> memref<1x112x128xf32, #tpu.memory_space<vmem>>
      %dma_wait3A_463 = tpu.memref_squeeze %dma_wait3A_462 : memref<1x112x128xf32, #tpu.memory_space<vmem>> -> memref<112x128xf32, #tpu.memory_space<vmem>>
      %dma_wait3A_464 = tpu.memref_slice %arg7[%dma_wait3A_458, %add3A_374] : memref<11x3136xi32, #tpu.memory_space<vmem>> -> memref<1x112xi32, #tpu.memory_space<vmem>>
      %dma_wait3A_465 = tpu.memref_squeeze %dma_wait3A_464 : memref<1x112xi32, #tpu.memory_space<vmem>> -> memref<112xi32, #tpu.memory_space<vmem>>
      %dma_wait3A_466 = arith.constant 0 : i32
      %dma_wait3A_467 = arith.constant 0 : i32
      %dma_wait3A_468 = tpu.memref_slice %arg2[%dma_wait3A_466, %dma_wait3A_467] : memref<100000x128xf32, #tpu.memory_space<hbm>> -> memref<100000x128xf32, #tpu.memory_space<hbm>>
      tpu.wait_indirect_dma semaphore(%arg15 : memref<!tpu.dma_semaphore, #tpu.memory_space<semaphore_mem>>) src(%dma_wait3A_468 : memref<100000x128xf32, #tpu.memory_space<hbm>>) dst(%dma_wait3A_463 : memref<112x128xf32, #tpu.memory_space<vmem>>)
      %add3A_469 = arith.constant 112 : i32
      %add3A_470 = arith.addi %add3A, %add3A_469 : i32
      %dma_start3A_471 = arith.constant 10 : i32
      %dma_start3A_472 = arith.constant 3 : i32
      %dma_start3A_473 = arith.constant 0 : i32
      %dma_start3A_474 = arith.constant 0 : i32
      %dma_start3A_475 = tpu.memref_slice %arg9[%dma_start3A_472, %dma_start3A_473, %dma_start3A_474] : memref<4x112x128xf32, #tpu.memory_space<vmem>> -> memref<1x112x128xf32, #tpu.memory_space<vmem>>
      %dma_start3A_476 = tpu.memref_squeeze %dma_start3A_475 : memref<1x112x128xf32, #tpu.memory_space<vmem>> -> memref<112x128xf32, #tpu.memory_space<vmem>>
      %dma_start3A_477 = tpu.memref_slice %arg7[%dma_start3A_471, %add3A_470] : memref<11x3136xi32, #tpu.memory_space<vmem>> -> memref<1x112xi32, #tpu.memory_space<vmem>>
      %dma_start3A_478 = tpu.memref_squeeze %dma_start3A_477 : memref<1x112xi32, #tpu.memory_space<vmem>> -> memref<112xi32, #tpu.memory_space<vmem>>
      %dma_start3A_479 = arith.constant 0 : i32
      %dma_start3A_480 = arith.constant 0 : i32
      %dma_start3A_481 = tpu.memref_slice %arg2[%dma_start3A_479, %dma_start3A_480] : memref<100000x128xf32, #tpu.memory_space<hbm>> -> memref<100000x128xf32, #tpu.memory_space<hbm>>
      tpu.enqueue_indirect_dma source(%dma_start3A_481 : memref<100000x128xf32, #tpu.memory_space<hbm>>) target(%dma_start3A_476 : memref<112x128xf32, #tpu.memory_space<vmem>>) offsets(%dma_start3A_478 : memref<112xi32, #tpu.memory_space<vmem>>) semaphore(%arg15 : memref<!tpu.dma_semaphore, #tpu.memory_space<semaphore_mem>>) {add = true}
      %dma_wait3A_482 = arith.constant 0 : i32
      %dma_wait3A_483 = arith.constant 0 : i32
      %dma_wait3A_484 = arith.constant 0 : i32
      %dma_wait3A_485 = arith.constant 0 : i32
      %dma_wait3A_486 = tpu.memref_slice %arg8[%dma_wait3A_483, %dma_wait3A_484, %dma_wait3A_485] : memref<2x112x128xf32, #tpu.memory_space<vmem>> -> memref<1x112x128xf32, #tpu.memory_space<vmem>>
      %dma_wait3A_487 = tpu.memref_squeeze %dma_wait3A_486 : memref<1x112x128xf32, #tpu.memory_space<vmem>> -> memref<112x128xf32, #tpu.memory_space<vmem>>
      %dma_wait3A_488 = tpu.memref_slice %arg7[%dma_wait3A_482, %add3A_23] : memref<11x3136xi32, #tpu.memory_space<vmem>> -> memref<1x112xi32, #tpu.memory_space<vmem>>
      %dma_wait3A_489 = tpu.memref_squeeze %dma_wait3A_488 : memref<1x112xi32, #tpu.memory_space<vmem>> -> memref<112xi32, #tpu.memory_space<vmem>>
      %dma_wait3A_490 = arith.constant 0 : i32
      %dma_wait3A_491 = arith.constant 0 : i32
      %dma_wait3A_492 = tpu.memref_slice %arg2[%dma_wait3A_490, %dma_wait3A_491] : memref<100000x128xf32, #tpu.memory_space<hbm>> -> memref<100000x128xf32, #tpu.memory_space<hbm>>
      tpu.wait_indirect_dma semaphore(%arg10 : memref<!tpu.dma_semaphore, #tpu.memory_space<semaphore_mem>>) src(%dma_wait3A_492 : memref<100000x128xf32, #tpu.memory_space<hbm>>) dst(%dma_wait3A_487 : memref<112x128xf32, #tpu.memory_space<vmem>>)
      %add3A_493 = arith.addi %mul3A_7, %add3A : i32
      %add3A_494 = arith.constant 0 : i32
      %add3A_495 = arith.addi %add3A_493, %add3A_494 : i32
      %dma_start3A_496 = arith.constant 0 : i32
      %dma_start3A_497 = arith.constant 0 : i32
      %dma_start3A_498 = arith.constant 0 : i32
      %dma_start3A_499 = tpu.memref_slice %arg8[%dma_start3A_496, %dma_start3A_497, %dma_start3A_498] : memref<2x112x128xf32, #tpu.memory_space<vmem>> -> memref<1x112x128xf32, #tpu.memory_space<vmem>>
      %dma_start3A_500 = tpu.memref_squeeze %dma_start3A_499 : memref<1x112x128xf32, #tpu.memory_space<vmem>> -> memref<112x128xf32, #tpu.memory_space<vmem>>
      %dma_start3A_501 = arith.constant 0 : i32
      %dma_start3A_502 = tpu.memref_slice %arg4[%add3A_495, %dma_start3A_501] : memref<50176x128xf32, #tpu.memory_space<hbm>> -> memref<112x128xf32, #tpu.memory_space<hbm>>
      %dma_start3A_503 = arith.constant 0 : i32
      %dma_start3A_504 = tpu.memref_slice %arg4[%add3A_495, %dma_start3A_503] : memref<50176x128xf32, #tpu.memory_space<hbm>> -> memref<112x128xf32, #tpu.memory_space<hbm>>
      %dma_start3A_505 = arith.constant 0 : i32
      %dma_start3A_506 = arith.constant 0 : i32
      %dma_start3A_507 = tpu.memref_slice %arg8[%dma_start3A_496, %dma_start3A_505, %dma_start3A_506] : memref<2x112x128xf32, #tpu.memory_space<vmem>> -> memref<1x112x128xf32, #tpu.memory_space<vmem>>
      %dma_start3A_508 = tpu.memref_squeeze %dma_start3A_507 : memref<1x112x128xf32, #tpu.memory_space<vmem>> -> memref<112x128xf32, #tpu.memory_space<vmem>>
      tpu.enqueue_dma source(%dma_start3A_508 : memref<112x128xf32, #tpu.memory_space<vmem>>) target(%dma_start3A_504 : memref<112x128xf32, #tpu.memory_space<hbm>>) target_semaphore(%arg11 : memref<!tpu.dma_semaphore, #tpu.memory_space<semaphore_mem>>)
      %dma_wait3A_509 = arith.constant 0 : i32
      %dma_wait3A_510 = arith.constant 1 : i32
      %dma_wait3A_511 = arith.constant 0 : i32
      %dma_wait3A_512 = arith.constant 0 : i32
      %dma_wait3A_513 = tpu.memref_slice %arg8[%dma_wait3A_510, %dma_wait3A_511, %dma_wait3A_512] : memref<2x112x128xf32, #tpu.memory_space<vmem>> -> memref<1x112x128xf32, #tpu.memory_space<vmem>>
      %dma_wait3A_514 = tpu.memref_squeeze %dma_wait3A_513 : memref<1x112x128xf32, #tpu.memory_space<vmem>> -> memref<112x128xf32, #tpu.memory_space<vmem>>
      %dma_wait3A_515 = tpu.memref_slice %arg7[%dma_wait3A_509, %add3A_35] : memref<11x3136xi32, #tpu.memory_space<vmem>> -> memref<1x112xi32, #tpu.memory_space<vmem>>
      %dma_wait3A_516 = tpu.memref_squeeze %dma_wait3A_515 : memref<1x112xi32, #tpu.memory_space<vmem>> -> memref<112xi32, #tpu.memory_space<vmem>>
      %dma_wait3A_517 = arith.constant 0 : i32
      %dma_wait3A_518 = arith.constant 0 : i32
      %dma_wait3A_519 = tpu.memref_slice %arg2[%dma_wait3A_517, %dma_wait3A_518] : memref<100000x128xf32, #tpu.memory_space<hbm>> -> memref<100000x128xf32, #tpu.memory_space<hbm>>
      tpu.wait_indirect_dma semaphore(%arg10 : memref<!tpu.dma_semaphore, #tpu.memory_space<semaphore_mem>>) src(%dma_wait3A_519 : memref<100000x128xf32, #tpu.memory_space<hbm>>) dst(%dma_wait3A_514 : memref<112x128xf32, #tpu.memory_space<vmem>>)
      %add3A_520 = arith.addi %mul3A_7, %add3A : i32
      %add3A_521 = arith.constant 112 : i32
      %add3A_522 = arith.addi %add3A_520, %add3A_521 : i32
      %dma_start3A_523 = arith.constant 1 : i32
      %dma_start3A_524 = arith.constant 0 : i32
      %dma_start3A_525 = arith.constant 0 : i32
      %dma_start3A_526 = tpu.memref_slice %arg8[%dma_start3A_523, %dma_start3A_524, %dma_start3A_525] : memref<2x112x128xf32, #tpu.memory_space<vmem>> -> memref<1x112x128xf32, #tpu.memory_space<vmem>>
      %dma_start3A_527 = tpu.memref_squeeze %dma_start3A_526 : memref<1x112x128xf32, #tpu.memory_space<vmem>> -> memref<112x128xf32, #tpu.memory_space<vmem>>
      %dma_start3A_528 = arith.constant 0 : i32
      %dma_start3A_529 = tpu.memref_slice %arg4[%add3A_522, %dma_start3A_528] : memref<50176x128xf32, #tpu.memory_space<hbm>> -> memref<112x128xf32, #tpu.memory_space<hbm>>
      %dma_start3A_530 = arith.constant 0 : i32
      %dma_start3A_531 = tpu.memref_slice %arg4[%add3A_522, %dma_start3A_530] : memref<50176x128xf32, #tpu.memory_space<hbm>> -> memref<112x128xf32, #tpu.memory_space<hbm>>
      %dma_start3A_532 = arith.constant 0 : i32
      %dma_start3A_533 = arith.constant 0 : i32
      %dma_start3A_534 = tpu.memref_slice %arg8[%dma_start3A_523, %dma_start3A_532, %dma_start3A_533] : memref<2x112x128xf32, #tpu.memory_space<vmem>> -> memref<1x112x128xf32, #tpu.memory_space<vmem>>
      %dma_start3A_535 = tpu.memref_squeeze %dma_start3A_534 : memref<1x112x128xf32, #tpu.memory_space<vmem>> -> memref<112x128xf32, #tpu.memory_space<vmem>>
      tpu.enqueue_dma source(%dma_start3A_535 : memref<112x128xf32, #tpu.memory_space<vmem>>) target(%dma_start3A_531 : memref<112x128xf32, #tpu.memory_space<hbm>>) target_semaphore(%arg11 : memref<!tpu.dma_semaphore, #tpu.memory_space<semaphore_mem>>)
      %dma_wait3A_536 = arith.constant 5 : i32
      %dma_wait3A_537 = arith.constant 0 : i32
      %dma_wait3A_538 = arith.constant 0 : i32
      %dma_wait3A_539 = arith.constant 0 : i32
      %dma_wait3A_540 = tpu.memref_slice %arg9[%dma_wait3A_537, %dma_wait3A_538, %dma_wait3A_539] : memref<4x112x128xf32, #tpu.memory_space<vmem>> -> memref<1x112x128xf32, #tpu.memory_space<vmem>>
      %dma_wait3A_541 = tpu.memref_squeeze %dma_wait3A_540 : memref<1x112x128xf32, #tpu.memory_space<vmem>> -> memref<112x128xf32, #tpu.memory_space<vmem>>
      %dma_wait3A_542 = tpu.memref_slice %arg7[%dma_wait3A_536, %add3A_398] : memref<11x3136xi32, #tpu.memory_space<vmem>> -> memref<1x112xi32, #tpu.memory_space<vmem>>
      %dma_wait3A_543 = tpu.memref_squeeze %dma_wait3A_542 : memref<1x112xi32, #tpu.memory_space<vmem>> -> memref<112xi32, #tpu.memory_space<vmem>>
      %dma_wait3A_544 = arith.constant 0 : i32
      %dma_wait3A_545 = arith.constant 0 : i32
      %dma_wait3A_546 = tpu.memref_slice %arg2[%dma_wait3A_544, %dma_wait3A_545] : memref<100000x128xf32, #tpu.memory_space<hbm>> -> memref<100000x128xf32, #tpu.memory_space<hbm>>
      tpu.wait_indirect_dma semaphore(%arg12 : memref<!tpu.dma_semaphore, #tpu.memory_space<semaphore_mem>>) src(%dma_wait3A_546 : memref<100000x128xf32, #tpu.memory_space<hbm>>) dst(%dma_wait3A_541 : memref<112x128xf32, #tpu.memory_space<vmem>>)
      %add3A_547 = arith.addi %mul3A_7, %add3A : i32
      %add3A_548 = arith.constant 0 : i32
      %add3A_549 = arith.addi %add3A_547, %add3A_548 : i32
      %dma_start3A_550 = arith.constant 0 : i32
      %dma_start3A_551 = arith.constant 0 : i32
      %dma_start3A_552 = arith.constant 0 : i32
      %dma_start3A_553 = tpu.memref_slice %arg9[%dma_start3A_550, %dma_start3A_551, %dma_start3A_552] : memref<4x112x128xf32, #tpu.memory_space<vmem>> -> memref<1x112x128xf32, #tpu.memory_space<vmem>>
      %dma_start3A_554 = tpu.memref_squeeze %dma_start3A_553 : memref<1x112x128xf32, #tpu.memory_space<vmem>> -> memref<112x128xf32, #tpu.memory_space<vmem>>
      %dma_start3A_555 = arith.constant 0 : i32
      %dma_start3A_556 = tpu.memref_slice %arg5[%add3A_549, %dma_start3A_555] : memref<50176x128xf32, #tpu.memory_space<hbm>> -> memref<112x128xf32, #tpu.memory_space<hbm>>
      %dma_start3A_557 = arith.constant 0 : i32
      %dma_start3A_558 = tpu.memref_slice %arg5[%add3A_549, %dma_start3A_557] : memref<50176x128xf32, #tpu.memory_space<hbm>> -> memref<112x128xf32, #tpu.memory_space<hbm>>
      %dma_start3A_559 = arith.constant 0 : i32
      %dma_start3A_560 = arith.constant 0 : i32
      %dma_start3A_561 = tpu.memref_slice %arg9[%dma_start3A_550, %dma_start3A_559, %dma_start3A_560] : memref<4x112x128xf32, #tpu.memory_space<vmem>> -> memref<1x112x128xf32, #tpu.memory_space<vmem>>
      %dma_start3A_562 = tpu.memref_squeeze %dma_start3A_561 : memref<1x112x128xf32, #tpu.memory_space<vmem>> -> memref<112x128xf32, #tpu.memory_space<vmem>>
      tpu.enqueue_dma source(%dma_start3A_562 : memref<112x128xf32, #tpu.memory_space<vmem>>) target(%dma_start3A_558 : memref<112x128xf32, #tpu.memory_space<hbm>>) target_semaphore(%arg11 : memref<!tpu.dma_semaphore, #tpu.memory_space<semaphore_mem>>)
      %dma_wait3A_563 = arith.constant 10 : i32
      %dma_wait3A_564 = arith.constant 1 : i32
      %dma_wait3A_565 = arith.constant 0 : i32
      %dma_wait3A_566 = arith.constant 0 : i32
      %dma_wait3A_567 = tpu.memref_slice %arg9[%dma_wait3A_564, %dma_wait3A_565, %dma_wait3A_566] : memref<4x112x128xf32, #tpu.memory_space<vmem>> -> memref<1x112x128xf32, #tpu.memory_space<vmem>>
      %dma_wait3A_568 = tpu.memref_squeeze %dma_wait3A_567 : memref<1x112x128xf32, #tpu.memory_space<vmem>> -> memref<112x128xf32, #tpu.memory_space<vmem>>
      %dma_wait3A_569 = tpu.memref_slice %arg7[%dma_wait3A_563, %add3A_422] : memref<11x3136xi32, #tpu.memory_space<vmem>> -> memref<1x112xi32, #tpu.memory_space<vmem>>
      %dma_wait3A_570 = tpu.memref_squeeze %dma_wait3A_569 : memref<1x112xi32, #tpu.memory_space<vmem>> -> memref<112xi32, #tpu.memory_space<vmem>>
      %dma_wait3A_571 = arith.constant 0 : i32
      %dma_wait3A_572 = arith.constant 0 : i32
      %dma_wait3A_573 = tpu.memref_slice %arg2[%dma_wait3A_571, %dma_wait3A_572] : memref<100000x128xf32, #tpu.memory_space<hbm>> -> memref<100000x128xf32, #tpu.memory_space<hbm>>
      tpu.wait_indirect_dma semaphore(%arg13 : memref<!tpu.dma_semaphore, #tpu.memory_space<semaphore_mem>>) src(%dma_wait3A_573 : memref<100000x128xf32, #tpu.memory_space<hbm>>) dst(%dma_wait3A_568 : memref<112x128xf32, #tpu.memory_space<vmem>>)
      %add3A_574 = arith.addi %mul3A_7, %add3A : i32
      %add3A_575 = arith.constant 0 : i32
      %add3A_576 = arith.addi %add3A_574, %add3A_575 : i32
      %dma_start3A_577 = arith.constant 1 : i32
      %dma_start3A_578 = arith.constant 0 : i32
      %dma_start3A_579 = arith.constant 0 : i32
      %dma_start3A_580 = tpu.memref_slice %arg9[%dma_start3A_577, %dma_start3A_578, %dma_start3A_579] : memref<4x112x128xf32, #tpu.memory_space<vmem>> -> memref<1x112x128xf32, #tpu.memory_space<vmem>>
      %dma_start3A_581 = tpu.memref_squeeze %dma_start3A_580 : memref<1x112x128xf32, #tpu.memory_space<vmem>> -> memref<112x128xf32, #tpu.memory_space<vmem>>
      %dma_start3A_582 = arith.constant 0 : i32
      %dma_start3A_583 = tpu.memref_slice %arg6[%add3A_576, %dma_start3A_582] : memref<50176x128xf32, #tpu.memory_space<hbm>> -> memref<112x128xf32, #tpu.memory_space<hbm>>
      %dma_start3A_584 = arith.constant 0 : i32
      %dma_start3A_585 = tpu.memref_slice %arg6[%add3A_576, %dma_start3A_584] : memref<50176x128xf32, #tpu.memory_space<hbm>> -> memref<112x128xf32, #tpu.memory_space<hbm>>
      %dma_start3A_586 = arith.constant 0 : i32
      %dma_start3A_587 = arith.constant 0 : i32
      %dma_start3A_588 = tpu.memref_slice %arg9[%dma_start3A_577, %dma_start3A_586, %dma_start3A_587] : memref<4x112x128xf32, #tpu.memory_space<vmem>> -> memref<1x112x128xf32, #tpu.memory_space<vmem>>
      %dma_start3A_589 = tpu.memref_squeeze %dma_start3A_588 : memref<1x112x128xf32, #tpu.memory_space<vmem>> -> memref<112x128xf32, #tpu.memory_space<vmem>>
      tpu.enqueue_dma source(%dma_start3A_589 : memref<112x128xf32, #tpu.memory_space<vmem>>) target(%dma_start3A_585 : memref<112x128xf32, #tpu.memory_space<hbm>>) target_semaphore(%arg11 : memref<!tpu.dma_semaphore, #tpu.memory_space<semaphore_mem>>)
      %dma_wait3A_590 = arith.constant 5 : i32
      %dma_wait3A_591 = arith.constant 2 : i32
      %dma_wait3A_592 = arith.constant 0 : i32
      %dma_wait3A_593 = arith.constant 0 : i32
      %dma_wait3A_594 = tpu.memref_slice %arg9[%dma_wait3A_591, %dma_wait3A_592, %dma_wait3A_593] : memref<4x112x128xf32, #tpu.memory_space<vmem>> -> memref<1x112x128xf32, #tpu.memory_space<vmem>>
      %dma_wait3A_595 = tpu.memref_squeeze %dma_wait3A_594 : memref<1x112x128xf32, #tpu.memory_space<vmem>> -> memref<112x128xf32, #tpu.memory_space<vmem>>
      %dma_wait3A_596 = tpu.memref_slice %arg7[%dma_wait3A_590, %add3A_446] : memref<11x3136xi32, #tpu.memory_space<vmem>> -> memref<1x112xi32, #tpu.memory_space<vmem>>
      %dma_wait3A_597 = tpu.memref_squeeze %dma_wait3A_596 : memref<1x112xi32, #tpu.memory_space<vmem>> -> memref<112xi32, #tpu.memory_space<vmem>>
      %dma_wait3A_598 = arith.constant 0 : i32
      %dma_wait3A_599 = arith.constant 0 : i32
      %dma_wait3A_600 = tpu.memref_slice %arg2[%dma_wait3A_598, %dma_wait3A_599] : memref<100000x128xf32, #tpu.memory_space<hbm>> -> memref<100000x128xf32, #tpu.memory_space<hbm>>
      tpu.wait_indirect_dma semaphore(%arg14 : memref<!tpu.dma_semaphore, #tpu.memory_space<semaphore_mem>>) src(%dma_wait3A_600 : memref<100000x128xf32, #tpu.memory_space<hbm>>) dst(%dma_wait3A_595 : memref<112x128xf32, #tpu.memory_space<vmem>>)
      %add3A_601 = arith.addi %mul3A_7, %add3A : i32
      %add3A_602 = arith.constant 112 : i32
      %add3A_603 = arith.addi %add3A_601, %add3A_602 : i32
      %dma_start3A_604 = arith.constant 2 : i32
      %dma_start3A_605 = arith.constant 0 : i32
      %dma_start3A_606 = arith.constant 0 : i32
      %dma_start3A_607 = tpu.memref_slice %arg9[%dma_start3A_604, %dma_start3A_605, %dma_start3A_606] : memref<4x112x128xf32, #tpu.memory_space<vmem>> -> memref<1x112x128xf32, #tpu.memory_space<vmem>>
      %dma_start3A_608 = tpu.memref_squeeze %dma_start3A_607 : memref<1x112x128xf32, #tpu.memory_space<vmem>> -> memref<112x128xf32, #tpu.memory_space<vmem>>
      %dma_start3A_609 = arith.constant 0 : i32
      %dma_start3A_610 = tpu.memref_slice %arg5[%add3A_603, %dma_start3A_609] : memref<50176x128xf32, #tpu.memory_space<hbm>> -> memref<112x128xf32, #tpu.memory_space<hbm>>
      %dma_start3A_611 = arith.constant 0 : i32
      %dma_start3A_612 = tpu.memref_slice %arg5[%add3A_603, %dma_start3A_611] : memref<50176x128xf32, #tpu.memory_space<hbm>> -> memref<112x128xf32, #tpu.memory_space<hbm>>
      %dma_start3A_613 = arith.constant 0 : i32
      %dma_start3A_614 = arith.constant 0 : i32
      %dma_start3A_615 = tpu.memref_slice %arg9[%dma_start3A_604, %dma_start3A_613, %dma_start3A_614] : memref<4x112x128xf32, #tpu.memory_space<vmem>> -> memref<1x112x128xf32, #tpu.memory_space<vmem>>
      %dma_start3A_616 = tpu.memref_squeeze %dma_start3A_615 : memref<1x112x128xf32, #tpu.memory_space<vmem>> -> memref<112x128xf32, #tpu.memory_space<vmem>>
      tpu.enqueue_dma source(%dma_start3A_616 : memref<112x128xf32, #tpu.memory_space<vmem>>) target(%dma_start3A_612 : memref<112x128xf32, #tpu.memory_space<hbm>>) target_semaphore(%arg11 : memref<!tpu.dma_semaphore, #tpu.memory_space<semaphore_mem>>)
      %dma_wait3A_617 = arith.constant 10 : i32
      %dma_wait3A_618 = arith.constant 3 : i32
      %dma_wait3A_619 = arith.constant 0 : i32
      %dma_wait3A_620 = arith.constant 0 : i32
      %dma_wait3A_621 = tpu.memref_slice %arg9[%dma_wait3A_618, %dma_wait3A_619, %dma_wait3A_620] : memref<4x112x128xf32, #tpu.memory_space<vmem>> -> memref<1x112x128xf32, #tpu.memory_space<vmem>>
      %dma_wait3A_622 = tpu.memref_squeeze %dma_wait3A_621 : memref<1x112x128xf32, #tpu.memory_space<vmem>> -> memref<112x128xf32, #tpu.memory_space<vmem>>
      %dma_wait3A_623 = tpu.memref_slice %arg7[%dma_wait3A_617, %add3A_470] : memref<11x3136xi32, #tpu.memory_space<vmem>> -> memref<1x112xi32, #tpu.memory_space<vmem>>
      %dma_wait3A_624 = tpu.memref_squeeze %dma_wait3A_623 : memref<1x112xi32, #tpu.memory_space<vmem>> -> memref<112xi32, #tpu.memory_space<vmem>>
      %dma_wait3A_625 = arith.constant 0 : i32
      %dma_wait3A_626 = arith.constant 0 : i32
      %dma_wait3A_627 = tpu.memref_slice %arg2[%dma_wait3A_625, %dma_wait3A_626] : memref<100000x128xf32, #tpu.memory_space<hbm>> -> memref<100000x128xf32, #tpu.memory_space<hbm>>
      tpu.wait_indirect_dma semaphore(%arg15 : memref<!tpu.dma_semaphore, #tpu.memory_space<semaphore_mem>>) src(%dma_wait3A_627 : memref<100000x128xf32, #tpu.memory_space<hbm>>) dst(%dma_wait3A_622 : memref<112x128xf32, #tpu.memory_space<vmem>>)
      %add3A_628 = arith.addi %mul3A_7, %add3A : i32
      %add3A_629 = arith.constant 112 : i32
      %add3A_630 = arith.addi %add3A_628, %add3A_629 : i32
      %dma_start3A_631 = arith.constant 3 : i32
      %dma_start3A_632 = arith.constant 0 : i32
      %dma_start3A_633 = arith.constant 0 : i32
      %dma_start3A_634 = tpu.memref_slice %arg9[%dma_start3A_631, %dma_start3A_632, %dma_start3A_633] : memref<4x112x128xf32, #tpu.memory_space<vmem>> -> memref<1x112x128xf32, #tpu.memory_space<vmem>>
      %dma_start3A_635 = tpu.memref_squeeze %dma_start3A_634 : memref<1x112x128xf32, #tpu.memory_space<vmem>> -> memref<112x128xf32, #tpu.memory_space<vmem>>
      %dma_start3A_636 = arith.constant 0 : i32
      %dma_start3A_637 = tpu.memref_slice %arg6[%add3A_630, %dma_start3A_636] : memref<50176x128xf32, #tpu.memory_space<hbm>> -> memref<112x128xf32, #tpu.memory_space<hbm>>
      %dma_start3A_638 = arith.constant 0 : i32
      %dma_start3A_639 = tpu.memref_slice %arg6[%add3A_630, %dma_start3A_638] : memref<50176x128xf32, #tpu.memory_space<hbm>> -> memref<112x128xf32, #tpu.memory_space<hbm>>
      %dma_start3A_640 = arith.constant 0 : i32
      %dma_start3A_641 = arith.constant 0 : i32
      %dma_start3A_642 = tpu.memref_slice %arg9[%dma_start3A_631, %dma_start3A_640, %dma_start3A_641] : memref<4x112x128xf32, #tpu.memory_space<vmem>> -> memref<1x112x128xf32, #tpu.memory_space<vmem>>
      %dma_start3A_643 = tpu.memref_squeeze %dma_start3A_642 : memref<1x112x128xf32, #tpu.memory_space<vmem>> -> memref<112x128xf32, #tpu.memory_space<vmem>>
      tpu.enqueue_dma source(%dma_start3A_643 : memref<112x128xf32, #tpu.memory_space<vmem>>) target(%dma_start3A_639 : memref<112x128xf32, #tpu.memory_space<hbm>>) target_semaphore(%arg11 : memref<!tpu.dma_semaphore, #tpu.memory_space<semaphore_mem>>)
      %dma_wait3A_644 = arith.constant 0 : i32
      %dma_wait3A_645 = arith.constant 0 : i32
      %dma_wait3A_646 = arith.constant 0 : i32
      %dma_wait3A_647 = tpu.memref_slice %arg8[%dma_wait3A_644, %dma_wait3A_645, %dma_wait3A_646] : memref<2x112x128xf32, #tpu.memory_space<vmem>> -> memref<1x112x128xf32, #tpu.memory_space<vmem>>
      %dma_wait3A_648 = tpu.memref_squeeze %dma_wait3A_647 : memref<1x112x128xf32, #tpu.memory_space<vmem>> -> memref<112x128xf32, #tpu.memory_space<vmem>>
      %dma_wait3A_649 = arith.constant 0 : i32
      %dma_wait3A_650 = tpu.memref_slice %arg4[%add3A_495, %dma_wait3A_649] : memref<50176x128xf32, #tpu.memory_space<hbm>> -> memref<112x128xf32, #tpu.memory_space<hbm>>
      %dma_wait3A_651 = arith.constant 0 : i32
      %dma_wait3A_652 = tpu.memref_slice %arg4[%add3A_495, %dma_wait3A_651] : memref<50176x128xf32, #tpu.memory_space<hbm>> -> memref<112x128xf32, #tpu.memory_space<hbm>>
      %dma_wait3A_653 = arith.constant 0 : i32
      %dma_wait3A_654 = arith.constant 0 : i32
      %dma_wait3A_655 = tpu.memref_slice %arg8[%dma_wait3A_644, %dma_wait3A_653, %dma_wait3A_654] : memref<2x112x128xf32, #tpu.memory_space<vmem>> -> memref<1x112x128xf32, #tpu.memory_space<vmem>>
      %dma_wait3A_656 = tpu.memref_squeeze %dma_wait3A_655 : memref<1x112x128xf32, #tpu.memory_space<vmem>> -> memref<112x128xf32, #tpu.memory_space<vmem>>
      tpu.wait_dma2 semaphore(%arg11 : memref<!tpu.dma_semaphore, #tpu.memory_space<semaphore_mem>>) src(%dma_wait3A_656 : memref<112x128xf32, #tpu.memory_space<vmem>>) dst(%dma_wait3A_652 : memref<112x128xf32, #tpu.memory_space<hbm>>)
      %dma_wait3A_657 = arith.constant 1 : i32
      %dma_wait3A_658 = arith.constant 0 : i32
      %dma_wait3A_659 = arith.constant 0 : i32
      %dma_wait3A_660 = tpu.memref_slice %arg8[%dma_wait3A_657, %dma_wait3A_658, %dma_wait3A_659] : memref<2x112x128xf32, #tpu.memory_space<vmem>> -> memref<1x112x128xf32, #tpu.memory_space<vmem>>
      %dma_wait3A_661 = tpu.memref_squeeze %dma_wait3A_660 : memref<1x112x128xf32, #tpu.memory_space<vmem>> -> memref<112x128xf32, #tpu.memory_space<vmem>>
      %dma_wait3A_662 = arith.constant 0 : i32
      %dma_wait3A_663 = tpu.memref_slice %arg4[%add3A_522, %dma_wait3A_662] : memref<50176x128xf32, #tpu.memory_space<hbm>> -> memref<112x128xf32, #tpu.memory_space<hbm>>
      %dma_wait3A_664 = arith.constant 0 : i32
      %dma_wait3A_665 = tpu.memref_slice %arg4[%add3A_522, %dma_wait3A_664] : memref<50176x128xf32, #tpu.memory_space<hbm>> -> memref<112x128xf32, #tpu.memory_space<hbm>>
      %dma_wait3A_666 = arith.constant 0 : i32
      %dma_wait3A_667 = arith.constant 0 : i32
      %dma_wait3A_668 = tpu.memref_slice %arg8[%dma_wait3A_657, %dma_wait3A_666, %dma_wait3A_667] : memref<2x112x128xf32, #tpu.memory_space<vmem>> -> memref<1x112x128xf32, #tpu.memory_space<vmem>>
      %dma_wait3A_669 = tpu.memref_squeeze %dma_wait3A_668 : memref<1x112x128xf32, #tpu.memory_space<vmem>> -> memref<112x128xf32, #tpu.memory_space<vmem>>
      tpu.wait_dma2 semaphore(%arg11 : memref<!tpu.dma_semaphore, #tpu.memory_space<semaphore_mem>>) src(%dma_wait3A_669 : memref<112x128xf32, #tpu.memory_space<vmem>>) dst(%dma_wait3A_665 : memref<112x128xf32, #tpu.memory_space<hbm>>)
      %dma_wait3A_670 = arith.constant 0 : i32
      %dma_wait3A_671 = arith.constant 0 : i32
      %dma_wait3A_672 = arith.constant 0 : i32
      %dma_wait3A_673 = tpu.memref_slice %arg9[%dma_wait3A_670, %dma_wait3A_671, %dma_wait3A_672] : memref<4x112x128xf32, #tpu.memory_space<vmem>> -> memref<1x112x128xf32, #tpu.memory_space<vmem>>
      %dma_wait3A_674 = tpu.memref_squeeze %dma_wait3A_673 : memref<1x112x128xf32, #tpu.memory_space<vmem>> -> memref<112x128xf32, #tpu.memory_space<vmem>>
      %dma_wait3A_675 = arith.constant 0 : i32
      %dma_wait3A_676 = tpu.memref_slice %arg5[%add3A_549, %dma_wait3A_675] : memref<50176x128xf32, #tpu.memory_space<hbm>> -> memref<112x128xf32, #tpu.memory_space<hbm>>
      %dma_wait3A_677 = arith.constant 0 : i32
      %dma_wait3A_678 = tpu.memref_slice %arg5[%add3A_549, %dma_wait3A_677] : memref<50176x128xf32, #tpu.memory_space<hbm>> -> memref<112x128xf32, #tpu.memory_space<hbm>>
      %dma_wait3A_679 = arith.constant 0 : i32
      %dma_wait3A_680 = arith.constant 0 : i32
      %dma_wait3A_681 = tpu.memref_slice %arg9[%dma_wait3A_670, %dma_wait3A_679, %dma_wait3A_680] : memref<4x112x128xf32, #tpu.memory_space<vmem>> -> memref<1x112x128xf32, #tpu.memory_space<vmem>>
      %dma_wait3A_682 = tpu.memref_squeeze %dma_wait3A_681 : memref<1x112x128xf32, #tpu.memory_space<vmem>> -> memref<112x128xf32, #tpu.memory_space<vmem>>
      tpu.wait_dma2 semaphore(%arg11 : memref<!tpu.dma_semaphore, #tpu.memory_space<semaphore_mem>>) src(%dma_wait3A_682 : memref<112x128xf32, #tpu.memory_space<vmem>>) dst(%dma_wait3A_678 : memref<112x128xf32, #tpu.memory_space<hbm>>)
      %dma_wait3A_683 = arith.constant 1 : i32
      %dma_wait3A_684 = arith.constant 0 : i32
      %dma_wait3A_685 = arith.constant 0 : i32
      %dma_wait3A_686 = tpu.memref_slice %arg9[%dma_wait3A_683, %dma_wait3A_684, %dma_wait3A_685] : memref<4x112x128xf32, #tpu.memory_space<vmem>> -> memref<1x112x128xf32, #tpu.memory_space<vmem>>
      %dma_wait3A_687 = tpu.memref_squeeze %dma_wait3A_686 : memref<1x112x128xf32, #tpu.memory_space<vmem>> -> memref<112x128xf32, #tpu.memory_space<vmem>>
      %dma_wait3A_688 = arith.constant 0 : i32
      %dma_wait3A_689 = tpu.memref_slice %arg6[%add3A_576, %dma_wait3A_688] : memref<50176x128xf32, #tpu.memory_space<hbm>> -> memref<112x128xf32, #tpu.memory_space<hbm>>
      %dma_wait3A_690 = arith.constant 0 : i32
      %dma_wait3A_691 = tpu.memref_slice %arg6[%add3A_576, %dma_wait3A_690] : memref<50176x128xf32, #tpu.memory_space<hbm>> -> memref<112x128xf32, #tpu.memory_space<hbm>>
      %dma_wait3A_692 = arith.constant 0 : i32
      %dma_wait3A_693 = arith.constant 0 : i32
      %dma_wait3A_694 = tpu.memref_slice %arg9[%dma_wait3A_683, %dma_wait3A_692, %dma_wait3A_693] : memref<4x112x128xf32, #tpu.memory_space<vmem>> -> memref<1x112x128xf32, #tpu.memory_space<vmem>>
      %dma_wait3A_695 = tpu.memref_squeeze %dma_wait3A_694 : memref<1x112x128xf32, #tpu.memory_space<vmem>> -> memref<112x128xf32, #tpu.memory_space<vmem>>
      tpu.wait_dma2 semaphore(%arg11 : memref<!tpu.dma_semaphore, #tpu.memory_space<semaphore_mem>>) src(%dma_wait3A_695 : memref<112x128xf32, #tpu.memory_space<vmem>>) dst(%dma_wait3A_691 : memref<112x128xf32, #tpu.memory_space<hbm>>)
      %dma_wait3A_696 = arith.constant 2 : i32
      %dma_wait3A_697 = arith.constant 0 : i32
      %dma_wait3A_698 = arith.constant 0 : i32
      %dma_wait3A_699 = tpu.memref_slice %arg9[%dma_wait3A_696, %dma_wait3A_697, %dma_wait3A_698] : memref<4x112x128xf32, #tpu.memory_space<vmem>> -> memref<1x112x128xf32, #tpu.memory_space<vmem>>
      %dma_wait3A_700 = tpu.memref_squeeze %dma_wait3A_699 : memref<1x112x128xf32, #tpu.memory_space<vmem>> -> memref<112x128xf32, #tpu.memory_space<vmem>>
      %dma_wait3A_701 = arith.constant 0 : i32
      %dma_wait3A_702 = tpu.memref_slice %arg5[%add3A_603, %dma_wait3A_701] : memref<50176x128xf32, #tpu.memory_space<hbm>> -> memref<112x128xf32, #tpu.memory_space<hbm>>
      %dma_wait3A_703 = arith.constant 0 : i32
      %dma_wait3A_704 = tpu.memref_slice %arg5[%add3A_603, %dma_wait3A_703] : memref<50176x128xf32, #tpu.memory_space<hbm>> -> memref<112x128xf32, #tpu.memory_space<hbm>>
      %dma_wait3A_705 = arith.constant 0 : i32
      %dma_wait3A_706 = arith.constant 0 : i32
      %dma_wait3A_707 = tpu.memref_slice %arg9[%dma_wait3A_696, %dma_wait3A_705, %dma_wait3A_706] : memref<4x112x128xf32, #tpu.memory_space<vmem>> -> memref<1x112x128xf32, #tpu.memory_space<vmem>>
      %dma_wait3A_708 = tpu.memref_squeeze %dma_wait3A_707 : memref<1x112x128xf32, #tpu.memory_space<vmem>> -> memref<112x128xf32, #tpu.memory_space<vmem>>
      tpu.wait_dma2 semaphore(%arg11 : memref<!tpu.dma_semaphore, #tpu.memory_space<semaphore_mem>>) src(%dma_wait3A_708 : memref<112x128xf32, #tpu.memory_space<vmem>>) dst(%dma_wait3A_704 : memref<112x128xf32, #tpu.memory_space<hbm>>)
      %dma_wait3A_709 = arith.constant 3 : i32
      %dma_wait3A_710 = arith.constant 0 : i32
      %dma_wait3A_711 = arith.constant 0 : i32
      %dma_wait3A_712 = tpu.memref_slice %arg9[%dma_wait3A_709, %dma_wait3A_710, %dma_wait3A_711] : memref<4x112x128xf32, #tpu.memory_space<vmem>> -> memref<1x112x128xf32, #tpu.memory_space<vmem>>
      %dma_wait3A_713 = tpu.memref_squeeze %dma_wait3A_712 : memref<1x112x128xf32, #tpu.memory_space<vmem>> -> memref<112x128xf32, #tpu.memory_space<vmem>>
      %dma_wait3A_714 = arith.constant 0 : i32
      %dma_wait3A_715 = tpu.memref_slice %arg6[%add3A_630, %dma_wait3A_714] : memref<50176x128xf32, #tpu.memory_space<hbm>> -> memref<112x128xf32, #tpu.memory_space<hbm>>
      %dma_wait3A_716 = arith.constant 0 : i32
      %dma_wait3A_717 = tpu.memref_slice %arg6[%add3A_630, %dma_wait3A_716] : memref<50176x128xf32, #tpu.memory_space<hbm>> -> memref<112x128xf32, #tpu.memory_space<hbm>>
      %dma_wait3A_718 = arith.constant 0 : i32
      %dma_wait3A_719 = arith.constant 0 : i32
      %dma_wait3A_720 = tpu.memref_slice %arg9[%dma_wait3A_709, %dma_wait3A_718, %dma_wait3A_719] : memref<4x112x128xf32, #tpu.memory_space<vmem>> -> memref<1x112x128xf32, #tpu.memory_space<vmem>>
      %dma_wait3A_721 = tpu.memref_squeeze %dma_wait3A_720 : memref<1x112x128xf32, #tpu.memory_space<vmem>> -> memref<112x128xf32, #tpu.memory_space<vmem>>
      tpu.wait_dma2 semaphore(%arg11 : memref<!tpu.dma_semaphore, #tpu.memory_space<semaphore_mem>>) src(%dma_wait3A_721 : memref<112x128xf32, #tpu.memory_space<vmem>>) dst(%dma_wait3A_717 : memref<112x128xf32, #tpu.memory_space<hbm>>)
    }
    %while3A_16 = arith.constant 1 : i32
    scf.for %while3A_17 = %while3A_14 to %while3A_10 step %while3A_16  : i32 {
      %mul3A_18 = arith.constant 2 : i32
      %mul3A_19 = arith.muli %mul3A_18, %while3A_17 : i32
      %mul3A_20 = arith.constant 112 : i32
      %mul3A_21 = arith.muli %mul3A_19, %mul3A_20 : i32
      %add3A = arith.addi %select_n3A, %mul3A_21 : i32
      %add3A_22 = arith.constant 0 : i32
      %add3A_23 = arith.addi %add3A, %add3A_22 : i32
      %dma_start3A = arith.constant 0 : i32
      %dma_start3A_24 = arith.constant 0 : i32
      %dma_start3A_25 = arith.constant 0 : i32
      %dma_start3A_26 = arith.constant 0 : i32
      %dma_start3A_27 = tpu.memref_slice %arg8[%dma_start3A_24, %dma_start3A_25, %dma_start3A_26] : memref<2x112x128xf32, #tpu.memory_space<vmem>> -> memref<1x112x128xf32, #tpu.memory_space<vmem>>
      %dma_start3A_28 = tpu.memref_squeeze %dma_start3A_27 : memref<1x112x128xf32, #tpu.memory_space<vmem>> -> memref<112x128xf32, #tpu.memory_space<vmem>>
      %dma_start3A_29 = tpu.memref_slice %arg7[%dma_start3A, %add3A_23] : memref<11x3136xi32, #tpu.memory_space<vmem>> -> memref<1x112xi32, #tpu.memory_space<vmem>>
      %dma_start3A_30 = tpu.memref_squeeze %dma_start3A_29 : memref<1x112xi32, #tpu.memory_space<vmem>> -> memref<112xi32, #tpu.memory_space<vmem>>
      %dma_start3A_31 = arith.constant 0 : i32
      %dma_start3A_32 = arith.constant 0 : i32
      %dma_start3A_33 = tpu.memref_slice %arg2[%dma_start3A_31, %dma_start3A_32] : memref<100000x128xf32, #tpu.memory_space<hbm>> -> memref<100000x128xf32, #tpu.memory_space<hbm>>
      tpu.enqueue_indirect_dma source(%dma_start3A_33 : memref<100000x128xf32, #tpu.memory_space<hbm>>) target(%dma_start3A_28 : memref<112x128xf32, #tpu.memory_space<vmem>>) offsets(%dma_start3A_30 : memref<112xi32, #tpu.memory_space<vmem>>) semaphore(%arg10 : memref<!tpu.dma_semaphore, #tpu.memory_space<semaphore_mem>>)
      %add3A_34 = arith.constant 112 : i32
      %add3A_35 = arith.addi %add3A, %add3A_34 : i32
      %dma_start3A_36 = arith.constant 0 : i32
      %dma_start3A_37 = arith.constant 1 : i32
      %dma_start3A_38 = arith.constant 0 : i32
      %dma_start3A_39 = arith.constant 0 : i32
      %dma_start3A_40 = tpu.memref_slice %arg8[%dma_start3A_37, %dma_start3A_38, %dma_start3A_39] : memref<2x112x128xf32, #tpu.memory_space<vmem>> -> memref<1x112x128xf32, #tpu.memory_space<vmem>>
      %dma_start3A_41 = tpu.memref_squeeze %dma_start3A_40 : memref<1x112x128xf32, #tpu.memory_space<vmem>> -> memref<112x128xf32, #tpu.memory_space<vmem>>
      %dma_start3A_42 = tpu.memref_slice %arg7[%dma_start3A_36, %add3A_35] : memref<11x3136xi32, #tpu.memory_space<vmem>> -> memref<1x112xi32, #tpu.memory_space<vmem>>
      %dma_start3A_43 = tpu.memref_squeeze %dma_start3A_42 : memref<1x112xi32, #tpu.memory_space<vmem>> -> memref<112xi32, #tpu.memory_space<vmem>>
      %dma_start3A_44 = arith.constant 0 : i32
      %dma_start3A_45 = arith.constant 0 : i32
      %dma_start3A_46 = tpu.memref_slice %arg2[%dma_start3A_44, %dma_start3A_45] : memref<100000x128xf32, #tpu.memory_space<hbm>> -> memref<100000x128xf32, #tpu.memory_space<hbm>>
      tpu.enqueue_indirect_dma source(%dma_start3A_46 : memref<100000x128xf32, #tpu.memory_space<hbm>>) target(%dma_start3A_41 : memref<112x128xf32, #tpu.memory_space<vmem>>) offsets(%dma_start3A_43 : memref<112xi32, #tpu.memory_space<vmem>>) semaphore(%arg10 : memref<!tpu.dma_semaphore, #tpu.memory_space<semaphore_mem>>)
      %add3A_47 = arith.constant 0 : i32
      %add3A_48 = arith.addi %add3A, %add3A_47 : i32
      %dma_start3A_49 = arith.constant 1 : i32
      %dma_start3A_50 = arith.constant 0 : i32
      %dma_start3A_51 = arith.constant 0 : i32
      %dma_start3A_52 = arith.constant 0 : i32
      %dma_start3A_53 = tpu.memref_slice %arg9[%dma_start3A_50, %dma_start3A_51, %dma_start3A_52] : memref<4x112x128xf32, #tpu.memory_space<vmem>> -> memref<1x112x128xf32, #tpu.memory_space<vmem>>
      %dma_start3A_54 = tpu.memref_squeeze %dma_start3A_53 : memref<1x112x128xf32, #tpu.memory_space<vmem>> -> memref<112x128xf32, #tpu.memory_space<vmem>>
      %dma_start3A_55 = tpu.memref_slice %arg7[%dma_start3A_49, %add3A_48] : memref<11x3136xi32, #tpu.memory_space<vmem>> -> memref<1x112xi32, #tpu.memory_space<vmem>>
      %dma_start3A_56 = tpu.memref_squeeze %dma_start3A_55 : memref<1x112xi32, #tpu.memory_space<vmem>> -> memref<112xi32, #tpu.memory_space<vmem>>
      %dma_start3A_57 = arith.constant 0 : i32
      %dma_start3A_58 = arith.constant 0 : i32
      %dma_start3A_59 = tpu.memref_slice %arg2[%dma_start3A_57, %dma_start3A_58] : memref<100000x128xf32, #tpu.memory_space<hbm>> -> memref<100000x128xf32, #tpu.memory_space<hbm>>
      tpu.enqueue_indirect_dma source(%dma_start3A_59 : memref<100000x128xf32, #tpu.memory_space<hbm>>) target(%dma_start3A_54 : memref<112x128xf32, #tpu.memory_space<vmem>>) offsets(%dma_start3A_56 : memref<112xi32, #tpu.memory_space<vmem>>) semaphore(%arg12 : memref<!tpu.dma_semaphore, #tpu.memory_space<semaphore_mem>>)
      %add3A_60 = arith.constant 0 : i32
      %add3A_61 = arith.addi %add3A, %add3A_60 : i32
      %dma_start3A_62 = arith.constant 6 : i32
      %dma_start3A_63 = arith.constant 1 : i32
      %dma_start3A_64 = arith.constant 0 : i32
      %dma_start3A_65 = arith.constant 0 : i32
      %dma_start3A_66 = tpu.memref_slice %arg9[%dma_start3A_63, %dma_start3A_64, %dma_start3A_65] : memref<4x112x128xf32, #tpu.memory_space<vmem>> -> memref<1x112x128xf32, #tpu.memory_space<vmem>>
      %dma_start3A_67 = tpu.memref_squeeze %dma_start3A_66 : memref<1x112x128xf32, #tpu.memory_space<vmem>> -> memref<112x128xf32, #tpu.memory_space<vmem>>
      %dma_start3A_68 = tpu.memref_slice %arg7[%dma_start3A_62, %add3A_61] : memref<11x3136xi32, #tpu.memory_space<vmem>> -> memref<1x112xi32, #tpu.memory_space<vmem>>
      %dma_start3A_69 = tpu.memref_squeeze %dma_start3A_68 : memref<1x112xi32, #tpu.memory_space<vmem>> -> memref<112xi32, #tpu.memory_space<vmem>>
      %dma_start3A_70 = arith.constant 0 : i32
      %dma_start3A_71 = arith.constant 0 : i32
      %dma_start3A_72 = tpu.memref_slice %arg2[%dma_start3A_70, %dma_start3A_71] : memref<100000x128xf32, #tpu.memory_space<hbm>> -> memref<100000x128xf32, #tpu.memory_space<hbm>>
      tpu.enqueue_indirect_dma source(%dma_start3A_72 : memref<100000x128xf32, #tpu.memory_space<hbm>>) target(%dma_start3A_67 : memref<112x128xf32, #tpu.memory_space<vmem>>) offsets(%dma_start3A_69 : memref<112xi32, #tpu.memory_space<vmem>>) semaphore(%arg13 : memref<!tpu.dma_semaphore, #tpu.memory_space<semaphore_mem>>)
      %add3A_73 = arith.constant 112 : i32
      %add3A_74 = arith.addi %add3A, %add3A_73 : i32
      %dma_start3A_75 = arith.constant 1 : i32
      %dma_start3A_76 = arith.constant 2 : i32
      %dma_start3A_77 = arith.constant 0 : i32
      %dma_start3A_78 = arith.constant 0 : i32
      %dma_start3A_79 = tpu.memref_slice %arg9[%dma_start3A_76, %dma_start3A_77, %dma_start3A_78] : memref<4x112x128xf32, #tpu.memory_space<vmem>> -> memref<1x112x128xf32, #tpu.memory_space<vmem>>
      %dma_start3A_80 = tpu.memref_squeeze %dma_start3A_79 : memref<1x112x128xf32, #tpu.memory_space<vmem>> -> memref<112x128xf32, #tpu.memory_space<vmem>>
      %dma_start3A_81 = tpu.memref_slice %arg7[%dma_start3A_75, %add3A_74] : memref<11x3136xi32, #tpu.memory_space<vmem>> -> memref<1x112xi32, #tpu.memory_space<vmem>>
      %dma_start3A_82 = tpu.memref_squeeze %dma_start3A_81 : memref<1x112xi32, #tpu.memory_space<vmem>> -> memref<112xi32, #tpu.memory_space<vmem>>
      %dma_start3A_83 = arith.constant 0 : i32
      %dma_start3A_84 = arith.constant 0 : i32
      %dma_start3A_85 = tpu.memref_slice %arg2[%dma_start3A_83, %dma_start3A_84] : memref<100000x128xf32, #tpu.memory_space<hbm>> -> memref<100000x128xf32, #tpu.memory_space<hbm>>
      tpu.enqueue_indirect_dma source(%dma_start3A_85 : memref<100000x128xf32, #tpu.memory_space<hbm>>) target(%dma_start3A_80 : memref<112x128xf32, #tpu.memory_space<vmem>>) offsets(%dma_start3A_82 : memref<112xi32, #tpu.memory_space<vmem>>) semaphore(%arg14 : memref<!tpu.dma_semaphore, #tpu.memory_space<semaphore_mem>>)
      %add3A_86 = arith.constant 112 : i32
      %add3A_87 = arith.addi %add3A, %add3A_86 : i32
      %dma_start3A_88 = arith.constant 6 : i32
      %dma_start3A_89 = arith.constant 3 : i32
      %dma_start3A_90 = arith.constant 0 : i32
      %dma_start3A_91 = arith.constant 0 : i32
      %dma_start3A_92 = tpu.memref_slice %arg9[%dma_start3A_89, %dma_start3A_90, %dma_start3A_91] : memref<4x112x128xf32, #tpu.memory_space<vmem>> -> memref<1x112x128xf32, #tpu.memory_space<vmem>>
      %dma_start3A_93 = tpu.memref_squeeze %dma_start3A_92 : memref<1x112x128xf32, #tpu.memory_space<vmem>> -> memref<112x128xf32, #tpu.memory_space<vmem>>
      %dma_start3A_94 = tpu.memref_slice %arg7[%dma_start3A_88, %add3A_87] : memref<11x3136xi32, #tpu.memory_space<vmem>> -> memref<1x112xi32, #tpu.memory_space<vmem>>
      %dma_start3A_95 = tpu.memref_squeeze %dma_start3A_94 : memref<1x112xi32, #tpu.memory_space<vmem>> -> memref<112xi32, #tpu.memory_space<vmem>>
      %dma_start3A_96 = arith.constant 0 : i32
      %dma_start3A_97 = arith.constant 0 : i32
      %dma_start3A_98 = tpu.memref_slice %arg2[%dma_start3A_96, %dma_start3A_97] : memref<100000x128xf32, #tpu.memory_space<hbm>> -> memref<100000x128xf32, #tpu.memory_space<hbm>>
      tpu.enqueue_indirect_dma source(%dma_start3A_98 : memref<100000x128xf32, #tpu.memory_space<hbm>>) target(%dma_start3A_93 : memref<112x128xf32, #tpu.memory_space<vmem>>) offsets(%dma_start3A_95 : memref<112xi32, #tpu.memory_space<vmem>>) semaphore(%arg15 : memref<!tpu.dma_semaphore, #tpu.memory_space<semaphore_mem>>)
      %dma_wait3A = arith.constant 1 : i32
      %dma_wait3A_99 = arith.constant 0 : i32
      %dma_wait3A_100 = arith.constant 0 : i32
      %dma_wait3A_101 = arith.constant 0 : i32
      %dma_wait3A_102 = tpu.memref_slice %arg9[%dma_wait3A_99, %dma_wait3A_100, %dma_wait3A_101] : memref<4x112x128xf32, #tpu.memory_space<vmem>> -> memref<1x112x128xf32, #tpu.memory_space<vmem>>
      %dma_wait3A_103 = tpu.memref_squeeze %dma_wait3A_102 : memref<1x112x128xf32, #tpu.memory_space<vmem>> -> memref<112x128xf32, #tpu.memory_space<vmem>>
      %dma_wait3A_104 = tpu.memref_slice %arg7[%dma_wait3A, %add3A_48] : memref<11x3136xi32, #tpu.memory_space<vmem>> -> memref<1x112xi32, #tpu.memory_space<vmem>>
      %dma_wait3A_105 = tpu.memref_squeeze %dma_wait3A_104 : memref<1x112xi32, #tpu.memory_space<vmem>> -> memref<112xi32, #tpu.memory_space<vmem>>
      %dma_wait3A_106 = arith.constant 0 : i32
      %dma_wait3A_107 = arith.constant 0 : i32
      %dma_wait3A_108 = tpu.memref_slice %arg2[%dma_wait3A_106, %dma_wait3A_107] : memref<100000x128xf32, #tpu.memory_space<hbm>> -> memref<100000x128xf32, #tpu.memory_space<hbm>>
      tpu.wait_indirect_dma semaphore(%arg12 : memref<!tpu.dma_semaphore, #tpu.memory_space<semaphore_mem>>) src(%dma_wait3A_108 : memref<100000x128xf32, #tpu.memory_space<hbm>>) dst(%dma_wait3A_103 : memref<112x128xf32, #tpu.memory_space<vmem>>)
      %add3A_109 = arith.constant 0 : i32
      %add3A_110 = arith.addi %add3A, %add3A_109 : i32
      %dma_start3A_111 = arith.constant 2 : i32
      %dma_start3A_112 = arith.constant 0 : i32
      %dma_start3A_113 = arith.constant 0 : i32
      %dma_start3A_114 = arith.constant 0 : i32
      %dma_start3A_115 = tpu.memref_slice %arg9[%dma_start3A_112, %dma_start3A_113, %dma_start3A_114] : memref<4x112x128xf32, #tpu.memory_space<vmem>> -> memref<1x112x128xf32, #tpu.memory_space<vmem>>
      %dma_start3A_116 = tpu.memref_squeeze %dma_start3A_115 : memref<1x112x128xf32, #tpu.memory_space<vmem>> -> memref<112x128xf32, #tpu.memory_space<vmem>>
      %dma_start3A_117 = tpu.memref_slice %arg7[%dma_start3A_111, %add3A_110] : memref<11x3136xi32, #tpu.memory_space<vmem>> -> memref<1x112xi32, #tpu.memory_space<vmem>>
      %dma_start3A_118 = tpu.memref_squeeze %dma_start3A_117 : memref<1x112xi32, #tpu.memory_space<vmem>> -> memref<112xi32, #tpu.memory_space<vmem>>
      %dma_start3A_119 = arith.constant 0 : i32
      %dma_start3A_120 = arith.constant 0 : i32
      %dma_start3A_121 = tpu.memref_slice %arg2[%dma_start3A_119, %dma_start3A_120] : memref<100000x128xf32, #tpu.memory_space<hbm>> -> memref<100000x128xf32, #tpu.memory_space<hbm>>
      tpu.enqueue_indirect_dma source(%dma_start3A_121 : memref<100000x128xf32, #tpu.memory_space<hbm>>) target(%dma_start3A_116 : memref<112x128xf32, #tpu.memory_space<vmem>>) offsets(%dma_start3A_118 : memref<112xi32, #tpu.memory_space<vmem>>) semaphore(%arg12 : memref<!tpu.dma_semaphore, #tpu.memory_space<semaphore_mem>>) {add = true}
      %dma_wait3A_122 = arith.constant 6 : i32
      %dma_wait3A_123 = arith.constant 1 : i32
      %dma_wait3A_124 = arith.constant 0 : i32
      %dma_wait3A_125 = arith.constant 0 : i32
      %dma_wait3A_126 = tpu.memref_slice %arg9[%dma_wait3A_123, %dma_wait3A_124, %dma_wait3A_125] : memref<4x112x128xf32, #tpu.memory_space<vmem>> -> memref<1x112x128xf32, #tpu.memory_space<vmem>>
      %dma_wait3A_127 = tpu.memref_squeeze %dma_wait3A_126 : memref<1x112x128xf32, #tpu.memory_space<vmem>> -> memref<112x128xf32, #tpu.memory_space<vmem>>
      %dma_wait3A_128 = tpu.memref_slice %arg7[%dma_wait3A_122, %add3A_61] : memref<11x3136xi32, #tpu.memory_space<vmem>> -> memref<1x112xi32, #tpu.memory_space<vmem>>
      %dma_wait3A_129 = tpu.memref_squeeze %dma_wait3A_128 : memref<1x112xi32, #tpu.memory_space<vmem>> -> memref<112xi32, #tpu.memory_space<vmem>>
      %dma_wait3A_130 = arith.constant 0 : i32
      %dma_wait3A_131 = arith.constant 0 : i32
      %dma_wait3A_132 = tpu.memref_slice %arg2[%dma_wait3A_130, %dma_wait3A_131] : memref<100000x128xf32, #tpu.memory_space<hbm>> -> memref<100000x128xf32, #tpu.memory_space<hbm>>
      tpu.wait_indirect_dma semaphore(%arg13 : memref<!tpu.dma_semaphore, #tpu.memory_space<semaphore_mem>>) src(%dma_wait3A_132 : memref<100000x128xf32, #tpu.memory_space<hbm>>) dst(%dma_wait3A_127 : memref<112x128xf32, #tpu.memory_space<vmem>>)
      %add3A_133 = arith.constant 0 : i32
      %add3A_134 = arith.addi %add3A, %add3A_133 : i32
      %dma_start3A_135 = arith.constant 7 : i32
      %dma_start3A_136 = arith.constant 1 : i32
      %dma_start3A_137 = arith.constant 0 : i32
      %dma_start3A_138 = arith.constant 0 : i32
      %dma_start3A_139 = tpu.memref_slice %arg9[%dma_start3A_136, %dma_start3A_137, %dma_start3A_138] : memref<4x112x128xf32, #tpu.memory_space<vmem>> -> memref<1x112x128xf32, #tpu.memory_space<vmem>>
      %dma_start3A_140 = tpu.memref_squeeze %dma_start3A_139 : memref<1x112x128xf32, #tpu.memory_space<vmem>> -> memref<112x128xf32, #tpu.memory_space<vmem>>
      %dma_start3A_141 = tpu.memref_slice %arg7[%dma_start3A_135, %add3A_134] : memref<11x3136xi32, #tpu.memory_space<vmem>> -> memref<1x112xi32, #tpu.memory_space<vmem>>
      %dma_start3A_142 = tpu.memref_squeeze %dma_start3A_141 : memref<1x112xi32, #tpu.memory_space<vmem>> -> memref<112xi32, #tpu.memory_space<vmem>>
      %dma_start3A_143 = arith.constant 0 : i32
      %dma_start3A_144 = arith.constant 0 : i32
      %dma_start3A_145 = tpu.memref_slice %arg2[%dma_start3A_143, %dma_start3A_144] : memref<100000x128xf32, #tpu.memory_space<hbm>> -> memref<100000x128xf32, #tpu.memory_space<hbm>>
      tpu.enqueue_indirect_dma source(%dma_start3A_145 : memref<100000x128xf32, #tpu.memory_space<hbm>>) target(%dma_start3A_140 : memref<112x128xf32, #tpu.memory_space<vmem>>) offsets(%dma_start3A_142 : memref<112xi32, #tpu.memory_space<vmem>>) semaphore(%arg13 : memref<!tpu.dma_semaphore, #tpu.memory_space<semaphore_mem>>) {add = true}
      %dma_wait3A_146 = arith.constant 1 : i32
      %dma_wait3A_147 = arith.constant 2 : i32
      %dma_wait3A_148 = arith.constant 0 : i32
      %dma_wait3A_149 = arith.constant 0 : i32
      %dma_wait3A_150 = tpu.memref_slice %arg9[%dma_wait3A_147, %dma_wait3A_148, %dma_wait3A_149] : memref<4x112x128xf32, #tpu.memory_space<vmem>> -> memref<1x112x128xf32, #tpu.memory_space<vmem>>
      %dma_wait3A_151 = tpu.memref_squeeze %dma_wait3A_150 : memref<1x112x128xf32, #tpu.memory_space<vmem>> -> memref<112x128xf32, #tpu.memory_space<vmem>>
      %dma_wait3A_152 = tpu.memref_slice %arg7[%dma_wait3A_146, %add3A_74] : memref<11x3136xi32, #tpu.memory_space<vmem>> -> memref<1x112xi32, #tpu.memory_space<vmem>>
      %dma_wait3A_153 = tpu.memref_squeeze %dma_wait3A_152 : memref<1x112xi32, #tpu.memory_space<vmem>> -> memref<112xi32, #tpu.memory_space<vmem>>
      %dma_wait3A_154 = arith.constant 0 : i32
      %dma_wait3A_155 = arith.constant 0 : i32
      %dma_wait3A_156 = tpu.memref_slice %arg2[%dma_wait3A_154, %dma_wait3A_155] : memref<100000x128xf32, #tpu.memory_space<hbm>> -> memref<100000x128xf32, #tpu.memory_space<hbm>>
      tpu.wait_indirect_dma semaphore(%arg14 : memref<!tpu.dma_semaphore, #tpu.memory_space<semaphore_mem>>) src(%dma_wait3A_156 : memref<100000x128xf32, #tpu.memory_space<hbm>>) dst(%dma_wait3A_151 : memref<112x128xf32, #tpu.memory_space<vmem>>)
      %add3A_157 = arith.constant 112 : i32
      %add3A_158 = arith.addi %add3A, %add3A_157 : i32
      %dma_start3A_159 = arith.constant 2 : i32
      %dma_start3A_160 = arith.constant 2 : i32
      %dma_start3A_161 = arith.constant 0 : i32
      %dma_start3A_162 = arith.constant 0 : i32
      %dma_start3A_163 = tpu.memref_slice %arg9[%dma_start3A_160, %dma_start3A_161, %dma_start3A_162] : memref<4x112x128xf32, #tpu.memory_space<vmem>> -> memref<1x112x128xf32, #tpu.memory_space<vmem>>
      %dma_start3A_164 = tpu.memref_squeeze %dma_start3A_163 : memref<1x112x128xf32, #tpu.memory_space<vmem>> -> memref<112x128xf32, #tpu.memory_space<vmem>>
      %dma_start3A_165 = tpu.memref_slice %arg7[%dma_start3A_159, %add3A_158] : memref<11x3136xi32, #tpu.memory_space<vmem>> -> memref<1x112xi32, #tpu.memory_space<vmem>>
      %dma_start3A_166 = tpu.memref_squeeze %dma_start3A_165 : memref<1x112xi32, #tpu.memory_space<vmem>> -> memref<112xi32, #tpu.memory_space<vmem>>
      %dma_start3A_167 = arith.constant 0 : i32
      %dma_start3A_168 = arith.constant 0 : i32
      %dma_start3A_169 = tpu.memref_slice %arg2[%dma_start3A_167, %dma_start3A_168] : memref<100000x128xf32, #tpu.memory_space<hbm>> -> memref<100000x128xf32, #tpu.memory_space<hbm>>
      tpu.enqueue_indirect_dma source(%dma_start3A_169 : memref<100000x128xf32, #tpu.memory_space<hbm>>) target(%dma_start3A_164 : memref<112x128xf32, #tpu.memory_space<vmem>>) offsets(%dma_start3A_166 : memref<112xi32, #tpu.memory_space<vmem>>) semaphore(%arg14 : memref<!tpu.dma_semaphore, #tpu.memory_space<semaphore_mem>>) {add = true}
      %dma_wait3A_170 = arith.constant 6 : i32
      %dma_wait3A_171 = arith.constant 3 : i32
      %dma_wait3A_172 = arith.constant 0 : i32
      %dma_wait3A_173 = arith.constant 0 : i32
      %dma_wait3A_174 = tpu.memref_slice %arg9[%dma_wait3A_171, %dma_wait3A_172, %dma_wait3A_173] : memref<4x112x128xf32, #tpu.memory_space<vmem>> -> memref<1x112x128xf32, #tpu.memory_space<vmem>>
      %dma_wait3A_175 = tpu.memref_squeeze %dma_wait3A_174 : memref<1x112x128xf32, #tpu.memory_space<vmem>> -> memref<112x128xf32, #tpu.memory_space<vmem>>
      %dma_wait3A_176 = tpu.memref_slice %arg7[%dma_wait3A_170, %add3A_87] : memref<11x3136xi32, #tpu.memory_space<vmem>> -> memref<1x112xi32, #tpu.memory_space<vmem>>
      %dma_wait3A_177 = tpu.memref_squeeze %dma_wait3A_176 : memref<1x112xi32, #tpu.memory_space<vmem>> -> memref<112xi32, #tpu.memory_space<vmem>>
      %dma_wait3A_178 = arith.constant 0 : i32
      %dma_wait3A_179 = arith.constant 0 : i32
      %dma_wait3A_180 = tpu.memref_slice %arg2[%dma_wait3A_178, %dma_wait3A_179] : memref<100000x128xf32, #tpu.memory_space<hbm>> -> memref<100000x128xf32, #tpu.memory_space<hbm>>
      tpu.wait_indirect_dma semaphore(%arg15 : memref<!tpu.dma_semaphore, #tpu.memory_space<semaphore_mem>>) src(%dma_wait3A_180 : memref<100000x128xf32, #tpu.memory_space<hbm>>) dst(%dma_wait3A_175 : memref<112x128xf32, #tpu.memory_space<vmem>>)
      %add3A_181 = arith.constant 112 : i32
      %add3A_182 = arith.addi %add3A, %add3A_181 : i32
      %dma_start3A_183 = arith.constant 7 : i32
      %dma_start3A_184 = arith.constant 3 : i32
      %dma_start3A_185 = arith.constant 0 : i32
      %dma_start3A_186 = arith.constant 0 : i32
      %dma_start3A_187 = tpu.memref_slice %arg9[%dma_start3A_184, %dma_start3A_185, %dma_start3A_186] : memref<4x112x128xf32, #tpu.memory_space<vmem>> -> memref<1x112x128xf32, #tpu.memory_space<vmem>>
      %dma_start3A_188 = tpu.memref_squeeze %dma_start3A_187 : memref<1x112x128xf32, #tpu.memory_space<vmem>> -> memref<112x128xf32, #tpu.memory_space<vmem>>
      %dma_start3A_189 = tpu.memref_slice %arg7[%dma_start3A_183, %add3A_182] : memref<11x3136xi32, #tpu.memory_space<vmem>> -> memref<1x112xi32, #tpu.memory_space<vmem>>
      %dma_start3A_190 = tpu.memref_squeeze %dma_start3A_189 : memref<1x112xi32, #tpu.memory_space<vmem>> -> memref<112xi32, #tpu.memory_space<vmem>>
      %dma_start3A_191 = arith.constant 0 : i32
      %dma_start3A_192 = arith.constant 0 : i32
      %dma_start3A_193 = tpu.memref_slice %arg2[%dma_start3A_191, %dma_start3A_192] : memref<100000x128xf32, #tpu.memory_space<hbm>> -> memref<100000x128xf32, #tpu.memory_space<hbm>>
      tpu.enqueue_indirect_dma source(%dma_start3A_193 : memref<100000x128xf32, #tpu.memory_space<hbm>>) target(%dma_start3A_188 : memref<112x128xf32, #tpu.memory_space<vmem>>) offsets(%dma_start3A_190 : memref<112xi32, #tpu.memory_space<vmem>>) semaphore(%arg15 : memref<!tpu.dma_semaphore, #tpu.memory_space<semaphore_mem>>) {add = true}
      %dma_wait3A_194 = arith.constant 2 : i32
      %dma_wait3A_195 = arith.constant 0 : i32
      %dma_wait3A_196 = arith.constant 0 : i32
      %dma_wait3A_197 = arith.constant 0 : i32
      %dma_wait3A_198 = tpu.memref_slice %arg9[%dma_wait3A_195, %dma_wait3A_196, %dma_wait3A_197] : memref<4x112x128xf32, #tpu.memory_space<vmem>> -> memref<1x112x128xf32, #tpu.memory_space<vmem>>
      %dma_wait3A_199 = tpu.memref_squeeze %dma_wait3A_198 : memref<1x112x128xf32, #tpu.memory_space<vmem>> -> memref<112x128xf32, #tpu.memory_space<vmem>>
      %dma_wait3A_200 = tpu.memref_slice %arg7[%dma_wait3A_194, %add3A_110] : memref<11x3136xi32, #tpu.memory_space<vmem>> -> memref<1x112xi32, #tpu.memory_space<vmem>>
      %dma_wait3A_201 = tpu.memref_squeeze %dma_wait3A_200 : memref<1x112xi32, #tpu.memory_space<vmem>> -> memref<112xi32, #tpu.memory_space<vmem>>
      %dma_wait3A_202 = arith.constant 0 : i32
      %dma_wait3A_203 = arith.constant 0 : i32
      %dma_wait3A_204 = tpu.memref_slice %arg2[%dma_wait3A_202, %dma_wait3A_203] : memref<100000x128xf32, #tpu.memory_space<hbm>> -> memref<100000x128xf32, #tpu.memory_space<hbm>>
      tpu.wait_indirect_dma semaphore(%arg12 : memref<!tpu.dma_semaphore, #tpu.memory_space<semaphore_mem>>) src(%dma_wait3A_204 : memref<100000x128xf32, #tpu.memory_space<hbm>>) dst(%dma_wait3A_199 : memref<112x128xf32, #tpu.memory_space<vmem>>)
      %add3A_205 = arith.constant 0 : i32
      %add3A_206 = arith.addi %add3A, %add3A_205 : i32
      %dma_start3A_207 = arith.constant 3 : i32
      %dma_start3A_208 = arith.constant 0 : i32
      %dma_start3A_209 = arith.constant 0 : i32
      %dma_start3A_210 = arith.constant 0 : i32
      %dma_start3A_211 = tpu.memref_slice %arg9[%dma_start3A_208, %dma_start3A_209, %dma_start3A_210] : memref<4x112x128xf32, #tpu.memory_space<vmem>> -> memref<1x112x128xf32, #tpu.memory_space<vmem>>
      %dma_start3A_212 = tpu.memref_squeeze %dma_start3A_211 : memref<1x112x128xf32, #tpu.memory_space<vmem>> -> memref<112x128xf32, #tpu.memory_space<vmem>>
      %dma_start3A_213 = tpu.memref_slice %arg7[%dma_start3A_207, %add3A_206] : memref<11x3136xi32, #tpu.memory_space<vmem>> -> memref<1x112xi32, #tpu.memory_space<vmem>>
      %dma_start3A_214 = tpu.memref_squeeze %dma_start3A_213 : memref<1x112xi32, #tpu.memory_space<vmem>> -> memref<112xi32, #tpu.memory_space<vmem>>
      %dma_start3A_215 = arith.constant 0 : i32
      %dma_start3A_216 = arith.constant 0 : i32
      %dma_start3A_217 = tpu.memref_slice %arg2[%dma_start3A_215, %dma_start3A_216] : memref<100000x128xf32, #tpu.memory_space<hbm>> -> memref<100000x128xf32, #tpu.memory_space<hbm>>
      tpu.enqueue_indirect_dma source(%dma_start3A_217 : memref<100000x128xf32, #tpu.memory_space<hbm>>) target(%dma_start3A_212 : memref<112x128xf32, #tpu.memory_space<vmem>>) offsets(%dma_start3A_214 : memref<112xi32, #tpu.memory_space<vmem>>) semaphore(%arg12 : memref<!tpu.dma_semaphore, #tpu.memory_space<semaphore_mem>>) {add = true}
      %dma_wait3A_218 = arith.constant 7 : i32
      %dma_wait3A_219 = arith.constant 1 : i32
      %dma_wait3A_220 = arith.constant 0 : i32
      %dma_wait3A_221 = arith.constant 0 : i32
      %dma_wait3A_222 = tpu.memref_slice %arg9[%dma_wait3A_219, %dma_wait3A_220, %dma_wait3A_221] : memref<4x112x128xf32, #tpu.memory_space<vmem>> -> memref<1x112x128xf32, #tpu.memory_space<vmem>>
      %dma_wait3A_223 = tpu.memref_squeeze %dma_wait3A_222 : memref<1x112x128xf32, #tpu.memory_space<vmem>> -> memref<112x128xf32, #tpu.memory_space<vmem>>
      %dma_wait3A_224 = tpu.memref_slice %arg7[%dma_wait3A_218, %add3A_134] : memref<11x3136xi32, #tpu.memory_space<vmem>> -> memref<1x112xi32, #tpu.memory_space<vmem>>
      %dma_wait3A_225 = tpu.memref_squeeze %dma_wait3A_224 : memref<1x112xi32, #tpu.memory_space<vmem>> -> memref<112xi32, #tpu.memory_space<vmem>>
      %dma_wait3A_226 = arith.constant 0 : i32
      %dma_wait3A_227 = arith.constant 0 : i32
      %dma_wait3A_228 = tpu.memref_slice %arg2[%dma_wait3A_226, %dma_wait3A_227] : memref<100000x128xf32, #tpu.memory_space<hbm>> -> memref<100000x128xf32, #tpu.memory_space<hbm>>
      tpu.wait_indirect_dma semaphore(%arg13 : memref<!tpu.dma_semaphore, #tpu.memory_space<semaphore_mem>>) src(%dma_wait3A_228 : memref<100000x128xf32, #tpu.memory_space<hbm>>) dst(%dma_wait3A_223 : memref<112x128xf32, #tpu.memory_space<vmem>>)
      %add3A_229 = arith.constant 0 : i32
      %add3A_230 = arith.addi %add3A, %add3A_229 : i32
      %dma_start3A_231 = arith.constant 8 : i32
      %dma_start3A_232 = arith.constant 1 : i32
      %dma_start3A_233 = arith.constant 0 : i32
      %dma_start3A_234 = arith.constant 0 : i32
      %dma_start3A_235 = tpu.memref_slice %arg9[%dma_start3A_232, %dma_start3A_233, %dma_start3A_234] : memref<4x112x128xf32, #tpu.memory_space<vmem>> -> memref<1x112x128xf32, #tpu.memory_space<vmem>>
      %dma_start3A_236 = tpu.memref_squeeze %dma_start3A_235 : memref<1x112x128xf32, #tpu.memory_space<vmem>> -> memref<112x128xf32, #tpu.memory_space<vmem>>
      %dma_start3A_237 = tpu.memref_slice %arg7[%dma_start3A_231, %add3A_230] : memref<11x3136xi32, #tpu.memory_space<vmem>> -> memref<1x112xi32, #tpu.memory_space<vmem>>
      %dma_start3A_238 = tpu.memref_squeeze %dma_start3A_237 : memref<1x112xi32, #tpu.memory_space<vmem>> -> memref<112xi32, #tpu.memory_space<vmem>>
      %dma_start3A_239 = arith.constant 0 : i32
      %dma_start3A_240 = arith.constant 0 : i32
      %dma_start3A_241 = tpu.memref_slice %arg2[%dma_start3A_239, %dma_start3A_240] : memref<100000x128xf32, #tpu.memory_space<hbm>> -> memref<100000x128xf32, #tpu.memory_space<hbm>>
      tpu.enqueue_indirect_dma source(%dma_start3A_241 : memref<100000x128xf32, #tpu.memory_space<hbm>>) target(%dma_start3A_236 : memref<112x128xf32, #tpu.memory_space<vmem>>) offsets(%dma_start3A_238 : memref<112xi32, #tpu.memory_space<vmem>>) semaphore(%arg13 : memref<!tpu.dma_semaphore, #tpu.memory_space<semaphore_mem>>) {add = true}
      %dma_wait3A_242 = arith.constant 2 : i32
      %dma_wait3A_243 = arith.constant 2 : i32
      %dma_wait3A_244 = arith.constant 0 : i32
      %dma_wait3A_245 = arith.constant 0 : i32
      %dma_wait3A_246 = tpu.memref_slice %arg9[%dma_wait3A_243, %dma_wait3A_244, %dma_wait3A_245] : memref<4x112x128xf32, #tpu.memory_space<vmem>> -> memref<1x112x128xf32, #tpu.memory_space<vmem>>
      %dma_wait3A_247 = tpu.memref_squeeze %dma_wait3A_246 : memref<1x112x128xf32, #tpu.memory_space<vmem>> -> memref<112x128xf32, #tpu.memory_space<vmem>>
      %dma_wait3A_248 = tpu.memref_slice %arg7[%dma_wait3A_242, %add3A_158] : memref<11x3136xi32, #tpu.memory_space<vmem>> -> memref<1x112xi32, #tpu.memory_space<vmem>>
      %dma_wait3A_249 = tpu.memref_squeeze %dma_wait3A_248 : memref<1x112xi32, #tpu.memory_space<vmem>> -> memref<112xi32, #tpu.memory_space<vmem>>
      %dma_wait3A_250 = arith.constant 0 : i32
      %dma_wait3A_251 = arith.constant 0 : i32
      %dma_wait3A_252 = tpu.memref_slice %arg2[%dma_wait3A_250, %dma_wait3A_251] : memref<100000x128xf32, #tpu.memory_space<hbm>> -> memref<100000x128xf32, #tpu.memory_space<hbm>>
      tpu.wait_indirect_dma semaphore(%arg14 : memref<!tpu.dma_semaphore, #tpu.memory_space<semaphore_mem>>) src(%dma_wait3A_252 : memref<100000x128xf32, #tpu.memory_space<hbm>>) dst(%dma_wait3A_247 : memref<112x128xf32, #tpu.memory_space<vmem>>)
      %add3A_253 = arith.constant 112 : i32
      %add3A_254 = arith.addi %add3A, %add3A_253 : i32
      %dma_start3A_255 = arith.constant 3 : i32
      %dma_start3A_256 = arith.constant 2 : i32
      %dma_start3A_257 = arith.constant 0 : i32
      %dma_start3A_258 = arith.constant 0 : i32
      %dma_start3A_259 = tpu.memref_slice %arg9[%dma_start3A_256, %dma_start3A_257, %dma_start3A_258] : memref<4x112x128xf32, #tpu.memory_space<vmem>> -> memref<1x112x128xf32, #tpu.memory_space<vmem>>
      %dma_start3A_260 = tpu.memref_squeeze %dma_start3A_259 : memref<1x112x128xf32, #tpu.memory_space<vmem>> -> memref<112x128xf32, #tpu.memory_space<vmem>>
      %dma_start3A_261 = tpu.memref_slice %arg7[%dma_start3A_255, %add3A_254] : memref<11x3136xi32, #tpu.memory_space<vmem>> -> memref<1x112xi32, #tpu.memory_space<vmem>>
      %dma_start3A_262 = tpu.memref_squeeze %dma_start3A_261 : memref<1x112xi32, #tpu.memory_space<vmem>> -> memref<112xi32, #tpu.memory_space<vmem>>
      %dma_start3A_263 = arith.constant 0 : i32
      %dma_start3A_264 = arith.constant 0 : i32
      %dma_start3A_265 = tpu.memref_slice %arg2[%dma_start3A_263, %dma_start3A_264] : memref<100000x128xf32, #tpu.memory_space<hbm>> -> memref<100000x128xf32, #tpu.memory_space<hbm>>
      tpu.enqueue_indirect_dma source(%dma_start3A_265 : memref<100000x128xf32, #tpu.memory_space<hbm>>) target(%dma_start3A_260 : memref<112x128xf32, #tpu.memory_space<vmem>>) offsets(%dma_start3A_262 : memref<112xi32, #tpu.memory_space<vmem>>) semaphore(%arg14 : memref<!tpu.dma_semaphore, #tpu.memory_space<semaphore_mem>>) {add = true}
      %dma_wait3A_266 = arith.constant 7 : i32
      %dma_wait3A_267 = arith.constant 3 : i32
      %dma_wait3A_268 = arith.constant 0 : i32
      %dma_wait3A_269 = arith.constant 0 : i32
      %dma_wait3A_270 = tpu.memref_slice %arg9[%dma_wait3A_267, %dma_wait3A_268, %dma_wait3A_269] : memref<4x112x128xf32, #tpu.memory_space<vmem>> -> memref<1x112x128xf32, #tpu.memory_space<vmem>>
      %dma_wait3A_271 = tpu.memref_squeeze %dma_wait3A_270 : memref<1x112x128xf32, #tpu.memory_space<vmem>> -> memref<112x128xf32, #tpu.memory_space<vmem>>
      %dma_wait3A_272 = tpu.memref_slice %arg7[%dma_wait3A_266, %add3A_182] : memref<11x3136xi32, #tpu.memory_space<vmem>> -> memref<1x112xi32, #tpu.memory_space<vmem>>
      %dma_wait3A_273 = tpu.memref_squeeze %dma_wait3A_272 : memref<1x112xi32, #tpu.memory_space<vmem>> -> memref<112xi32, #tpu.memory_space<vmem>>
      %dma_wait3A_274 = arith.constant 0 : i32
      %dma_wait3A_275 = arith.constant 0 : i32
      %dma_wait3A_276 = tpu.memref_slice %arg2[%dma_wait3A_274, %dma_wait3A_275] : memref<100000x128xf32, #tpu.memory_space<hbm>> -> memref<100000x128xf32, #tpu.memory_space<hbm>>
      tpu.wait_indirect_dma semaphore(%arg15 : memref<!tpu.dma_semaphore, #tpu.memory_space<semaphore_mem>>) src(%dma_wait3A_276 : memref<100000x128xf32, #tpu.memory_space<hbm>>) dst(%dma_wait3A_271 : memref<112x128xf32, #tpu.memory_space<vmem>>)
      %add3A_277 = arith.constant 112 : i32
      %add3A_278 = arith.addi %add3A, %add3A_277 : i32
      %dma_start3A_279 = arith.constant 8 : i32
      %dma_start3A_280 = arith.constant 3 : i32
      %dma_start3A_281 = arith.constant 0 : i32
      %dma_start3A_282 = arith.constant 0 : i32
      %dma_start3A_283 = tpu.memref_slice %arg9[%dma_start3A_280, %dma_start3A_281, %dma_start3A_282] : memref<4x112x128xf32, #tpu.memory_space<vmem>> -> memref<1x112x128xf32, #tpu.memory_space<vmem>>
      %dma_start3A_284 = tpu.memref_squeeze %dma_start3A_283 : memref<1x112x128xf32, #tpu.memory_space<vmem>> -> memref<112x128xf32, #tpu.memory_space<vmem>>
      %dma_start3A_285 = tpu.memref_slice %arg7[%dma_start3A_279, %add3A_278] : memref<11x3136xi32, #tpu.memory_space<vmem>> -> memref<1x112xi32, #tpu.memory_space<vmem>>
      %dma_start3A_286 = tpu.memref_squeeze %dma_start3A_285 : memref<1x112xi32, #tpu.memory_space<vmem>> -> memref<112xi32, #tpu.memory_space<vmem>>
      %dma_start3A_287 = arith.constant 0 : i32
      %dma_start3A_288 = arith.constant 0 : i32
      %dma_start3A_289 = tpu.memref_slice %arg2[%dma_start3A_287, %dma_start3A_288] : memref<100000x128xf32, #tpu.memory_space<hbm>> -> memref<100000x128xf32, #tpu.memory_space<hbm>>
      tpu.enqueue_indirect_dma source(%dma_start3A_289 : memref<100000x128xf32, #tpu.memory_space<hbm>>) target(%dma_start3A_284 : memref<112x128xf32, #tpu.memory_space<vmem>>) offsets(%dma_start3A_286 : memref<112xi32, #tpu.memory_space<vmem>>) semaphore(%arg15 : memref<!tpu.dma_semaphore, #tpu.memory_space<semaphore_mem>>) {add = true}
      %dma_wait3A_290 = arith.constant 3 : i32
      %dma_wait3A_291 = arith.constant 0 : i32
      %dma_wait3A_292 = arith.constant 0 : i32
      %dma_wait3A_293 = arith.constant 0 : i32
      %dma_wait3A_294 = tpu.memref_slice %arg9[%dma_wait3A_291, %dma_wait3A_292, %dma_wait3A_293] : memref<4x112x128xf32, #tpu.memory_space<vmem>> -> memref<1x112x128xf32, #tpu.memory_space<vmem>>
      %dma_wait3A_295 = tpu.memref_squeeze %dma_wait3A_294 : memref<1x112x128xf32, #tpu.memory_space<vmem>> -> memref<112x128xf32, #tpu.memory_space<vmem>>
      %dma_wait3A_296 = tpu.memref_slice %arg7[%dma_wait3A_290, %add3A_206] : memref<11x3136xi32, #tpu.memory_space<vmem>> -> memref<1x112xi32, #tpu.memory_space<vmem>>
      %dma_wait3A_297 = tpu.memref_squeeze %dma_wait3A_296 : memref<1x112xi32, #tpu.memory_space<vmem>> -> memref<112xi32, #tpu.memory_space<vmem>>
      %dma_wait3A_298 = arith.constant 0 : i32
      %dma_wait3A_299 = arith.constant 0 : i32
      %dma_wait3A_300 = tpu.memref_slice %arg2[%dma_wait3A_298, %dma_wait3A_299] : memref<100000x128xf32, #tpu.memory_space<hbm>> -> memref<100000x128xf32, #tpu.memory_space<hbm>>
      tpu.wait_indirect_dma semaphore(%arg12 : memref<!tpu.dma_semaphore, #tpu.memory_space<semaphore_mem>>) src(%dma_wait3A_300 : memref<100000x128xf32, #tpu.memory_space<hbm>>) dst(%dma_wait3A_295 : memref<112x128xf32, #tpu.memory_space<vmem>>)
      %add3A_301 = arith.constant 0 : i32
      %add3A_302 = arith.addi %add3A, %add3A_301 : i32
      %dma_start3A_303 = arith.constant 4 : i32
      %dma_start3A_304 = arith.constant 0 : i32
      %dma_start3A_305 = arith.constant 0 : i32
      %dma_start3A_306 = arith.constant 0 : i32
      %dma_start3A_307 = tpu.memref_slice %arg9[%dma_start3A_304, %dma_start3A_305, %dma_start3A_306] : memref<4x112x128xf32, #tpu.memory_space<vmem>> -> memref<1x112x128xf32, #tpu.memory_space<vmem>>
      %dma_start3A_308 = tpu.memref_squeeze %dma_start3A_307 : memref<1x112x128xf32, #tpu.memory_space<vmem>> -> memref<112x128xf32, #tpu.memory_space<vmem>>
      %dma_start3A_309 = tpu.memref_slice %arg7[%dma_start3A_303, %add3A_302] : memref<11x3136xi32, #tpu.memory_space<vmem>> -> memref<1x112xi32, #tpu.memory_space<vmem>>
      %dma_start3A_310 = tpu.memref_squeeze %dma_start3A_309 : memref<1x112xi32, #tpu.memory_space<vmem>> -> memref<112xi32, #tpu.memory_space<vmem>>
      %dma_start3A_311 = arith.constant 0 : i32
      %dma_start3A_312 = arith.constant 0 : i32
      %dma_start3A_313 = tpu.memref_slice %arg2[%dma_start3A_311, %dma_start3A_312] : memref<100000x128xf32, #tpu.memory_space<hbm>> -> memref<100000x128xf32, #tpu.memory_space<hbm>>
      tpu.enqueue_indirect_dma source(%dma_start3A_313 : memref<100000x128xf32, #tpu.memory_space<hbm>>) target(%dma_start3A_308 : memref<112x128xf32, #tpu.memory_space<vmem>>) offsets(%dma_start3A_310 : memref<112xi32, #tpu.memory_space<vmem>>) semaphore(%arg12 : memref<!tpu.dma_semaphore, #tpu.memory_space<semaphore_mem>>) {add = true}
      %dma_wait3A_314 = arith.constant 8 : i32
      %dma_wait3A_315 = arith.constant 1 : i32
      %dma_wait3A_316 = arith.constant 0 : i32
      %dma_wait3A_317 = arith.constant 0 : i32
      %dma_wait3A_318 = tpu.memref_slice %arg9[%dma_wait3A_315, %dma_wait3A_316, %dma_wait3A_317] : memref<4x112x128xf32, #tpu.memory_space<vmem>> -> memref<1x112x128xf32, #tpu.memory_space<vmem>>
      %dma_wait3A_319 = tpu.memref_squeeze %dma_wait3A_318 : memref<1x112x128xf32, #tpu.memory_space<vmem>> -> memref<112x128xf32, #tpu.memory_space<vmem>>
      %dma_wait3A_320 = tpu.memref_slice %arg7[%dma_wait3A_314, %add3A_230] : memref<11x3136xi32, #tpu.memory_space<vmem>> -> memref<1x112xi32, #tpu.memory_space<vmem>>
      %dma_wait3A_321 = tpu.memref_squeeze %dma_wait3A_320 : memref<1x112xi32, #tpu.memory_space<vmem>> -> memref<112xi32, #tpu.memory_space<vmem>>
      %dma_wait3A_322 = arith.constant 0 : i32
      %dma_wait3A_323 = arith.constant 0 : i32
      %dma_wait3A_324 = tpu.memref_slice %arg2[%dma_wait3A_322, %dma_wait3A_323] : memref<100000x128xf32, #tpu.memory_space<hbm>> -> memref<100000x128xf32, #tpu.memory_space<hbm>>
      tpu.wait_indirect_dma semaphore(%arg13 : memref<!tpu.dma_semaphore, #tpu.memory_space<semaphore_mem>>) src(%dma_wait3A_324 : memref<100000x128xf32, #tpu.memory_space<hbm>>) dst(%dma_wait3A_319 : memref<112x128xf32, #tpu.memory_space<vmem>>)
      %add3A_325 = arith.constant 0 : i32
      %add3A_326 = arith.addi %add3A, %add3A_325 : i32
      %dma_start3A_327 = arith.constant 9 : i32
      %dma_start3A_328 = arith.constant 1 : i32
      %dma_start3A_329 = arith.constant 0 : i32
      %dma_start3A_330 = arith.constant 0 : i32
      %dma_start3A_331 = tpu.memref_slice %arg9[%dma_start3A_328, %dma_start3A_329, %dma_start3A_330] : memref<4x112x128xf32, #tpu.memory_space<vmem>> -> memref<1x112x128xf32, #tpu.memory_space<vmem>>
      %dma_start3A_332 = tpu.memref_squeeze %dma_start3A_331 : memref<1x112x128xf32, #tpu.memory_space<vmem>> -> memref<112x128xf32, #tpu.memory_space<vmem>>
      %dma_start3A_333 = tpu.memref_slice %arg7[%dma_start3A_327, %add3A_326] : memref<11x3136xi32, #tpu.memory_space<vmem>> -> memref<1x112xi32, #tpu.memory_space<vmem>>
      %dma_start3A_334 = tpu.memref_squeeze %dma_start3A_333 : memref<1x112xi32, #tpu.memory_space<vmem>> -> memref<112xi32, #tpu.memory_space<vmem>>
      %dma_start3A_335 = arith.constant 0 : i32
      %dma_start3A_336 = arith.constant 0 : i32
      %dma_start3A_337 = tpu.memref_slice %arg2[%dma_start3A_335, %dma_start3A_336] : memref<100000x128xf32, #tpu.memory_space<hbm>> -> memref<100000x128xf32, #tpu.memory_space<hbm>>
      tpu.enqueue_indirect_dma source(%dma_start3A_337 : memref<100000x128xf32, #tpu.memory_space<hbm>>) target(%dma_start3A_332 : memref<112x128xf32, #tpu.memory_space<vmem>>) offsets(%dma_start3A_334 : memref<112xi32, #tpu.memory_space<vmem>>) semaphore(%arg13 : memref<!tpu.dma_semaphore, #tpu.memory_space<semaphore_mem>>) {add = true}
      %dma_wait3A_338 = arith.constant 3 : i32
      %dma_wait3A_339 = arith.constant 2 : i32
      %dma_wait3A_340 = arith.constant 0 : i32
      %dma_wait3A_341 = arith.constant 0 : i32
      %dma_wait3A_342 = tpu.memref_slice %arg9[%dma_wait3A_339, %dma_wait3A_340, %dma_wait3A_341] : memref<4x112x128xf32, #tpu.memory_space<vmem>> -> memref<1x112x128xf32, #tpu.memory_space<vmem>>
      %dma_wait3A_343 = tpu.memref_squeeze %dma_wait3A_342 : memref<1x112x128xf32, #tpu.memory_space<vmem>> -> memref<112x128xf32, #tpu.memory_space<vmem>>
      %dma_wait3A_344 = tpu.memref_slice %arg7[%dma_wait3A_338, %add3A_254] : memref<11x3136xi32, #tpu.memory_space<vmem>> -> memref<1x112xi32, #tpu.memory_space<vmem>>
      %dma_wait3A_345 = tpu.memref_squeeze %dma_wait3A_344 : memref<1x112xi32, #tpu.memory_space<vmem>> -> memref<112xi32, #tpu.memory_space<vmem>>
      %dma_wait3A_346 = arith.constant 0 : i32
      %dma_wait3A_347 = arith.constant 0 : i32
      %dma_wait3A_348 = tpu.memref_slice %arg2[%dma_wait3A_346, %dma_wait3A_347] : memref<100000x128xf32, #tpu.memory_space<hbm>> -> memref<100000x128xf32, #tpu.memory_space<hbm>>
      tpu.wait_indirect_dma semaphore(%arg14 : memref<!tpu.dma_semaphore, #tpu.memory_space<semaphore_mem>>) src(%dma_wait3A_348 : memref<100000x128xf32, #tpu.memory_space<hbm>>) dst(%dma_wait3A_343 : memref<112x128xf32, #tpu.memory_space<vmem>>)
      %add3A_349 = arith.constant 112 : i32
      %add3A_350 = arith.addi %add3A, %add3A_349 : i32
      %dma_start3A_351 = arith.constant 4 : i32
      %dma_start3A_352 = arith.constant 2 : i32
      %dma_start3A_353 = arith.constant 0 : i32
      %dma_start3A_354 = arith.constant 0 : i32
      %dma_start3A_355 = tpu.memref_slice %arg9[%dma_start3A_352, %dma_start3A_353, %dma_start3A_354] : memref<4x112x128xf32, #tpu.memory_space<vmem>> -> memref<1x112x128xf32, #tpu.memory_space<vmem>>
      %dma_start3A_356 = tpu.memref_squeeze %dma_start3A_355 : memref<1x112x128xf32, #tpu.memory_space<vmem>> -> memref<112x128xf32, #tpu.memory_space<vmem>>
      %dma_start3A_357 = tpu.memref_slice %arg7[%dma_start3A_351, %add3A_350] : memref<11x3136xi32, #tpu.memory_space<vmem>> -> memref<1x112xi32, #tpu.memory_space<vmem>>
      %dma_start3A_358 = tpu.memref_squeeze %dma_start3A_357 : memref<1x112xi32, #tpu.memory_space<vmem>> -> memref<112xi32, #tpu.memory_space<vmem>>
      %dma_start3A_359 = arith.constant 0 : i32
      %dma_start3A_360 = arith.constant 0 : i32
      %dma_start3A_361 = tpu.memref_slice %arg2[%dma_start3A_359, %dma_start3A_360] : memref<100000x128xf32, #tpu.memory_space<hbm>> -> memref<100000x128xf32, #tpu.memory_space<hbm>>
      tpu.enqueue_indirect_dma source(%dma_start3A_361 : memref<100000x128xf32, #tpu.memory_space<hbm>>) target(%dma_start3A_356 : memref<112x128xf32, #tpu.memory_space<vmem>>) offsets(%dma_start3A_358 : memref<112xi32, #tpu.memory_space<vmem>>) semaphore(%arg14 : memref<!tpu.dma_semaphore, #tpu.memory_space<semaphore_mem>>) {add = true}
      %dma_wait3A_362 = arith.constant 8 : i32
      %dma_wait3A_363 = arith.constant 3 : i32
      %dma_wait3A_364 = arith.constant 0 : i32
      %dma_wait3A_365 = arith.constant 0 : i32
      %dma_wait3A_366 = tpu.memref_slice %arg9[%dma_wait3A_363, %dma_wait3A_364, %dma_wait3A_365] : memref<4x112x128xf32, #tpu.memory_space<vmem>> -> memref<1x112x128xf32, #tpu.memory_space<vmem>>
      %dma_wait3A_367 = tpu.memref_squeeze %dma_wait3A_366 : memref<1x112x128xf32, #tpu.memory_space<vmem>> -> memref<112x128xf32, #tpu.memory_space<vmem>>
      %dma_wait3A_368 = tpu.memref_slice %arg7[%dma_wait3A_362, %add3A_278] : memref<11x3136xi32, #tpu.memory_space<vmem>> -> memref<1x112xi32, #tpu.memory_space<vmem>>
      %dma_wait3A_369 = tpu.memref_squeeze %dma_wait3A_368 : memref<1x112xi32, #tpu.memory_space<vmem>> -> memref<112xi32, #tpu.memory_space<vmem>>
      %dma_wait3A_370 = arith.constant 0 : i32
      %dma_wait3A_371 = arith.constant 0 : i32
      %dma_wait3A_372 = tpu.memref_slice %arg2[%dma_wait3A_370, %dma_wait3A_371] : memref<100000x128xf32, #tpu.memory_space<hbm>> -> memref<100000x128xf32, #tpu.memory_space<hbm>>
      tpu.wait_indirect_dma semaphore(%arg15 : memref<!tpu.dma_semaphore, #tpu.memory_space<semaphore_mem>>) src(%dma_wait3A_372 : memref<100000x128xf32, #tpu.memory_space<hbm>>) dst(%dma_wait3A_367 : memref<112x128xf32, #tpu.memory_space<vmem>>)
      %add3A_373 = arith.constant 112 : i32
      %add3A_374 = arith.addi %add3A, %add3A_373 : i32
      %dma_start3A_375 = arith.constant 9 : i32
      %dma_start3A_376 = arith.constant 3 : i32
      %dma_start3A_377 = arith.constant 0 : i32
      %dma_start3A_378 = arith.constant 0 : i32
      %dma_start3A_379 = tpu.memref_slice %arg9[%dma_start3A_376, %dma_start3A_377, %dma_start3A_378] : memref<4x112x128xf32, #tpu.memory_space<vmem>> -> memref<1x112x128xf32, #tpu.memory_space<vmem>>
      %dma_start3A_380 = tpu.memref_squeeze %dma_start3A_379 : memref<1x112x128xf32, #tpu.memory_space<vmem>> -> memref<112x128xf32, #tpu.memory_space<vmem>>
      %dma_start3A_381 = tpu.memref_slice %arg7[%dma_start3A_375, %add3A_374] : memref<11x3136xi32, #tpu.memory_space<vmem>> -> memref<1x112xi32, #tpu.memory_space<vmem>>
      %dma_start3A_382 = tpu.memref_squeeze %dma_start3A_381 : memref<1x112xi32, #tpu.memory_space<vmem>> -> memref<112xi32, #tpu.memory_space<vmem>>
      %dma_start3A_383 = arith.constant 0 : i32
      %dma_start3A_384 = arith.constant 0 : i32
      %dma_start3A_385 = tpu.memref_slice %arg2[%dma_start3A_383, %dma_start3A_384] : memref<100000x128xf32, #tpu.memory_space<hbm>> -> memref<100000x128xf32, #tpu.memory_space<hbm>>
      tpu.enqueue_indirect_dma source(%dma_start3A_385 : memref<100000x128xf32, #tpu.memory_space<hbm>>) target(%dma_start3A_380 : memref<112x128xf32, #tpu.memory_space<vmem>>) offsets(%dma_start3A_382 : memref<112xi32, #tpu.memory_space<vmem>>) semaphore(%arg15 : memref<!tpu.dma_semaphore, #tpu.memory_space<semaphore_mem>>) {add = true}
      %dma_wait3A_386 = arith.constant 4 : i32
      %dma_wait3A_387 = arith.constant 0 : i32
      %dma_wait3A_388 = arith.constant 0 : i32
      %dma_wait3A_389 = arith.constant 0 : i32
      %dma_wait3A_390 = tpu.memref_slice %arg9[%dma_wait3A_387, %dma_wait3A_388, %dma_wait3A_389] : memref<4x112x128xf32, #tpu.memory_space<vmem>> -> memref<1x112x128xf32, #tpu.memory_space<vmem>>
      %dma_wait3A_391 = tpu.memref_squeeze %dma_wait3A_390 : memref<1x112x128xf32, #tpu.memory_space<vmem>> -> memref<112x128xf32, #tpu.memory_space<vmem>>
      %dma_wait3A_392 = tpu.memref_slice %arg7[%dma_wait3A_386, %add3A_302] : memref<11x3136xi32, #tpu.memory_space<vmem>> -> memref<1x112xi32, #tpu.memory_space<vmem>>
      %dma_wait3A_393 = tpu.memref_squeeze %dma_wait3A_392 : memref<1x112xi32, #tpu.memory_space<vmem>> -> memref<112xi32, #tpu.memory_space<vmem>>
      %dma_wait3A_394 = arith.constant 0 : i32
      %dma_wait3A_395 = arith.constant 0 : i32
      %dma_wait3A_396 = tpu.memref_slice %arg2[%dma_wait3A_394, %dma_wait3A_395] : memref<100000x128xf32, #tpu.memory_space<hbm>> -> memref<100000x128xf32, #tpu.memory_space<hbm>>
      tpu.wait_indirect_dma semaphore(%arg12 : memref<!tpu.dma_semaphore, #tpu.memory_space<semaphore_mem>>) src(%dma_wait3A_396 : memref<100000x128xf32, #tpu.memory_space<hbm>>) dst(%dma_wait3A_391 : memref<112x128xf32, #tpu.memory_space<vmem>>)
      %add3A_397 = arith.constant 0 : i32
      %add3A_398 = arith.addi %add3A, %add3A_397 : i32
      %dma_start3A_399 = arith.constant 5 : i32
      %dma_start3A_400 = arith.constant 0 : i32
      %dma_start3A_401 = arith.constant 0 : i32
      %dma_start3A_402 = arith.constant 0 : i32
      %dma_start3A_403 = tpu.memref_slice %arg9[%dma_start3A_400, %dma_start3A_401, %dma_start3A_402] : memref<4x112x128xf32, #tpu.memory_space<vmem>> -> memref<1x112x128xf32, #tpu.memory_space<vmem>>
      %dma_start3A_404 = tpu.memref_squeeze %dma_start3A_403 : memref<1x112x128xf32, #tpu.memory_space<vmem>> -> memref<112x128xf32, #tpu.memory_space<vmem>>
      %dma_start3A_405 = tpu.memref_slice %arg7[%dma_start3A_399, %add3A_398] : memref<11x3136xi32, #tpu.memory_space<vmem>> -> memref<1x112xi32, #tpu.memory_space<vmem>>
      %dma_start3A_406 = tpu.memref_squeeze %dma_start3A_405 : memref<1x112xi32, #tpu.memory_space<vmem>> -> memref<112xi32, #tpu.memory_space<vmem>>
      %dma_start3A_407 = arith.constant 0 : i32
      %dma_start3A_408 = arith.constant 0 : i32
      %dma_start3A_409 = tpu.memref_slice %arg2[%dma_start3A_407, %dma_start3A_408] : memref<100000x128xf32, #tpu.memory_space<hbm>> -> memref<100000x128xf32, #tpu.memory_space<hbm>>
      tpu.enqueue_indirect_dma source(%dma_start3A_409 : memref<100000x128xf32, #tpu.memory_space<hbm>>) target(%dma_start3A_404 : memref<112x128xf32, #tpu.memory_space<vmem>>) offsets(%dma_start3A_406 : memref<112xi32, #tpu.memory_space<vmem>>) semaphore(%arg12 : memref<!tpu.dma_semaphore, #tpu.memory_space<semaphore_mem>>) {add = true}
      %dma_wait3A_410 = arith.constant 9 : i32
      %dma_wait3A_411 = arith.constant 1 : i32
      %dma_wait3A_412 = arith.constant 0 : i32
      %dma_wait3A_413 = arith.constant 0 : i32
      %dma_wait3A_414 = tpu.memref_slice %arg9[%dma_wait3A_411, %dma_wait3A_412, %dma_wait3A_413] : memref<4x112x128xf32, #tpu.memory_space<vmem>> -> memref<1x112x128xf32, #tpu.memory_space<vmem>>
      %dma_wait3A_415 = tpu.memref_squeeze %dma_wait3A_414 : memref<1x112x128xf32, #tpu.memory_space<vmem>> -> memref<112x128xf32, #tpu.memory_space<vmem>>
      %dma_wait3A_416 = tpu.memref_slice %arg7[%dma_wait3A_410, %add3A_326] : memref<11x3136xi32, #tpu.memory_space<vmem>> -> memref<1x112xi32, #tpu.memory_space<vmem>>
      %dma_wait3A_417 = tpu.memref_squeeze %dma_wait3A_416 : memref<1x112xi32, #tpu.memory_space<vmem>> -> memref<112xi32, #tpu.memory_space<vmem>>
      %dma_wait3A_418 = arith.constant 0 : i32
      %dma_wait3A_419 = arith.constant 0 : i32
      %dma_wait3A_420 = tpu.memref_slice %arg2[%dma_wait3A_418, %dma_wait3A_419] : memref<100000x128xf32, #tpu.memory_space<hbm>> -> memref<100000x128xf32, #tpu.memory_space<hbm>>
      tpu.wait_indirect_dma semaphore(%arg13 : memref<!tpu.dma_semaphore, #tpu.memory_space<semaphore_mem>>) src(%dma_wait3A_420 : memref<100000x128xf32, #tpu.memory_space<hbm>>) dst(%dma_wait3A_415 : memref<112x128xf32, #tpu.memory_space<vmem>>)
      %add3A_421 = arith.constant 0 : i32
      %add3A_422 = arith.addi %add3A, %add3A_421 : i32
      %dma_start3A_423 = arith.constant 10 : i32
      %dma_start3A_424 = arith.constant 1 : i32
      %dma_start3A_425 = arith.constant 0 : i32
      %dma_start3A_426 = arith.constant 0 : i32
      %dma_start3A_427 = tpu.memref_slice %arg9[%dma_start3A_424, %dma_start3A_425, %dma_start3A_426] : memref<4x112x128xf32, #tpu.memory_space<vmem>> -> memref<1x112x128xf32, #tpu.memory_space<vmem>>
      %dma_start3A_428 = tpu.memref_squeeze %dma_start3A_427 : memref<1x112x128xf32, #tpu.memory_space<vmem>> -> memref<112x128xf32, #tpu.memory_space<vmem>>
      %dma_start3A_429 = tpu.memref_slice %arg7[%dma_start3A_423, %add3A_422] : memref<11x3136xi32, #tpu.memory_space<vmem>> -> memref<1x112xi32, #tpu.memory_space<vmem>>
      %dma_start3A_430 = tpu.memref_squeeze %dma_start3A_429 : memref<1x112xi32, #tpu.memory_space<vmem>> -> memref<112xi32, #tpu.memory_space<vmem>>
      %dma_start3A_431 = arith.constant 0 : i32
      %dma_start3A_432 = arith.constant 0 : i32
      %dma_start3A_433 = tpu.memref_slice %arg2[%dma_start3A_431, %dma_start3A_432] : memref<100000x128xf32, #tpu.memory_space<hbm>> -> memref<100000x128xf32, #tpu.memory_space<hbm>>
      tpu.enqueue_indirect_dma source(%dma_start3A_433 : memref<100000x128xf32, #tpu.memory_space<hbm>>) target(%dma_start3A_428 : memref<112x128xf32, #tpu.memory_space<vmem>>) offsets(%dma_start3A_430 : memref<112xi32, #tpu.memory_space<vmem>>) semaphore(%arg13 : memref<!tpu.dma_semaphore, #tpu.memory_space<semaphore_mem>>) {add = true}
      %dma_wait3A_434 = arith.constant 4 : i32
      %dma_wait3A_435 = arith.constant 2 : i32
      %dma_wait3A_436 = arith.constant 0 : i32
      %dma_wait3A_437 = arith.constant 0 : i32
      %dma_wait3A_438 = tpu.memref_slice %arg9[%dma_wait3A_435, %dma_wait3A_436, %dma_wait3A_437] : memref<4x112x128xf32, #tpu.memory_space<vmem>> -> memref<1x112x128xf32, #tpu.memory_space<vmem>>
      %dma_wait3A_439 = tpu.memref_squeeze %dma_wait3A_438 : memref<1x112x128xf32, #tpu.memory_space<vmem>> -> memref<112x128xf32, #tpu.memory_space<vmem>>
      %dma_wait3A_440 = tpu.memref_slice %arg7[%dma_wait3A_434, %add3A_350] : memref<11x3136xi32, #tpu.memory_space<vmem>> -> memref<1x112xi32, #tpu.memory_space<vmem>>
      %dma_wait3A_441 = tpu.memref_squeeze %dma_wait3A_440 : memref<1x112xi32, #tpu.memory_space<vmem>> -> memref<112xi32, #tpu.memory_space<vmem>>
      %dma_wait3A_442 = arith.constant 0 : i32
      %dma_wait3A_443 = arith.constant 0 : i32
      %dma_wait3A_444 = tpu.memref_slice %arg2[%dma_wait3A_442, %dma_wait3A_443] : memref<100000x128xf32, #tpu.memory_space<hbm>> -> memref<100000x128xf32, #tpu.memory_space<hbm>>
      tpu.wait_indirect_dma semaphore(%arg14 : memref<!tpu.dma_semaphore, #tpu.memory_space<semaphore_mem>>) src(%dma_wait3A_444 : memref<100000x128xf32, #tpu.memory_space<hbm>>) dst(%dma_wait3A_439 : memref<112x128xf32, #tpu.memory_space<vmem>>)
      %add3A_445 = arith.constant 112 : i32
      %add3A_446 = arith.addi %add3A, %add3A_445 : i32
      %dma_start3A_447 = arith.constant 5 : i32
      %dma_start3A_448 = arith.constant 2 : i32
      %dma_start3A_449 = arith.constant 0 : i32
      %dma_start3A_450 = arith.constant 0 : i32
      %dma_start3A_451 = tpu.memref_slice %arg9[%dma_start3A_448, %dma_start3A_449, %dma_start3A_450] : memref<4x112x128xf32, #tpu.memory_space<vmem>> -> memref<1x112x128xf32, #tpu.memory_space<vmem>>
      %dma_start3A_452 = tpu.memref_squeeze %dma_start3A_451 : memref<1x112x128xf32, #tpu.memory_space<vmem>> -> memref<112x128xf32, #tpu.memory_space<vmem>>
      %dma_start3A_453 = tpu.memref_slice %arg7[%dma_start3A_447, %add3A_446] : memref<11x3136xi32, #tpu.memory_space<vmem>> -> memref<1x112xi32, #tpu.memory_space<vmem>>
      %dma_start3A_454 = tpu.memref_squeeze %dma_start3A_453 : memref<1x112xi32, #tpu.memory_space<vmem>> -> memref<112xi32, #tpu.memory_space<vmem>>
      %dma_start3A_455 = arith.constant 0 : i32
      %dma_start3A_456 = arith.constant 0 : i32
      %dma_start3A_457 = tpu.memref_slice %arg2[%dma_start3A_455, %dma_start3A_456] : memref<100000x128xf32, #tpu.memory_space<hbm>> -> memref<100000x128xf32, #tpu.memory_space<hbm>>
      tpu.enqueue_indirect_dma source(%dma_start3A_457 : memref<100000x128xf32, #tpu.memory_space<hbm>>) target(%dma_start3A_452 : memref<112x128xf32, #tpu.memory_space<vmem>>) offsets(%dma_start3A_454 : memref<112xi32, #tpu.memory_space<vmem>>) semaphore(%arg14 : memref<!tpu.dma_semaphore, #tpu.memory_space<semaphore_mem>>) {add = true}
      %dma_wait3A_458 = arith.constant 9 : i32
      %dma_wait3A_459 = arith.constant 3 : i32
      %dma_wait3A_460 = arith.constant 0 : i32
      %dma_wait3A_461 = arith.constant 0 : i32
      %dma_wait3A_462 = tpu.memref_slice %arg9[%dma_wait3A_459, %dma_wait3A_460, %dma_wait3A_461] : memref<4x112x128xf32, #tpu.memory_space<vmem>> -> memref<1x112x128xf32, #tpu.memory_space<vmem>>
      %dma_wait3A_463 = tpu.memref_squeeze %dma_wait3A_462 : memref<1x112x128xf32, #tpu.memory_space<vmem>> -> memref<112x128xf32, #tpu.memory_space<vmem>>
      %dma_wait3A_464 = tpu.memref_slice %arg7[%dma_wait3A_458, %add3A_374] : memref<11x3136xi32, #tpu.memory_space<vmem>> -> memref<1x112xi32, #tpu.memory_space<vmem>>
      %dma_wait3A_465 = tpu.memref_squeeze %dma_wait3A_464 : memref<1x112xi32, #tpu.memory_space<vmem>> -> memref<112xi32, #tpu.memory_space<vmem>>
      %dma_wait3A_466 = arith.constant 0 : i32
      %dma_wait3A_467 = arith.constant 0 : i32
      %dma_wait3A_468 = tpu.memref_slice %arg2[%dma_wait3A_466, %dma_wait3A_467] : memref<100000x128xf32, #tpu.memory_space<hbm>> -> memref<100000x128xf32, #tpu.memory_space<hbm>>
      tpu.wait_indirect_dma semaphore(%arg15 : memref<!tpu.dma_semaphore, #tpu.memory_space<semaphore_mem>>) src(%dma_wait3A_468 : memref<100000x128xf32, #tpu.memory_space<hbm>>) dst(%dma_wait3A_463 : memref<112x128xf32, #tpu.memory_space<vmem>>)
      %add3A_469 = arith.constant 112 : i32
      %add3A_470 = arith.addi %add3A, %add3A_469 : i32
      %dma_start3A_471 = arith.constant 10 : i32
      %dma_start3A_472 = arith.constant 3 : i32
      %dma_start3A_473 = arith.constant 0 : i32
      %dma_start3A_474 = arith.constant 0 : i32
      %dma_start3A_475 = tpu.memref_slice %arg9[%dma_start3A_472, %dma_start3A_473, %dma_start3A_474] : memref<4x112x128xf32, #tpu.memory_space<vmem>> -> memref<1x112x128xf32, #tpu.memory_space<vmem>>
      %dma_start3A_476 = tpu.memref_squeeze %dma_start3A_475 : memref<1x112x128xf32, #tpu.memory_space<vmem>> -> memref<112x128xf32, #tpu.memory_space<vmem>>
      %dma_start3A_477 = tpu.memref_slice %arg7[%dma_start3A_471, %add3A_470] : memref<11x3136xi32, #tpu.memory_space<vmem>> -> memref<1x112xi32, #tpu.memory_space<vmem>>
      %dma_start3A_478 = tpu.memref_squeeze %dma_start3A_477 : memref<1x112xi32, #tpu.memory_space<vmem>> -> memref<112xi32, #tpu.memory_space<vmem>>
      %dma_start3A_479 = arith.constant 0 : i32
      %dma_start3A_480 = arith.constant 0 : i32
      %dma_start3A_481 = tpu.memref_slice %arg2[%dma_start3A_479, %dma_start3A_480] : memref<100000x128xf32, #tpu.memory_space<hbm>> -> memref<100000x128xf32, #tpu.memory_space<hbm>>
      tpu.enqueue_indirect_dma source(%dma_start3A_481 : memref<100000x128xf32, #tpu.memory_space<hbm>>) target(%dma_start3A_476 : memref<112x128xf32, #tpu.memory_space<vmem>>) offsets(%dma_start3A_478 : memref<112xi32, #tpu.memory_space<vmem>>) semaphore(%arg15 : memref<!tpu.dma_semaphore, #tpu.memory_space<semaphore_mem>>) {add = true}
      %dma_wait3A_482 = arith.constant 0 : i32
      %dma_wait3A_483 = arith.constant 0 : i32
      %dma_wait3A_484 = arith.constant 0 : i32
      %dma_wait3A_485 = arith.constant 0 : i32
      %dma_wait3A_486 = tpu.memref_slice %arg8[%dma_wait3A_483, %dma_wait3A_484, %dma_wait3A_485] : memref<2x112x128xf32, #tpu.memory_space<vmem>> -> memref<1x112x128xf32, #tpu.memory_space<vmem>>
      %dma_wait3A_487 = tpu.memref_squeeze %dma_wait3A_486 : memref<1x112x128xf32, #tpu.memory_space<vmem>> -> memref<112x128xf32, #tpu.memory_space<vmem>>
      %dma_wait3A_488 = tpu.memref_slice %arg7[%dma_wait3A_482, %add3A_23] : memref<11x3136xi32, #tpu.memory_space<vmem>> -> memref<1x112xi32, #tpu.memory_space<vmem>>
      %dma_wait3A_489 = tpu.memref_squeeze %dma_wait3A_488 : memref<1x112xi32, #tpu.memory_space<vmem>> -> memref<112xi32, #tpu.memory_space<vmem>>
      %dma_wait3A_490 = arith.constant 0 : i32
      %dma_wait3A_491 = arith.constant 0 : i32
      %dma_wait3A_492 = tpu.memref_slice %arg2[%dma_wait3A_490, %dma_wait3A_491] : memref<100000x128xf32, #tpu.memory_space<hbm>> -> memref<100000x128xf32, #tpu.memory_space<hbm>>
      tpu.wait_indirect_dma semaphore(%arg10 : memref<!tpu.dma_semaphore, #tpu.memory_space<semaphore_mem>>) src(%dma_wait3A_492 : memref<100000x128xf32, #tpu.memory_space<hbm>>) dst(%dma_wait3A_487 : memref<112x128xf32, #tpu.memory_space<vmem>>)
      %add3A_493 = arith.addi %mul3A_7, %add3A : i32
      %add3A_494 = arith.constant 0 : i32
      %add3A_495 = arith.addi %add3A_493, %add3A_494 : i32
      %dma_start3A_496 = arith.constant 0 : i32
      %dma_start3A_497 = arith.constant 0 : i32
      %dma_start3A_498 = arith.constant 0 : i32
      %dma_start3A_499 = tpu.memref_slice %arg8[%dma_start3A_496, %dma_start3A_497, %dma_start3A_498] : memref<2x112x128xf32, #tpu.memory_space<vmem>> -> memref<1x112x128xf32, #tpu.memory_space<vmem>>
      %dma_start3A_500 = tpu.memref_squeeze %dma_start3A_499 : memref<1x112x128xf32, #tpu.memory_space<vmem>> -> memref<112x128xf32, #tpu.memory_space<vmem>>
      %dma_start3A_501 = arith.constant 0 : i32
      %dma_start3A_502 = tpu.memref_slice %arg4[%add3A_495, %dma_start3A_501] : memref<50176x128xf32, #tpu.memory_space<hbm>> -> memref<112x128xf32, #tpu.memory_space<hbm>>
      %dma_start3A_503 = arith.constant 0 : i32
      %dma_start3A_504 = tpu.memref_slice %arg4[%add3A_495, %dma_start3A_503] : memref<50176x128xf32, #tpu.memory_space<hbm>> -> memref<112x128xf32, #tpu.memory_space<hbm>>
      %dma_start3A_505 = arith.constant 0 : i32
      %dma_start3A_506 = arith.constant 0 : i32
      %dma_start3A_507 = tpu.memref_slice %arg8[%dma_start3A_496, %dma_start3A_505, %dma_start3A_506] : memref<2x112x128xf32, #tpu.memory_space<vmem>> -> memref<1x112x128xf32, #tpu.memory_space<vmem>>
      %dma_start3A_508 = tpu.memref_squeeze %dma_start3A_507 : memref<1x112x128xf32, #tpu.memory_space<vmem>> -> memref<112x128xf32, #tpu.memory_space<vmem>>
      tpu.enqueue_dma source(%dma_start3A_508 : memref<112x128xf32, #tpu.memory_space<vmem>>) target(%dma_start3A_504 : memref<112x128xf32, #tpu.memory_space<hbm>>) target_semaphore(%arg11 : memref<!tpu.dma_semaphore, #tpu.memory_space<semaphore_mem>>)
      %dma_wait3A_509 = arith.constant 0 : i32
      %dma_wait3A_510 = arith.constant 1 : i32
      %dma_wait3A_511 = arith.constant 0 : i32
      %dma_wait3A_512 = arith.constant 0 : i32
      %dma_wait3A_513 = tpu.memref_slice %arg8[%dma_wait3A_510, %dma_wait3A_511, %dma_wait3A_512] : memref<2x112x128xf32, #tpu.memory_space<vmem>> -> memref<1x112x128xf32, #tpu.memory_space<vmem>>
      %dma_wait3A_514 = tpu.memref_squeeze %dma_wait3A_513 : memref<1x112x128xf32, #tpu.memory_space<vmem>> -> memref<112x128xf32, #tpu.memory_space<vmem>>
      %dma_wait3A_515 = tpu.memref_slice %arg7[%dma_wait3A_509, %add3A_35] : memref<11x3136xi32, #tpu.memory_space<vmem>> -> memref<1x112xi32, #tpu.memory_space<vmem>>
      %dma_wait3A_516 = tpu.memref_squeeze %dma_wait3A_515 : memref<1x112xi32, #tpu.memory_space<vmem>> -> memref<112xi32, #tpu.memory_space<vmem>>
      %dma_wait3A_517 = arith.constant 0 : i32
      %dma_wait3A_518 = arith.constant 0 : i32
      %dma_wait3A_519 = tpu.memref_slice %arg2[%dma_wait3A_517, %dma_wait3A_518] : memref<100000x128xf32, #tpu.memory_space<hbm>> -> memref<100000x128xf32, #tpu.memory_space<hbm>>
      tpu.wait_indirect_dma semaphore(%arg10 : memref<!tpu.dma_semaphore, #tpu.memory_space<semaphore_mem>>) src(%dma_wait3A_519 : memref<100000x128xf32, #tpu.memory_space<hbm>>) dst(%dma_wait3A_514 : memref<112x128xf32, #tpu.memory_space<vmem>>)
      %add3A_520 = arith.addi %mul3A_7, %add3A : i32
      %add3A_521 = arith.constant 112 : i32
      %add3A_522 = arith.addi %add3A_520, %add3A_521 : i32
      %dma_start3A_523 = arith.constant 1 : i32
      %dma_start3A_524 = arith.constant 0 : i32
      %dma_start3A_525 = arith.constant 0 : i32
      %dma_start3A_526 = tpu.memref_slice %arg8[%dma_start3A_523, %dma_start3A_524, %dma_start3A_525] : memref<2x112x128xf32, #tpu.memory_space<vmem>> -> memref<1x112x128xf32, #tpu.memory_space<vmem>>
      %dma_start3A_527 = tpu.memref_squeeze %dma_start3A_526 : memref<1x112x128xf32, #tpu.memory_space<vmem>> -> memref<112x128xf32, #tpu.memory_space<vmem>>
      %dma_start3A_528 = arith.constant 0 : i32
      %dma_start3A_529 = tpu.memref_slice %arg4[%add3A_522, %dma_start3A_528] : memref<50176x128xf32, #tpu.memory_space<hbm>> -> memref<112x128xf32, #tpu.memory_space<hbm>>
      %dma_start3A_530 = arith.constant 0 : i32
      %dma_start3A_531 = tpu.memref_slice %arg4[%add3A_522, %dma_start3A_530] : memref<50176x128xf32, #tpu.memory_space<hbm>> -> memref<112x128xf32, #tpu.memory_space<hbm>>
      %dma_start3A_532 = arith.constant 0 : i32
      %dma_start3A_533 = arith.constant 0 : i32
      %dma_start3A_534 = tpu.memref_slice %arg8[%dma_start3A_523, %dma_start3A_532, %dma_start3A_533] : memref<2x112x128xf32, #tpu.memory_space<vmem>> -> memref<1x112x128xf32, #tpu.memory_space<vmem>>
      %dma_start3A_535 = tpu.memref_squeeze %dma_start3A_534 : memref<1x112x128xf32, #tpu.memory_space<vmem>> -> memref<112x128xf32, #tpu.memory_space<vmem>>
      tpu.enqueue_dma source(%dma_start3A_535 : memref<112x128xf32, #tpu.memory_space<vmem>>) target(%dma_start3A_531 : memref<112x128xf32, #tpu.memory_space<hbm>>) target_semaphore(%arg11 : memref<!tpu.dma_semaphore, #tpu.memory_space<semaphore_mem>>)
      %dma_wait3A_536 = arith.constant 5 : i32
      %dma_wait3A_537 = arith.constant 0 : i32
      %dma_wait3A_538 = arith.constant 0 : i32
      %dma_wait3A_539 = arith.constant 0 : i32
      %dma_wait3A_540 = tpu.memref_slice %arg9[%dma_wait3A_537, %dma_wait3A_538, %dma_wait3A_539] : memref<4x112x128xf32, #tpu.memory_space<vmem>> -> memref<1x112x128xf32, #tpu.memory_space<vmem>>
      %dma_wait3A_541 = tpu.memref_squeeze %dma_wait3A_540 : memref<1x112x128xf32, #tpu.memory_space<vmem>> -> memref<112x128xf32, #tpu.memory_space<vmem>>
      %dma_wait3A_542 = tpu.memref_slice %arg7[%dma_wait3A_536, %add3A_398] : memref<11x3136xi32, #tpu.memory_space<vmem>> -> memref<1x112xi32, #tpu.memory_space<vmem>>
      %dma_wait3A_543 = tpu.memref_squeeze %dma_wait3A_542 : memref<1x112xi32, #tpu.memory_space<vmem>> -> memref<112xi32, #tpu.memory_space<vmem>>
      %dma_wait3A_544 = arith.constant 0 : i32
      %dma_wait3A_545 = arith.constant 0 : i32
      %dma_wait3A_546 = tpu.memref_slice %arg2[%dma_wait3A_544, %dma_wait3A_545] : memref<100000x128xf32, #tpu.memory_space<hbm>> -> memref<100000x128xf32, #tpu.memory_space<hbm>>
      tpu.wait_indirect_dma semaphore(%arg12 : memref<!tpu.dma_semaphore, #tpu.memory_space<semaphore_mem>>) src(%dma_wait3A_546 : memref<100000x128xf32, #tpu.memory_space<hbm>>) dst(%dma_wait3A_541 : memref<112x128xf32, #tpu.memory_space<vmem>>)
      %add3A_547 = arith.addi %mul3A_7, %add3A : i32
      %add3A_548 = arith.constant 0 : i32
      %add3A_549 = arith.addi %add3A_547, %add3A_548 : i32
      %dma_start3A_550 = arith.constant 0 : i32
      %dma_start3A_551 = arith.constant 0 : i32
      %dma_start3A_552 = arith.constant 0 : i32
      %dma_start3A_553 = tpu.memref_slice %arg9[%dma_start3A_550, %dma_start3A_551, %dma_start3A_552] : memref<4x112x128xf32, #tpu.memory_space<vmem>> -> memref<1x112x128xf32, #tpu.memory_space<vmem>>
      %dma_start3A_554 = tpu.memref_squeeze %dma_start3A_553 : memref<1x112x128xf32, #tpu.memory_space<vmem>> -> memref<112x128xf32, #tpu.memory_space<vmem>>
      %dma_start3A_555 = arith.constant 0 : i32
      %dma_start3A_556 = tpu.memref_slice %arg5[%add3A_549, %dma_start3A_555] : memref<50176x128xf32, #tpu.memory_space<hbm>> -> memref<112x128xf32, #tpu.memory_space<hbm>>
      %dma_start3A_557 = arith.constant 0 : i32
      %dma_start3A_558 = tpu.memref_slice %arg5[%add3A_549, %dma_start3A_557] : memref<50176x128xf32, #tpu.memory_space<hbm>> -> memref<112x128xf32, #tpu.memory_space<hbm>>
      %dma_start3A_559 = arith.constant 0 : i32
      %dma_start3A_560 = arith.constant 0 : i32
      %dma_start3A_561 = tpu.memref_slice %arg9[%dma_start3A_550, %dma_start3A_559, %dma_start3A_560] : memref<4x112x128xf32, #tpu.memory_space<vmem>> -> memref<1x112x128xf32, #tpu.memory_space<vmem>>
      %dma_start3A_562 = tpu.memref_squeeze %dma_start3A_561 : memref<1x112x128xf32, #tpu.memory_space<vmem>> -> memref<112x128xf32, #tpu.memory_space<vmem>>
      tpu.enqueue_dma source(%dma_start3A_562 : memref<112x128xf32, #tpu.memory_space<vmem>>) target(%dma_start3A_558 : memref<112x128xf32, #tpu.memory_space<hbm>>) target_semaphore(%arg11 : memref<!tpu.dma_semaphore, #tpu.memory_space<semaphore_mem>>)
      %dma_wait3A_563 = arith.constant 10 : i32
      %dma_wait3A_564 = arith.constant 1 : i32
      %dma_wait3A_565 = arith.constant 0 : i32
      %dma_wait3A_566 = arith.constant 0 : i32
      %dma_wait3A_567 = tpu.memref_slice %arg9[%dma_wait3A_564, %dma_wait3A_565, %dma_wait3A_566] : memref<4x112x128xf32, #tpu.memory_space<vmem>> -> memref<1x112x128xf32, #tpu.memory_space<vmem>>
      %dma_wait3A_568 = tpu.memref_squeeze %dma_wait3A_567 : memref<1x112x128xf32, #tpu.memory_space<vmem>> -> memref<112x128xf32, #tpu.memory_space<vmem>>
      %dma_wait3A_569 = tpu.memref_slice %arg7[%dma_wait3A_563, %add3A_422] : memref<11x3136xi32, #tpu.memory_space<vmem>> -> memref<1x112xi32, #tpu.memory_space<vmem>>
      %dma_wait3A_570 = tpu.memref_squeeze %dma_wait3A_569 : memref<1x112xi32, #tpu.memory_space<vmem>> -> memref<112xi32, #tpu.memory_space<vmem>>
      %dma_wait3A_571 = arith.constant 0 : i32
      %dma_wait3A_572 = arith.constant 0 : i32
      %dma_wait3A_573 = tpu.memref_slice %arg2[%dma_wait3A_571, %dma_wait3A_572] : memref<100000x128xf32, #tpu.memory_space<hbm>> -> memref<100000x128xf32, #tpu.memory_space<hbm>>
      tpu.wait_indirect_dma semaphore(%arg13 : memref<!tpu.dma_semaphore, #tpu.memory_space<semaphore_mem>>) src(%dma_wait3A_573 : memref<100000x128xf32, #tpu.memory_space<hbm>>) dst(%dma_wait3A_568 : memref<112x128xf32, #tpu.memory_space<vmem>>)
      %add3A_574 = arith.addi %mul3A_7, %add3A : i32
      %add3A_575 = arith.constant 0 : i32
      %add3A_576 = arith.addi %add3A_574, %add3A_575 : i32
      %dma_start3A_577 = arith.constant 1 : i32
      %dma_start3A_578 = arith.constant 0 : i32
      %dma_start3A_579 = arith.constant 0 : i32
      %dma_start3A_580 = tpu.memref_slice %arg9[%dma_start3A_577, %dma_start3A_578, %dma_start3A_579] : memref<4x112x128xf32, #tpu.memory_space<vmem>> -> memref<1x112x128xf32, #tpu.memory_space<vmem>>
      %dma_start3A_581 = tpu.memref_squeeze %dma_start3A_580 : memref<1x112x128xf32, #tpu.memory_space<vmem>> -> memref<112x128xf32, #tpu.memory_space<vmem>>
      %dma_start3A_582 = arith.constant 0 : i32
      %dma_start3A_583 = tpu.memref_slice %arg6[%add3A_576, %dma_start3A_582] : memref<50176x128xf32, #tpu.memory_space<hbm>> -> memref<112x128xf32, #tpu.memory_space<hbm>>
      %dma_start3A_584 = arith.constant 0 : i32
      %dma_start3A_585 = tpu.memref_slice %arg6[%add3A_576, %dma_start3A_584] : memref<50176x128xf32, #tpu.memory_space<hbm>> -> memref<112x128xf32, #tpu.memory_space<hbm>>
      %dma_start3A_586 = arith.constant 0 : i32
      %dma_start3A_587 = arith.constant 0 : i32
      %dma_start3A_588 = tpu.memref_slice %arg9[%dma_start3A_577, %dma_start3A_586, %dma_start3A_587] : memref<4x112x128xf32, #tpu.memory_space<vmem>> -> memref<1x112x128xf32, #tpu.memory_space<vmem>>
      %dma_start3A_589 = tpu.memref_squeeze %dma_start3A_588 : memref<1x112x128xf32, #tpu.memory_space<vmem>> -> memref<112x128xf32, #tpu.memory_space<vmem>>
      tpu.enqueue_dma source(%dma_start3A_589 : memref<112x128xf32, #tpu.memory_space<vmem>>) target(%dma_start3A_585 : memref<112x128xf32, #tpu.memory_space<hbm>>) target_semaphore(%arg11 : memref<!tpu.dma_semaphore, #tpu.memory_space<semaphore_mem>>)
      %dma_wait3A_590 = arith.constant 5 : i32
      %dma_wait3A_591 = arith.constant 2 : i32
      %dma_wait3A_592 = arith.constant 0 : i32
      %dma_wait3A_593 = arith.constant 0 : i32
      %dma_wait3A_594 = tpu.memref_slice %arg9[%dma_wait3A_591, %dma_wait3A_592, %dma_wait3A_593] : memref<4x112x128xf32, #tpu.memory_space<vmem>> -> memref<1x112x128xf32, #tpu.memory_space<vmem>>
      %dma_wait3A_595 = tpu.memref_squeeze %dma_wait3A_594 : memref<1x112x128xf32, #tpu.memory_space<vmem>> -> memref<112x128xf32, #tpu.memory_space<vmem>>
      %dma_wait3A_596 = tpu.memref_slice %arg7[%dma_wait3A_590, %add3A_446] : memref<11x3136xi32, #tpu.memory_space<vmem>> -> memref<1x112xi32, #tpu.memory_space<vmem>>
      %dma_wait3A_597 = tpu.memref_squeeze %dma_wait3A_596 : memref<1x112xi32, #tpu.memory_space<vmem>> -> memref<112xi32, #tpu.memory_space<vmem>>
      %dma_wait3A_598 = arith.constant 0 : i32
      %dma_wait3A_599 = arith.constant 0 : i32
      %dma_wait3A_600 = tpu.memref_slice %arg2[%dma_wait3A_598, %dma_wait3A_599] : memref<100000x128xf32, #tpu.memory_space<hbm>> -> memref<100000x128xf32, #tpu.memory_space<hbm>>
      tpu.wait_indirect_dma semaphore(%arg14 : memref<!tpu.dma_semaphore, #tpu.memory_space<semaphore_mem>>) src(%dma_wait3A_600 : memref<100000x128xf32, #tpu.memory_space<hbm>>) dst(%dma_wait3A_595 : memref<112x128xf32, #tpu.memory_space<vmem>>)
      %add3A_601 = arith.addi %mul3A_7, %add3A : i32
      %add3A_602 = arith.constant 112 : i32
      %add3A_603 = arith.addi %add3A_601, %add3A_602 : i32
      %dma_start3A_604 = arith.constant 2 : i32
      %dma_start3A_605 = arith.constant 0 : i32
      %dma_start3A_606 = arith.constant 0 : i32
      %dma_start3A_607 = tpu.memref_slice %arg9[%dma_start3A_604, %dma_start3A_605, %dma_start3A_606] : memref<4x112x128xf32, #tpu.memory_space<vmem>> -> memref<1x112x128xf32, #tpu.memory_space<vmem>>
      %dma_start3A_608 = tpu.memref_squeeze %dma_start3A_607 : memref<1x112x128xf32, #tpu.memory_space<vmem>> -> memref<112x128xf32, #tpu.memory_space<vmem>>
      %dma_start3A_609 = arith.constant 0 : i32
      %dma_start3A_610 = tpu.memref_slice %arg5[%add3A_603, %dma_start3A_609] : memref<50176x128xf32, #tpu.memory_space<hbm>> -> memref<112x128xf32, #tpu.memory_space<hbm>>
      %dma_start3A_611 = arith.constant 0 : i32
      %dma_start3A_612 = tpu.memref_slice %arg5[%add3A_603, %dma_start3A_611] : memref<50176x128xf32, #tpu.memory_space<hbm>> -> memref<112x128xf32, #tpu.memory_space<hbm>>
      %dma_start3A_613 = arith.constant 0 : i32
      %dma_start3A_614 = arith.constant 0 : i32
      %dma_start3A_615 = tpu.memref_slice %arg9[%dma_start3A_604, %dma_start3A_613, %dma_start3A_614] : memref<4x112x128xf32, #tpu.memory_space<vmem>> -> memref<1x112x128xf32, #tpu.memory_space<vmem>>
      %dma_start3A_616 = tpu.memref_squeeze %dma_start3A_615 : memref<1x112x128xf32, #tpu.memory_space<vmem>> -> memref<112x128xf32, #tpu.memory_space<vmem>>
      tpu.enqueue_dma source(%dma_start3A_616 : memref<112x128xf32, #tpu.memory_space<vmem>>) target(%dma_start3A_612 : memref<112x128xf32, #tpu.memory_space<hbm>>) target_semaphore(%arg11 : memref<!tpu.dma_semaphore, #tpu.memory_space<semaphore_mem>>)
      %dma_wait3A_617 = arith.constant 10 : i32
      %dma_wait3A_618 = arith.constant 3 : i32
      %dma_wait3A_619 = arith.constant 0 : i32
      %dma_wait3A_620 = arith.constant 0 : i32
      %dma_wait3A_621 = tpu.memref_slice %arg9[%dma_wait3A_618, %dma_wait3A_619, %dma_wait3A_620] : memref<4x112x128xf32, #tpu.memory_space<vmem>> -> memref<1x112x128xf32, #tpu.memory_space<vmem>>
      %dma_wait3A_622 = tpu.memref_squeeze %dma_wait3A_621 : memref<1x112x128xf32, #tpu.memory_space<vmem>> -> memref<112x128xf32, #tpu.memory_space<vmem>>
      %dma_wait3A_623 = tpu.memref_slice %arg7[%dma_wait3A_617, %add3A_470] : memref<11x3136xi32, #tpu.memory_space<vmem>> -> memref<1x112xi32, #tpu.memory_space<vmem>>
      %dma_wait3A_624 = tpu.memref_squeeze %dma_wait3A_623 : memref<1x112xi32, #tpu.memory_space<vmem>> -> memref<112xi32, #tpu.memory_space<vmem>>
      %dma_wait3A_625 = arith.constant 0 : i32
      %dma_wait3A_626 = arith.constant 0 : i32
      %dma_wait3A_627 = tpu.memref_slice %arg2[%dma_wait3A_625, %dma_wait3A_626] : memref<100000x128xf32, #tpu.memory_space<hbm>> -> memref<100000x128xf32, #tpu.memory_space<hbm>>
      tpu.wait_indirect_dma semaphore(%arg15 : memref<!tpu.dma_semaphore, #tpu.memory_space<semaphore_mem>>) src(%dma_wait3A_627 : memref<100000x128xf32, #tpu.memory_space<hbm>>) dst(%dma_wait3A_622 : memref<112x128xf32, #tpu.memory_space<vmem>>)
      %add3A_628 = arith.addi %mul3A_7, %add3A : i32
      %add3A_629 = arith.constant 112 : i32
      %add3A_630 = arith.addi %add3A_628, %add3A_629 : i32
      %dma_start3A_631 = arith.constant 3 : i32
      %dma_start3A_632 = arith.constant 0 : i32
      %dma_start3A_633 = arith.constant 0 : i32
      %dma_start3A_634 = tpu.memref_slice %arg9[%dma_start3A_631, %dma_start3A_632, %dma_start3A_633] : memref<4x112x128xf32, #tpu.memory_space<vmem>> -> memref<1x112x128xf32, #tpu.memory_space<vmem>>
      %dma_start3A_635 = tpu.memref_squeeze %dma_start3A_634 : memref<1x112x128xf32, #tpu.memory_space<vmem>> -> memref<112x128xf32, #tpu.memory_space<vmem>>
      %dma_start3A_636 = arith.constant 0 : i32
      %dma_start3A_637 = tpu.memref_slice %arg6[%add3A_630, %dma_start3A_636] : memref<50176x128xf32, #tpu.memory_space<hbm>> -> memref<112x128xf32, #tpu.memory_space<hbm>>
      %dma_start3A_638 = arith.constant 0 : i32
      %dma_start3A_639 = tpu.memref_slice %arg6[%add3A_630, %dma_start3A_638] : memref<50176x128xf32, #tpu.memory_space<hbm>> -> memref<112x128xf32, #tpu.memory_space<hbm>>
      %dma_start3A_640 = arith.constant 0 : i32
      %dma_start3A_641 = arith.constant 0 : i32
      %dma_start3A_642 = tpu.memref_slice %arg9[%dma_start3A_631, %dma_start3A_640, %dma_start3A_641] : memref<4x112x128xf32, #tpu.memory_space<vmem>> -> memref<1x112x128xf32, #tpu.memory_space<vmem>>
      %dma_start3A_643 = tpu.memref_squeeze %dma_start3A_642 : memref<1x112x128xf32, #tpu.memory_space<vmem>> -> memref<112x128xf32, #tpu.memory_space<vmem>>
      tpu.enqueue_dma source(%dma_start3A_643 : memref<112x128xf32, #tpu.memory_space<vmem>>) target(%dma_start3A_639 : memref<112x128xf32, #tpu.memory_space<hbm>>) target_semaphore(%arg11 : memref<!tpu.dma_semaphore, #tpu.memory_space<semaphore_mem>>)
      %dma_wait3A_644 = arith.constant 0 : i32
      %dma_wait3A_645 = arith.constant 0 : i32
      %dma_wait3A_646 = arith.constant 0 : i32
      %dma_wait3A_647 = tpu.memref_slice %arg8[%dma_wait3A_644, %dma_wait3A_645, %dma_wait3A_646] : memref<2x112x128xf32, #tpu.memory_space<vmem>> -> memref<1x112x128xf32, #tpu.memory_space<vmem>>
      %dma_wait3A_648 = tpu.memref_squeeze %dma_wait3A_647 : memref<1x112x128xf32, #tpu.memory_space<vmem>> -> memref<112x128xf32, #tpu.memory_space<vmem>>
      %dma_wait3A_649 = arith.constant 0 : i32
      %dma_wait3A_650 = tpu.memref_slice %arg4[%add3A_495, %dma_wait3A_649] : memref<50176x128xf32, #tpu.memory_space<hbm>> -> memref<112x128xf32, #tpu.memory_space<hbm>>
      %dma_wait3A_651 = arith.constant 0 : i32
      %dma_wait3A_652 = tpu.memref_slice %arg4[%add3A_495, %dma_wait3A_651] : memref<50176x128xf32, #tpu.memory_space<hbm>> -> memref<112x128xf32, #tpu.memory_space<hbm>>
      %dma_wait3A_653 = arith.constant 0 : i32
      %dma_wait3A_654 = arith.constant 0 : i32
      %dma_wait3A_655 = tpu.memref_slice %arg8[%dma_wait3A_644, %dma_wait3A_653, %dma_wait3A_654] : memref<2x112x128xf32, #tpu.memory_space<vmem>> -> memref<1x112x128xf32, #tpu.memory_space<vmem>>
      %dma_wait3A_656 = tpu.memref_squeeze %dma_wait3A_655 : memref<1x112x128xf32, #tpu.memory_space<vmem>> -> memref<112x128xf32, #tpu.memory_space<vmem>>
      tpu.wait_dma2 semaphore(%arg11 : memref<!tpu.dma_semaphore, #tpu.memory_space<semaphore_mem>>) src(%dma_wait3A_656 : memref<112x128xf32, #tpu.memory_space<vmem>>) dst(%dma_wait3A_652 : memref<112x128xf32, #tpu.memory_space<hbm>>)
      %dma_wait3A_657 = arith.constant 1 : i32
      %dma_wait3A_658 = arith.constant 0 : i32
      %dma_wait3A_659 = arith.constant 0 : i32
      %dma_wait3A_660 = tpu.memref_slice %arg8[%dma_wait3A_657, %dma_wait3A_658, %dma_wait3A_659] : memref<2x112x128xf32, #tpu.memory_space<vmem>> -> memref<1x112x128xf32, #tpu.memory_space<vmem>>
      %dma_wait3A_661 = tpu.memref_squeeze %dma_wait3A_660 : memref<1x112x128xf32, #tpu.memory_space<vmem>> -> memref<112x128xf32, #tpu.memory_space<vmem>>
      %dma_wait3A_662 = arith.constant 0 : i32
      %dma_wait3A_663 = tpu.memref_slice %arg4[%add3A_522, %dma_wait3A_662] : memref<50176x128xf32, #tpu.memory_space<hbm>> -> memref<112x128xf32, #tpu.memory_space<hbm>>
      %dma_wait3A_664 = arith.constant 0 : i32
      %dma_wait3A_665 = tpu.memref_slice %arg4[%add3A_522, %dma_wait3A_664] : memref<50176x128xf32, #tpu.memory_space<hbm>> -> memref<112x128xf32, #tpu.memory_space<hbm>>
      %dma_wait3A_666 = arith.constant 0 : i32
      %dma_wait3A_667 = arith.constant 0 : i32
      %dma_wait3A_668 = tpu.memref_slice %arg8[%dma_wait3A_657, %dma_wait3A_666, %dma_wait3A_667] : memref<2x112x128xf32, #tpu.memory_space<vmem>> -> memref<1x112x128xf32, #tpu.memory_space<vmem>>
      %dma_wait3A_669 = tpu.memref_squeeze %dma_wait3A_668 : memref<1x112x128xf32, #tpu.memory_space<vmem>> -> memref<112x128xf32, #tpu.memory_space<vmem>>
      tpu.wait_dma2 semaphore(%arg11 : memref<!tpu.dma_semaphore, #tpu.memory_space<semaphore_mem>>) src(%dma_wait3A_669 : memref<112x128xf32, #tpu.memory_space<vmem>>) dst(%dma_wait3A_665 : memref<112x128xf32, #tpu.memory_space<hbm>>)
      %dma_wait3A_670 = arith.constant 0 : i32
      %dma_wait3A_671 = arith.constant 0 : i32
      %dma_wait3A_672 = arith.constant 0 : i32
      %dma_wait3A_673 = tpu.memref_slice %arg9[%dma_wait3A_670, %dma_wait3A_671, %dma_wait3A_672] : memref<4x112x128xf32, #tpu.memory_space<vmem>> -> memref<1x112x128xf32, #tpu.memory_space<vmem>>
      %dma_wait3A_674 = tpu.memref_squeeze %dma_wait3A_673 : memref<1x112x128xf32, #tpu.memory_space<vmem>> -> memref<112x128xf32, #tpu.memory_space<vmem>>
      %dma_wait3A_675 = arith.constant 0 : i32
      %dma_wait3A_676 = tpu.memref_slice %arg5[%add3A_549, %dma_wait3A_675] : memref<50176x128xf32, #tpu.memory_space<hbm>> -> memref<112x128xf32, #tpu.memory_space<hbm>>
      %dma_wait3A_677 = arith.constant 0 : i32
      %dma_wait3A_678 = tpu.memref_slice %arg5[%add3A_549, %dma_wait3A_677] : memref<50176x128xf32, #tpu.memory_space<hbm>> -> memref<112x128xf32, #tpu.memory_space<hbm>>
      %dma_wait3A_679 = arith.constant 0 : i32
      %dma_wait3A_680 = arith.constant 0 : i32
      %dma_wait3A_681 = tpu.memref_slice %arg9[%dma_wait3A_670, %dma_wait3A_679, %dma_wait3A_680] : memref<4x112x128xf32, #tpu.memory_space<vmem>> -> memref<1x112x128xf32, #tpu.memory_space<vmem>>
      %dma_wait3A_682 = tpu.memref_squeeze %dma_wait3A_681 : memref<1x112x128xf32, #tpu.memory_space<vmem>> -> memref<112x128xf32, #tpu.memory_space<vmem>>
      tpu.wait_dma2 semaphore(%arg11 : memref<!tpu.dma_semaphore, #tpu.memory_space<semaphore_mem>>) src(%dma_wait3A_682 : memref<112x128xf32, #tpu.memory_space<vmem>>) dst(%dma_wait3A_678 : memref<112x128xf32, #tpu.memory_space<hbm>>)
      %dma_wait3A_683 = arith.constant 1 : i32
      %dma_wait3A_684 = arith.constant 0 : i32
      %dma_wait3A_685 = arith.constant 0 : i32
      %dma_wait3A_686 = tpu.memref_slice %arg9[%dma_wait3A_683, %dma_wait3A_684, %dma_wait3A_685] : memref<4x112x128xf32, #tpu.memory_space<vmem>> -> memref<1x112x128xf32, #tpu.memory_space<vmem>>
      %dma_wait3A_687 = tpu.memref_squeeze %dma_wait3A_686 : memref<1x112x128xf32, #tpu.memory_space<vmem>> -> memref<112x128xf32, #tpu.memory_space<vmem>>
      %dma_wait3A_688 = arith.constant 0 : i32
      %dma_wait3A_689 = tpu.memref_slice %arg6[%add3A_576, %dma_wait3A_688] : memref<50176x128xf32, #tpu.memory_space<hbm>> -> memref<112x128xf32, #tpu.memory_space<hbm>>
      %dma_wait3A_690 = arith.constant 0 : i32
      %dma_wait3A_691 = tpu.memref_slice %arg6[%add3A_576, %dma_wait3A_690] : memref<50176x128xf32, #tpu.memory_space<hbm>> -> memref<112x128xf32, #tpu.memory_space<hbm>>
      %dma_wait3A_692 = arith.constant 0 : i32
      %dma_wait3A_693 = arith.constant 0 : i32
      %dma_wait3A_694 = tpu.memref_slice %arg9[%dma_wait3A_683, %dma_wait3A_692, %dma_wait3A_693] : memref<4x112x128xf32, #tpu.memory_space<vmem>> -> memref<1x112x128xf32, #tpu.memory_space<vmem>>
      %dma_wait3A_695 = tpu.memref_squeeze %dma_wait3A_694 : memref<1x112x128xf32, #tpu.memory_space<vmem>> -> memref<112x128xf32, #tpu.memory_space<vmem>>
      tpu.wait_dma2 semaphore(%arg11 : memref<!tpu.dma_semaphore, #tpu.memory_space<semaphore_mem>>) src(%dma_wait3A_695 : memref<112x128xf32, #tpu.memory_space<vmem>>) dst(%dma_wait3A_691 : memref<112x128xf32, #tpu.memory_space<hbm>>)
      %dma_wait3A_696 = arith.constant 2 : i32
      %dma_wait3A_697 = arith.constant 0 : i32
      %dma_wait3A_698 = arith.constant 0 : i32
      %dma_wait3A_699 = tpu.memref_slice %arg9[%dma_wait3A_696, %dma_wait3A_697, %dma_wait3A_698] : memref<4x112x128xf32, #tpu.memory_space<vmem>> -> memref<1x112x128xf32, #tpu.memory_space<vmem>>
      %dma_wait3A_700 = tpu.memref_squeeze %dma_wait3A_699 : memref<1x112x128xf32, #tpu.memory_space<vmem>> -> memref<112x128xf32, #tpu.memory_space<vmem>>
      %dma_wait3A_701 = arith.constant 0 : i32
      %dma_wait3A_702 = tpu.memref_slice %arg5[%add3A_603, %dma_wait3A_701] : memref<50176x128xf32, #tpu.memory_space<hbm>> -> memref<112x128xf32, #tpu.memory_space<hbm>>
      %dma_wait3A_703 = arith.constant 0 : i32
      %dma_wait3A_704 = tpu.memref_slice %arg5[%add3A_603, %dma_wait3A_703] : memref<50176x128xf32, #tpu.memory_space<hbm>> -> memref<112x128xf32, #tpu.memory_space<hbm>>
      %dma_wait3A_705 = arith.constant 0 : i32
      %dma_wait3A_706 = arith.constant 0 : i32
      %dma_wait3A_707 = tpu.memref_slice %arg9[%dma_wait3A_696, %dma_wait3A_705, %dma_wait3A_706] : memref<4x112x128xf32, #tpu.memory_space<vmem>> -> memref<1x112x128xf32, #tpu.memory_space<vmem>>
      %dma_wait3A_708 = tpu.memref_squeeze %dma_wait3A_707 : memref<1x112x128xf32, #tpu.memory_space<vmem>> -> memref<112x128xf32, #tpu.memory_space<vmem>>
      tpu.wait_dma2 semaphore(%arg11 : memref<!tpu.dma_semaphore, #tpu.memory_space<semaphore_mem>>) src(%dma_wait3A_708 : memref<112x128xf32, #tpu.memory_space<vmem>>) dst(%dma_wait3A_704 : memref<112x128xf32, #tpu.memory_space<hbm>>)
      %dma_wait3A_709 = arith.constant 3 : i32
      %dma_wait3A_710 = arith.constant 0 : i32
      %dma_wait3A_711 = arith.constant 0 : i32
      %dma_wait3A_712 = tpu.memref_slice %arg9[%dma_wait3A_709, %dma_wait3A_710, %dma_wait3A_711] : memref<4x112x128xf32, #tpu.memory_space<vmem>> -> memref<1x112x128xf32, #tpu.memory_space<vmem>>
      %dma_wait3A_713 = tpu.memref_squeeze %dma_wait3A_712 : memref<1x112x128xf32, #tpu.memory_space<vmem>> -> memref<112x128xf32, #tpu.memory_space<vmem>>
      %dma_wait3A_714 = arith.constant 0 : i32
      %dma_wait3A_715 = tpu.memref_slice %arg6[%add3A_630, %dma_wait3A_714] : memref<50176x128xf32, #tpu.memory_space<hbm>> -> memref<112x128xf32, #tpu.memory_space<hbm>>
      %dma_wait3A_716 = arith.constant 0 : i32
      %dma_wait3A_717 = tpu.memref_slice %arg6[%add3A_630, %dma_wait3A_716] : memref<50176x128xf32, #tpu.memory_space<hbm>> -> memref<112x128xf32, #tpu.memory_space<hbm>>
      %dma_wait3A_718 = arith.constant 0 : i32
      %dma_wait3A_719 = arith.constant 0 : i32
      %dma_wait3A_720 = tpu.memref_slice %arg9[%dma_wait3A_709, %dma_wait3A_718, %dma_wait3A_719] : memref<4x112x128xf32, #tpu.memory_space<vmem>> -> memref<1x112x128xf32, #tpu.memory_space<vmem>>
      %dma_wait3A_721 = tpu.memref_squeeze %dma_wait3A_720 : memref<1x112x128xf32, #tpu.memory_space<vmem>> -> memref<112x128xf32, #tpu.memory_space<vmem>>
      tpu.wait_dma2 semaphore(%arg11 : memref<!tpu.dma_semaphore, #tpu.memory_space<semaphore_mem>>) src(%dma_wait3A_721 : memref<112x128xf32, #tpu.memory_space<vmem>>) dst(%dma_wait3A_717 : memref<112x128xf32, #tpu.memory_space<hbm>>)
    }
    return
  }
}

module attributes {stable_mosaic.version = 14 : i64} {
  func.func @body(%arg0: i32, %arg1: memref<4096x128xf32, #tpu.memory_space<vmem>>, %arg2: memref<4096x128xf32, #tpu.memory_space<vmem>>, %arg3: memref<4096x128xf32, #tpu.memory_space<vmem>>, %arg4: memref<128x128xf32, #tpu.memory_space<vmem>>, %arg5: memref<128x128xf32, #tpu.memory_space<vmem>>, %arg6: memref<4096x128xf32, #tpu.memory_space<vmem>>) attributes {dimension_semantics = [#tpu.dimension_semantics<arbitrary>], iteration_bounds = array<i64: 13>, scalar_prefetch = 0 : i64, scratch_operands = 0 : i64, tpu.core_type = #tpu.core_type<tc>, window_params = [{transform_indices = @transform_0, window_bounds = array<i64: 4096, 128>}, {transform_indices = @transform_1, window_bounds = array<i64: 4096, 128>}, {transform_indices = @transform_2, window_bounds = array<i64: 4096, 128>}, {pipeline_mode = #tpu.pipeline_mode<synchronous>, transform_indices = @transform_3, window_bounds = array<i64: 128, 128>}, {pipeline_mode = #tpu.pipeline_mode<synchronous>, transform_indices = @transform_4, window_bounds = array<i64: 128, 128>}, {transform_indices = @transform_5, window_bounds = array<i64: 4096, 128>}]} {
    %get3A = arith.constant 0 : index
    %get3A_0 = arith.constant 0 : index
    %get3A_1 = vector.load %arg1[%get3A, %get3A_0] : memref<4096x128xf32, #tpu.memory_space<vmem>>, vector<4096x128xf32>
    %get3A_2 = arith.constant 0 : index
    %get3A_3 = arith.constant 0 : index
    %get3A_4 = vector.load %arg4[%get3A_2, %get3A_3] : memref<128x128xf32, #tpu.memory_space<vmem>>, vector<128x128xf32>
    %dot_general3A = arith.constant dense<0.000000e+00> : vector<4096x128xf32>
    %dot_general3A_5 = tpu.matmul %get3A_1, %get3A_4, %dot_general3A {dimension_numbers = #tpu.dot_dimension_numbers<[1], [0], [0], [1], [0, 0, 1, 1], [], []>, transpose_lhs_hint = false} : vector<4096x128xf32>, vector<128x128xf32>, vector<4096x128xf32> -> vector<4096x128xf32>
    %get3A_6 = arith.constant 0 : index
    %get3A_7 = arith.constant 0 : index
    %get3A_8 = vector.load %arg2[%get3A_6, %get3A_7] : memref<4096x128xf32, #tpu.memory_space<vmem>>, vector<4096x128xf32>
    %get3A_9 = arith.constant 0 : index
    %get3A_10 = arith.constant 0 : index
    %get3A_11 = vector.load %arg3[%get3A_9, %get3A_10] : memref<4096x128xf32, #tpu.memory_space<vmem>>, vector<4096x128xf32>
    %add3A = arith.addf %get3A_8, %get3A_11 : vector<4096x128xf32>
    %get3A_12 = arith.constant 0 : index
    %get3A_13 = arith.constant 0 : index
    %get3A_14 = vector.load %arg5[%get3A_12, %get3A_13] : memref<128x128xf32, #tpu.memory_space<vmem>>, vector<128x128xf32>
    %dot_general3A_15 = arith.constant dense<0.000000e+00> : vector<4096x128xf32>
    %dot_general3A_16 = tpu.matmul %add3A, %get3A_14, %dot_general3A_15 {dimension_numbers = #tpu.dot_dimension_numbers<[1], [0], [0], [1], [0, 0, 1, 1], [], []>, transpose_lhs_hint = false} : vector<4096x128xf32>, vector<128x128xf32>, vector<4096x128xf32> -> vector<4096x128xf32>
    %mul3A = arith.constant 1.000000e-01 : f32
    %mul3A_17 = vector.broadcast %mul3A : f32 to vector<4096x128xf32>
    %mul3A_18 = arith.mulf %dot_general3A_16, %mul3A_17 : vector<4096x128xf32>
    %add3A_19 = arith.addf %dot_general3A_5, %mul3A_18 : vector<4096x128xf32>
    %max3A = arith.constant 0.000000e+00 : f32
    %max3A_20 = vector.broadcast %max3A : f32 to vector<4096x128xf32>
    %max3A_21 = arith.maximumf %add3A_19, %max3A_20 : vector<4096x128xf32>
    %swap3A = arith.constant 0 : index
    %swap3A_22 = arith.constant 0 : index
    %swap3A_23 = vector.load %arg6[%swap3A, %swap3A_22] : memref<4096x128xf32, #tpu.memory_space<vmem>>, vector<4096x128xf32>
    tpu.vector_store %arg6[%swap3A, %swap3A_22], %max3A_21 {strides = array<i32>} : memref<4096x128xf32, #tpu.memory_space<vmem>>, vector<4096x128xf32>,
    return
  }
  func.func @transform_0(%arg0: i32) -> (i32, i32) {
    %c0_i32 = arith.constant 0 : i32
    %c0_i32_0 = arith.constant 0 : i32
    return %arg0, %c0_i32 : i32, i32
  }
  func.func @transform_1(%arg0: i32) -> (i32, i32) {
    %c0_i32 = arith.constant 0 : i32
    %c0_i32_0 = arith.constant 0 : i32
    return %arg0, %c0_i32 : i32, i32
  }
  func.func @transform_2(%arg0: i32) -> (i32, i32) {
    %c0_i32 = arith.constant 0 : i32
    %c0_i32_0 = arith.constant 0 : i32
    return %arg0, %c0_i32 : i32, i32
  }
  func.func @transform_3(%arg0: i32) -> (i32, i32) {
    %c0_i32 = arith.constant 0 : i32
    %c0_i32_0 = arith.constant 0 : i32
    %c0_i32_1 = arith.constant 0 : i32
    return %c0_i32, %c0_i32_0 : i32, i32
  }
  func.func @transform_4(%arg0: i32) -> (i32, i32) {
    %c0_i32 = arith.constant 0 : i32
    %c0_i32_0 = arith.constant 0 : i32
    %c0_i32_1 = arith.constant 0 : i32
    return %c0_i32, %c0_i32_0 : i32, i32
  }
  func.func @transform_5(%arg0: i32) -> (i32, i32) {
    %c0_i32 = arith.constant 0 : i32
    %c0_i32_0 = arith.constant 0 : i32
    return %arg0, %c0_i32 : i32, i32
  }
}

</mosaic_0001>

<sc_bundles>
// kernel: kernel.4.cloned.1.call-start
scs
__scs_entry_jumppad:
0x0: {  	(pc) =	sbr.rel $0x88, $3  }
0x1: {  	(tag) =	ssettag $0x0;
	lr =	simm.s32 $0x1  }
0x2: {  	[smem:$0x3F9D] =	sst lr;
	_ =	strace $0xD0000000  }
0x3: {  	_ = 	snop  }
0x4: {  	_ = 	snop  }
0x5: {  	_ = 	snop  }
0x6: {  	_ = 	snop  }
0x7: {  	_ = 	snop  }
__scs_overlays_trampoline_lowered:
0x8: {  	[smem:$0x3FAC] =	sst s0  }
0x9: {  	[smem:$0x3FAD] =	sst s1  }
0xa: {  	[smem:$0x3FAE] =	sst s2  }
0xb: {  	[smem:$0x3FAF] =	sst s3  }
0xc: {  	[smem:$0x3FB0] =	sst s4  }
0xd: {  	[smem:$0x3FB1] =	sst s5  }
0xe: {  	[smem:$0x3FB2] =	sst s6  }
0xf: {  	[smem:$0x3FB3] =	sst s7  }
0x10: {  	[smem:$0x3FB4] =	sst s8  }
0x11: {  	[smem:$0x3FB5] =	sst s9;
	s0 =	simm.s32 @!p0 $0x0  }
0x12: {  	s1 =	sld [smem:$0x3F9B];
	s0 =	simm.s32 @p0 $0x1  }
0x13: {  	[smem:$0x3FB6] =	sst s0;
	s0 =	simm.s32 @!p1 $0x0  }
0x14: {  	s2 =	sld [smem:$0x3F9A];
	s0 =	simm.s32 @p1 $0x1  }
0x15: {  	[smem:$0x3FB7] =	sst s0;
	s0 =	simm.s32 @!p2 $0x0  }
0x16: {  	s3 =	sld [smem:$0x3FDB];
	s0 =	simm.s32 @p2 $0x1  }
0x17: {  	s4 =	simm.s32 $0x1BF5;
	[smem:$0x3FB9] =	sst s0  }
0x18: {  	s0 =	sld [smem:$0x3F9C];
	_ =	swait.ge [sflag:s4], $0x0  }
0x19: {  	s7 =	sld [smem:$0x3F9D]  }
0x1a: {  	s8 =	sadd.s32 $0xFFFFE003, lr  }
0x1b: {  	s9 =	sadd.s32 $0xFFFFFEF7, lr;
	s5 =	simm.s32 $0xFFFFFFFF;
	p2 =	slt.u32 s8, $0xFFFFF086  }
0x1c: {  	p1 =	slt.u32 s9, $0xF7A;
	s5 =	simm.s32 @!p2 $0x0  }
0x1d: {  	s5 =	simm.s32 @p1 $0x1;
	p0 =	seq.s32 s7, s2  }
0x1e: {  	s7 =	smul.u32 @!p0 $0xF7A, s2;
	p2 =	seq.s32 @!p0 s5, $0x0  }
0x1f: {  	s9 =	smul.u32 $0xF7A, s1;
	s8 =	simm.s32 @!p0 $0x1BF5;
	p2 =	por !p2, p0  }
0x20: {  	[sflag:s8] =	ssyncset.s32 @!p0 $0xFFFFF086;
	s6 =	sadd.s32 @!p0 s3, s7;
	s7 =	simm.s32 @!p0 $0x108  }
0x21: {  	s3 =	sadd.s32 s3, s9;
	s6 =	sadd.s32 @!p0 $0x88, s6;
	s7 =	simm.s32 @p2 $0x1082  }
0x22: {  	[simem:s7], [sflag:s8] =	dma.local @!p0 [hbm:s6], $0xF7A  }
0x23: {  	s9 =	sor.u32 $0xD0000000, s2;
	s6 =	simm.s32 $0x108;
	_ =	swait.ge @!p0 [sflag:s8], $0x0  }
0x24: {  	s3 =	sadd.s32 $0x88, s3;
	s6 =	simm.s32 @!p1 $0x1082;
	[sflag:s4] =	ssyncset.s32 $0xFFFFF086  }
0x25: {  	[simem:s6], [sflag:s4] =	dma.local [hbm:s3], $0xF7A  }
0x26: {  	[smem:$0x3F9D] =	sst s1;
	(tag) =	ssettag s2;
	_ =	strace s9  }
0x27: {  	s1 =	sld [smem:$0x3FAD]  }
0x28: {  	s2 =	sld [smem:$0x3FAE]  }
0x29: {  	s4 =	sld [smem:$0x3FB0]  }
0x2a: {  	p0 =	seq.s32 s5, $0x0;
	s5 =	sld [smem:$0x3FB1]  }
0x2b: {  	s6 =	sld [smem:$0x3FB2]  }
0x2c: {  	s7 =	sld [smem:$0x3FB3]  }
0x2d: {  	s3 =	simm.s32 $0x108;
	s8 =	sld [smem:$0x3FB4]  }
0x2e: {  	s3 =	simm.s32 @!p0 $0x1082;
	s9 =	sld [smem:$0x3FB5]  }
0x2f: {  	lr =	sadd.s32 s0, s3;
	s0 =	sld [smem:$0x3FAC]  }
0x30: {  	s3 =	sld [smem:$0x3FAF]  }
0x31: {  	[smem:$0x3FB8] =	sst s10  }
0x32: {  	s10 =	sld [smem:$0x3FB6];
	_ =	sdelay $0x3  }
0x33: {  	p0 =	seq.s32 s10, $0x1;
	s10 =	sld [smem:$0x3FB8];
	_ =	sdelay $0x3  }
0x34: {  	[smem:$0x3FB8] =	sst s10  }
0x35: {  	s10 =	sld [smem:$0x3FB7];
	_ =	sdelay $0x3  }
0x36: {  	p1 =	seq.s32 s10, $0x1;
	s10 =	sld [smem:$0x3FB8];
	_ =	sdelay $0x3  }
0x37: {  	[smem:$0x3FB8] =	sst s10  }
0x38: {  	s10 =	sld [smem:$0x3FB9]  }
0x39: {  	_ = 	snop;
	(pc) =	sbr.ind lr, $3  }
0x3a: {  	_ = 	snop  }
0x3b: {  	_ = 	snop  }
0x3c: {  	p2 =	seq.s32 s10, $0x1;
	s10 =	sld [smem:$0x3FB8]  }
0x3d: {  	_ =	shalt  }
0x3e: {  	_ =	shalt  }
0x3f: {  	_ =	shalt  }
0x40: {  	_ =	shalt  }
0x41: {  	_ =	shalt  }
0x42: {  	_ =	shalt  }
0x43: {  	_ =	shalt  }
0x44: {  	_ =	shalt  }
0x45: {  	_ =	shalt  }
0x46: {  	_ =	shalt  }
0x47: {  	_ =	shalt  }
0x48: {  	_ =	shalt  }
0x49: {  	_ =	shalt  }
0x4a: {  	_ =	shalt  }
0x4b: {  	_ =	shalt  }
0x4c: {  	_ =	shalt  }
0x4d: {  	_ =	shalt  }
0x4e: {  	_ =	shalt  }
0x4f: {  	_ =	shalt  }
0x50: {  	_ =	shalt  }
0x51: {  	_ =	shalt  }
0x52: {  	_ =	shalt  }
0x53: {  	_ =	shalt  }
0x54: {  	_ =	shalt  }
0x55: {  	_ =	shalt  }
0x56: {  	_ =	shalt  }
0x57: {  	_ =	shalt  }
0x58: {  	_ =	shalt  }
0x59: {  	_ =	shalt  }
0x5a: {  	_ =	shalt  }
0x5b: {  	_ =	shalt  }
0x5c: {  	_ =	shalt  }
0x5d: {  	_ =	shalt  }
0x5e: {  	_ =	shalt  }
0x5f: {  	_ =	shalt  }
0x60: {  	_ =	shalt  }
0x61: {  	_ =	shalt  }
0x62: {  	_ =	shalt  }
0x63: {  	_ =	shalt  }
0x64: {  	_ =	shalt  }
0x65: {  	_ =	shalt  }
0x66: {  	_ =	shalt  }
0x67: {  	_ =	shalt  }
0x68: {  	_ =	shalt  }
0x69: {  	_ =	shalt  }
0x6a: {  	_ =	shalt  }
0x6b: {  	_ =	shalt  }
0x6c: {  	_ =	shalt  }
0x6d: {  	_ =	shalt  }
0x6e: {  	_ =	shalt  }
0x6f: {  	_ =	shalt  }
0x70: {  	_ =	shalt  }
0x71: {  	_ =	shalt  }
0x72: {  	_ =	shalt  }
0x73: {  	_ =	shalt  }
0x74: {  	_ =	shalt  }
0x75: {  	_ =	shalt  }
0x76: {  	_ =	shalt  }
0x77: {  	_ =	shalt  }
0x78: {  	_ =	shalt  }
0x79: {  	_ =	shalt  }
0x7a: {  	_ =	shalt  }
0x7b: {  	_ =	shalt  }
0x7c: {  	_ =	shalt  }
0x7d: {  	_ =	shalt  }
0x7e: {  	_ =	shalt  }
0x7f: {  	_ =	shalt  }
0x80: {  	_ =	shalt  }
0x81: {  	_ =	shalt  }
0x82: {  	_ =	shalt  }
0x83: {  	_ =	shalt  }
0x84: {  	_ =	shalt  }
0x85: {  	_ =	shalt  }
0x86: {  	_ =	shalt  }
0x87: {  	_ =	shalt  }
.Lfunc_end0:
.L_simem_size_0:
called_computation_lowered:
.L_overlay_start_0:
0x88: {  	s2 =	sld [smem:$0x3FD9]  }
0x89: {  	s3 =	sld [smem:$0x3FFE];
	_ =	sdelay $0x1  }
0x8a: {  	s1 =	srdreg.scid  }
0x8b: {  	s0 =	sand.u32 $0x1, s1  }
0x8c: {  	s17 =	sshll.u32 s0, $0xA;
	s2 =	sadd.s32 s3, s2  }
0x8d: {  	s2 =	sadd.s32 s2, s17  }
0x8e: {  	[smem:$0x3FC4] =	sst s2  }
0x8f: {  	_ = 	snop  }
0x90: {  	s2 =	sld [smem:$0x3FC9]  }
0x91: {  	s18 =	sld [smem:$0x3FD0];
	(tm) =	ssettm $0x1  }
0x92: {  	s4 =	sld [smem:$0x3FFB];
	_ =	sdelay $0x3  }
0x93: {  	_ =	strace s4  }
0x94: {  	s4 =	sld [smem:$0x3FFC];
	_ =	sdelay $0x3  }
0x95: {  	_ =	strace s4  }
0x96: {  	s4 =	sld [smem:$0x3FFD];
	_ =	sdelay $0x3  }
0x97: {  	_ =	strace s4  }
0x98: {  	_ =	strace $0x8FFFFFFF  }
0x99: {  	s19 =	sld [smem:$0x3FDB];
	_ =	sdelay $0x1  }
0x9a: {  	s5 =	simm.s32 $_scs_section_size  }
0x9b: {  	s6 =	simm.s32 $_size__tile_overlayer_lowered;
	s7 =	simm.s32 $_tile_overlayer_lowered  }
0x9c: {  	s22 =	simm.s32 $0x1BFF;
	s21 =	sshll.u32 s7, $0x1;
	s4 =	sadd.s32 s5, s19  }
0x9d: {  	s8 =	simm.s32 $0x0;
	s20 =	sshll.u32 s6, $0x1;
	s6 =	sadd.s32 s21, s4  }
0x9e: {  	[timem:s8], [sflag:s22] =	dma.local [hbm:s6], s20  }
0x9f: {  	_ =	swait.ge [sflag:s22], s20  }
0xa0: {  	s5 =	ssub.s32 $0x0, s20;
	[sflag:s22] =	ssyncset.done $0x0  }
0xa1: {  	[sflag:s22] =	ssyncadd.s32 s5;
	_ =	sdelay $0x1  }
0xa2: {  	s23 =	simm.s32 $0x1B8B  }
0xa3: {  	_ =	swait.ge [sflag:s23], $0x1  }
0xa4: {  	[sflag:s23] =	ssyncset.done $0x0  }
0xa5: {  	s25 =	simm.s32 $0x1B8E;
	s24 =	sld [smem:$0x3FFE];
	[sflag:s23] =	ssyncadd.s32 $0xFFFFFFFF  }
0xa6: {  	s26 =	simm.s32 $execute0_lowered;
	[smem:$0x3FD2] =	sst s25  }
0xa7: {  	s6 =	sshll.u32 s26, $0x1;
	_ =	strace $0x80000046;
	[dreg:$0x1] =	wrdreg $0xFFFFFFFF  }
0xa8: {  	s28 =	simm.s32 $_size_execute0_lowered;
	s4 =	sadd.s32 s4, s6;
	[dreg:$0x0] =	wrdreg $0x0  }
0xa9: {  	s6 =	sshll.u32 s28, $0x1;
	[dreg:$0x2] =	wrdreg s4  }
0xaa: {  	[dreg:$0x3] =	wrdreg s6  }
0xab: {  	[dreg:$0x4] =	wrdreg $0xC0  }
0xac: {  	_ =	task [dreg:s8], $0x5FFFF  }
0xad: {  	[dreg:$0x1] =	wrdreg $0xFFFFFFFF  }
0xae: {  	[dreg:$0x0] =	wrdreg $0x60  }
0xaf: {  	[dreg:$0x2] =	wrdreg s2  }
0xb0: {  	[dreg:$0x3] =	wrdreg s18  }
0xb1: {  	[dreg:$0x4] =	wrdreg s24  }
0xb2: {  	[dreg:$0x5] =	wrdreg $0x9  }
0xb3: {  	_ =	task.clear_ibuf [dreg:s8], $0x6FFFF;
	_ =	strace $0x90000046  }
0xb4: {  	s29 =	simm.s32 $0x9;
	_ =	strace $0x80000048  }
0xb5: {  	_ =	swait.ge [sflag:s29], $0x1  }
0xb6: {  	[sflag:s29] =	ssyncadd.s32 $0xFFFFFFFF  }
0xb7: {  	_ =	strace $0x90000048  }
0xb8: {  	_ =	sfence  }
0xb9: {  	s30 =	sld [smem:$0x0];
	_ =	sdelay $0x2  }
0xba: {  	s31 =	sshll.u32 s1, $0xD;
	s1 =	sshrl.u32 s1, $0x2  }
0xbb: {  	s3 =	sand.u32 $0x4000, s31;
	s1 =	sadd.s32 s1, s30  }
0xbc: {  	s0 =	sor.u32 s3, s0;
	s1 =	sshll.u32 s1, $0x11  }
0xbd: {  	s0 =	sor.u32 s1, s0  }
0xbe: {  	s0 =	sadd.s32 $0x8F2B, s0  }
0xbf: {  	[sflag:s0] =	ssyncadd.remote.s32 $0x1  }
0xc0: {  	_ =	sfence.sel $0xFFFF  }
0xc1: {  	[dreg:$0x0] =	wrdreg $0xFFFFFFFF;
	(pc) =	sbr.abs _section_cstart, $3  }
0xc2: {  	[dreg:$0x1] =	wrdreg $0xFFFFFFFF  }
0xc3: {  	_ =	task.clear_ibuf [dreg:s8], $0x2FFFF;
	_ =	strace $0x9FFFFFFF  }
0xc4: {  	(tm) =	ssettm $0x7FFFFFFF  }
0xc5: {  	_ =	shalt  }
tec
execute0_lowered:
.L_overlay_start_1:
0x0: {  	(tag) =	ssettag $0x1  }
0x1: {  	s1 =	rddreg [dreg:$0x0]  }
0x2: {  	s0 =	rddreg [dreg:$0x1]  }
0x3: {  	s2 =	rddreg [dreg:$0x2];
	s3 =	simm.s32 $0x0;
	s4 =	srdreg.scid  }
0x4: {  	s8 =	stileid.u32;
	s11 =	simm.s32 $0x7;
	s12 =	simm.s32 $0x70  }
0x5: {  	s13 =	simm.s32 $0x86C0;
	s14 =	simm.s32 $0xBEC0;
	s15 =	simm.s32 $0xF6C0  }
0x6: {  	s16 =	simm.s32 $0x12EC0;
	s17 =	simm.s32 $0x166C0;
	s18 =	simm.s32 $0x19EC0  }
0x7: {  	s19 =	simm.s32 $0x3;
	s20 =	simm.s32 $0x4;
	s21 =	simm.s32 $0x5  }
0x8: {  	s22 =	simm.s32 $0x6;
	s23 =	simm.s32 $0x1;
	s24 =	simm.s32 $0x2  }
0x9: {  	s25 =	simm.s32 $0x0;
	s4 =	sand.u32 $0x1, s4;
	s5 =	smul.u32 $0xC400, s8  }
0xa: {  	[smem:$0x7FF] =	sst s3;
	s8 =	smul.u32 $0x10D8, s8;
	s6 =	ssub.s32 $0x2, s4  }
0xb: {  	_ =	strace $0x80000047;
	s4 =	ssub.s32 $0x0, s4;
	s7 =	sshrl.u32 s6, $0x1  }
0xc: {  	s2 =	sadd.s32 s5, s2;
	s4 =	sand.u32 $0x620, s4;
	s5 =	sadd.s32 s0, s8  }
0xd: {  	s6 =	ssub.s32 s6, s7;
	s7 =	sshll.u32 s4, $0x4;
	s8 =	sadd.s32 $0xC00, s2  }
0xe: {  	s9 =	sadd.s32 $0xC4C00, s2;
	s10 =	sadd.s32 $0x188C00, s2;
	s6 =	smax.u32 s6, $0x1  }
.LBB2_1:
0xf: {  	[tilespmem:s3], [sflag:$0x7] =	stream.linear.gather [hbm4b:s5+s3], $0x86C0, $0x38;
	[tilespmem:$0x1D6C0] =	vst v63  }
0x10: {  	_ =	swait.ge [sflag:s11], $0x86C0  }
0x11: {  	[sflag:s11] =	ssyncset.done $0x0  }
0x12: {  	s0 =	sadd.s32 $0x0, s4;
	[sflag:s11] =	ssyncadd.s32 $0xFFFF7940  }
0x13: {  	[tilespmem:s13], [sflag:$0x1] =	stream.indirect.gather [hbm4b:s1+s12], $0x80, s0, s12, $0xb8;
	[tilespmem:$0x1D6C0] =	vst v63  }
0x14: {  	s2 =	sadd.s32 $0x70, s0  }
0x15: {  	[tilespmem:s14], [sflag:$0x1] =	stream.indirect.gather [hbm4b:s1+s12], $0x80, s2, s12, $0xb8;
	[tilespmem:$0x1D6C0] =	vst v63  }
0x16: {  	s26 =	sadd.s32 $0xC40, s0  }
0x17: {  	[tilespmem:s15], [sflag:$0x3] =	stream.indirect.gather [hbm4b:s1+s12], $0x80, s26, s12, $0xb8;
	[tilespmem:$0x1D6C0] =	vst v63  }
0x18: {  	s31 =	sadd.s32 $0x4980, s0  }
0x19: {  	[tilespmem:s16], [sflag:$0x4] =	stream.indirect.gather [hbm4b:s1+s12], $0x80, s31, s12, $0xb8;
	[tilespmem:$0x1D6C0] =	vst v63  }
0x1a: {  	s26 =	sadd.s32 $0xCB0, s0  }
0x1b: {  	[tilespmem:s17], [sflag:$0x5] =	stream.indirect.gather [hbm4b:s1+s12], $0x80, s26, s12, $0xb8;
	[tilespmem:$0x1D6C0] =	vst v63  }
0x1c: {  	s31 =	sadd.s32 $0x49F0, s0  }
0x1d: {  	[tilespmem:s18], [sflag:$0x6] =	stream.indirect.gather [hbm4b:s1+s12], $0x80, s31, s12, $0xb8;
	[tilespmem:$0x1D6C0] =	vst v63  }
0x1e: {  	_ =	swait.ge [sflag:s19], $0x3800  }
0x1f: {  	[sflag:s19] =	ssyncset.done $0x0  }
0x20: {  	s26 =	sadd.s32 $0x1880, s0;
	[sflag:s19] =	ssyncadd.s32 $0xFFFFC800  }
0x21: {  	[tilespmem:s15], [sflag:$0x3] =	stream.indirect.gather.add.f32 [hbm:s1], $0x80, s26, s12, $0xb8;
	[tilespmem:$0x1D6C0] =	vst v63  }
0x22: {  	_ =	swait.ge [sflag:s20], $0x3800  }
0x23: {  	[sflag:s20] =	ssyncset.done $0x0  }
0x24: {  	s31 =	sadd.s32 $0x55C0, s0;
	[sflag:s20] =	ssyncadd.s32 $0xFFFFC800  }
0x25: {  	[tilespmem:s16], [sflag:$0x4] =	stream.indirect.gather.add.f32 [hbm:s1], $0x80, s31, s12, $0xb8;
	[tilespmem:$0x1D6C0] =	vst v63  }
0x26: {  	_ =	swait.ge [sflag:s21], $0x3800  }
0x27: {  	[sflag:s21] =	ssyncset.done $0x0  }
0x28: {  	s26 =	sadd.s32 $0x18F0, s0;
	[sflag:s21] =	ssyncadd.s32 $0xFFFFC800  }
0x29: {  	[tilespmem:s17], [sflag:$0x5] =	stream.indirect.gather.add.f32 [hbm:s1], $0x80, s26, s12, $0xb8;
	[tilespmem:$0x1D6C0] =	vst v63  }
0x2a: {  	_ =	swait.ge [sflag:s22], $0x3800  }
0x2b: {  	[sflag:s22] =	ssyncset.done $0x0  }
0x2c: {  	s31 =	sadd.s32 $0x5630, s0;
	[sflag:s22] =	ssyncadd.s32 $0xFFFFC800  }
0x2d: {  	[tilespmem:s18], [sflag:$0x6] =	stream.indirect.gather.add.f32 [hbm:s1], $0x80, s31, s12, $0xb8;
	[tilespmem:$0x1D6C0] =	vst v63  }
0x2e: {  	_ =	swait.ge [sflag:s19], $0x3800  }
0x2f: {  	[sflag:s19] =	ssyncset.done $0x0  }
0x30: {  	s26 =	sadd.s32 $0x24C0, s0;
	[sflag:s19] =	ssyncadd.s32 $0xFFFFC800  }
0x31: {  	[tilespmem:s15], [sflag:$0x3] =	stream.indirect.gather.add.f32 [hbm:s1], $0x80, s26, s12, $0xb8;
	[tilespmem:$0x1D6C0] =	vst v63  }
0x32: {  	_ =	swait.ge [sflag:s20], $0x3800  }
0x33: {  	[sflag:s20] =	ssyncset.done $0x0  }
0x34: {  	s31 =	sadd.s32 $0x6200, s0;
	[sflag:s20] =	ssyncadd.s32 $0xFFFFC800  }
0x35: {  	[tilespmem:s16], [sflag:$0x4] =	stream.indirect.gather.add.f32 [hbm:s1], $0x80, s31, s12, $0xb8;
	[tilespmem:$0x1D6C0] =	vst v63  }
0x36: {  	_ =	swait.ge [sflag:s21], $0x3800  }
0x37: {  	[sflag:s21] =	ssyncset.done $0x0  }
0x38: {  	s26 =	sadd.s32 $0x2530, s0;
	[sflag:s21] =	ssyncadd.s32 $0xFFFFC800  }
0x39: {  	[tilespmem:s17], [sflag:$0x5] =	stream.indirect.gather.add.f32 [hbm:s1], $0x80, s26, s12, $0xb8;
	[tilespmem:$0x1D6C0] =	vst v63  }
0x3a: {  	_ =	swait.ge [sflag:s22], $0x3800  }
0x3b: {  	[sflag:s22] =	ssyncset.done $0x0  }
0x3c: {  	s31 =	sadd.s32 $0x6270, s0;
	[sflag:s22] =	ssyncadd.s32 $0xFFFFC800  }
0x3d: {  	[tilespmem:s18], [sflag:$0x6] =	stream.indirect.gather.add.f32 [hbm:s1], $0x80, s31, s12, $0xb8;
	[tilespmem:$0x1D6C0] =	vst v63  }
0x3e: {  	_ =	swait.ge [sflag:s19], $0x3800  }
0x3f: {  	[sflag:s19] =	ssyncset.done $0x0  }
0x40: {  	s26 =	sadd.s32 $0x3100, s0;
	[sflag:s19] =	ssyncadd.s32 $0xFFFFC800  }
0x41: {  	[tilespmem:s15], [sflag:$0x3] =	stream.indirect.gather.add.f32 [hbm:s1], $0x80, s26, s12, $0xb8;
	[tilespmem:$0x1D6C0] =	vst v63  }
0x42: {  	_ =	swait.ge [sflag:s20], $0x3800  }
0x43: {  	[sflag:s20] =	ssyncset.done $0x0  }
0x44: {  	s31 =	sadd.s32 $0x6E40, s0;
	[sflag:s20] =	ssyncadd.s32 $0xFFFFC800  }
0x45: {  	[tilespmem:s16], [sflag:$0x4] =	stream.indirect.gather.add.f32 [hbm:s1], $0x80, s31, s12, $0xb8;
	[tilespmem:$0x1D6C0] =	vst v63  }
0x46: {  	_ =	swait.ge [sflag:s21], $0x3800  }
0x47: {  	[sflag:s21] =	ssyncset.done $0x0  }
0x48: {  	s26 =	sadd.s32 $0x3170, s0;
	[sflag:s21] =	ssyncadd.s32 $0xFFFFC800  }
0x49: {  	[tilespmem:s17], [sflag:$0x5] =	stream.indirect.gather.add.f32 [hbm:s1], $0x80, s26, s12, $0xb8;
	[tilespmem:$0x1D6C0] =	vst v63  }
0x4a: {  	_ =	swait.ge [sflag:s22], $0x3800  }
0x4b: {  	[sflag:s22] =	ssyncset.done $0x0  }
0x4c: {  	s31 =	sadd.s32 $0x6EB0, s0;
	[sflag:s22] =	ssyncadd.s32 $0xFFFFC800  }
0x4d: {  	[tilespmem:s18], [sflag:$0x6] =	stream.indirect.gather.add.f32 [hbm:s1], $0x80, s31, s12, $0xb8;
	[tilespmem:$0x1D6C0] =	vst v63  }
0x4e: {  	_ =	swait.ge [sflag:s19], $0x3800  }
0x4f: {  	[sflag:s19] =	ssyncset.done $0x0  }
0x50: {  	s26 =	sadd.s32 $0x3D40, s0;
	[sflag:s19] =	ssyncadd.s32 $0xFFFFC800  }
0x51: {  	[tilespmem:s15], [sflag:$0x3] =	stream.indirect.gather.add.f32 [hbm:s1], $0x80, s26, s12, $0xb8;
	[tilespmem:$0x1D6C0] =	vst v63  }
0x52: {  	_ =	swait.ge [sflag:s20], $0x3800  }
0x53: {  	[sflag:s20] =	ssyncset.done $0x0  }
0x54: {  	s31 =	sadd.s32 $0x7A80, s0;
	[sflag:s20] =	ssyncadd.s32 $0xFFFFC800  }
0x55: {  	[tilespmem:s16], [sflag:$0x4] =	stream.indirect.gather.add.f32 [hbm:s1], $0x80, s31, s12, $0xb8;
	[tilespmem:$0x1D6C0] =	vst v63  }
0x56: {  	_ =	swait.ge [sflag:s21], $0x3800  }
0x57: {  	[sflag:s21] =	ssyncset.done $0x0  }
0x58: {  	s26 =	sadd.s32 $0x3DB0, s0;
	[sflag:s21] =	ssyncadd.s32 $0xFFFFC800  }
0x59: {  	[tilespmem:s17], [sflag:$0x5] =	stream.indirect.gather.add.f32 [hbm:s1], $0x80, s26, s12, $0xb8;
	[tilespmem:$0x1D6C0] =	vst v63  }
0x5a: {  	_ =	swait.ge [sflag:s22], $0x3800  }
0x5b: {  	[sflag:s22] =	ssyncset.done $0x0  }
0x5c: {  	s0 =	sadd.s32 $0x7AF0, s0;
	[sflag:s22] =	ssyncadd.s32 $0xFFFFC800  }
0x5d: {  	[tilespmem:s18], [sflag:$0x6] =	stream.indirect.gather.add.f32 [hbm:s1], $0x80, s0, s12, $0xb8;
	[tilespmem:$0x1D6C0] =	vst v63  }
0x5e: {  	_ =	swait.ge [sflag:s23], $0x3800  }
0x5f: {  	[sflag:s23] =	ssyncset.done $0x0  }
0x60: {  	s31 =	sadd.s32 s8, s7;
	[sflag:s23] =	ssyncadd.s32 $0xFFFFC800  }
0x61: {  	[hbm4b:s31+s3] =	stream.linear.scatter [tilespmem:s13], [sflag:$0x2], $0x3800, $0x38;
	[tilespmem:$0x1D6C0] =	vst v63  }
0x62: {  	_ =	swait.ge [sflag:s23], $0x3800  }
0x63: {  	[sflag:s23] =	ssyncset.done $0x0  }
0x64: {  	s0 =	sadd.s32 $0x700, s31;
	[sflag:s23] =	ssyncadd.s32 $0xFFFFC800  }
0x65: {  	[hbm4b:s0+s3] =	stream.linear.scatter [tilespmem:s14], [sflag:$0x2], $0x3800, $0x38;
	[tilespmem:$0x1D6C0] =	vst v63  }
0x66: {  	_ =	swait.ge [sflag:s19], $0x3800  }
0x67: {  	[sflag:s19] =	ssyncset.done $0x0  }
0x68: {  	s2 =	sadd.s32 s9, s7;
	[sflag:s19] =	ssyncadd.s32 $0xFFFFC800  }
0x69: {  	[hbm4b:s2+s3] =	stream.linear.scatter [tilespmem:s15], [sflag:$0x2], $0x3800, $0x38;
	[tilespmem:$0x1D6C0] =	vst v63  }
0x6a: {  	_ =	swait.ge [sflag:s20], $0x3800  }
0x6b: {  	[sflag:s20] =	ssyncset.done $0x0  }
0x6c: {  	s26 =	sadd.s32 s10, s7;
	[sflag:s20] =	ssyncadd.s32 $0xFFFFC800  }
0x6d: {  	[hbm4b:s26+s3] =	stream.linear.scatter [tilespmem:s16], [sflag:$0x2], $0x3800, $0x38;
	[tilespmem:$0x1D6C0] =	vst v63  }
0x6e: {  	_ =	swait.ge [sflag:s21], $0x3800  }
0x6f: {  	[sflag:s21] =	ssyncset.done $0x0  }
0x70: {  	s0 =	sadd.s32 $0x700, s2;
	[sflag:s21] =	ssyncadd.s32 $0xFFFFC800  }
0x71: {  	[hbm4b:s0+s3] =	stream.linear.scatter [tilespmem:s17], [sflag:$0x2], $0x3800, $0x38;
	[tilespmem:$0x1D6C0] =	vst v63  }
0x72: {  	_ =	swait.ge [sflag:s22], $0x3800  }
0x73: {  	[sflag:s22] =	ssyncset.done $0x0  }
0x74: {  	s31 =	sadd.s32 $0x700, s26;
	[sflag:s22] =	ssyncadd.s32 $0xFFFFC800  }
0x75: {  	[hbm4b:s31+s3] =	stream.linear.scatter [tilespmem:s18], [sflag:$0x2], $0x3800, $0x38;
	[tilespmem:$0x1D6C0] =	vst v63  }
0x76: {  	_ =	swait.ge [sflag:s24], $0x3800  }
0x77: {  	[sflag:s24] =	ssyncset.done $0x0  }
0x78: {  	[sflag:s24] =	ssyncadd.s32 $0xFFFFC800  }
0x79: {  	_ =	swait.ge [sflag:s24], $0x3800  }
0x7a: {  	[sflag:s24] =	ssyncset.done $0x0  }
0x7b: {  	[sflag:s24] =	ssyncadd.s32 $0xFFFFC800  }
0x7c: {  	_ =	swait.ge [sflag:s24], $0x3800  }
0x7d: {  	[sflag:s24] =	ssyncset.done $0x0  }
0x7e: {  	[sflag:s24] =	ssyncadd.s32 $0xFFFFC800  }
0x7f: {  	_ =	swait.ge [sflag:s24], $0x3800  }
0x80: {  	[sflag:s24] =	ssyncset.done $0x0  }
0x81: {  	[sflag:s24] =	ssyncadd.s32 $0xFFFFC800  }
0x82: {  	_ =	swait.ge [sflag:s24], $0x3800  }
0x83: {  	[sflag:s24] =	ssyncset.done $0x0  }
0x84: {  	s30 =	simm.s32 $0x700;
	[sflag:s24] =	ssyncadd.s32 $0xFFFFC800  }
0x85: {  	s28 =	sadd.s32 $0xE00, s9;
	s29 =	sadd.s32 $0xE00, s8;
	_ =	swait.ge [sflag:s24], $0x3800  }
0x86: {  	s26 =	sadd.s32 $0xE00, s10;
	s0 =	simm.s32 $0xE0;
	[sflag:s24] =	ssyncset.done $0x0  }
.LBB2_2:
0x87: {  	s0 =	sadd.s32 s0, s4  }
0x88: {  	[sflag:s24] =	ssyncadd.s32 $0xFFFFC800;
	s31 =	smov.u32 s30;
	s2 =	sadd.s32 $0x380, s30  }
0x89: {  	[tilespmem:s13], [sflag:$0x1] =	stream.indirect.gather [hbm4b:s1+s12], $0x80, s0, s12, $0xb8;
	[tilespmem:$0x1D6C0] =	vst v63  }
0x8a: {  	p0 =	sne.s32 s30, $0x1500;
	s30 =	sadd.s32 $0x70, s0  }
0x8b: {  	[tilespmem:s14], [sflag:$0x1] =	stream.indirect.gather [hbm4b:s1+s12], $0x80, s30, s12, $0xb8;
	[tilespmem:$0x1D6C0] =	vst v63  }
0x8c: {  	s30 =	sadd.s32 $0xC40, s0  }
0x8d: {  	[tilespmem:s15], [sflag:$0x3] =	stream.indirect.gather [hbm4b:s1+s12], $0x80, s30, s12, $0xb8;
	[tilespmem:$0x1D6C0] =	vst v63  }
0x8e: {  	s30 =	sadd.s32 $0x4980, s0  }
0x8f: {  	[tilespmem:s16], [sflag:$0x4] =	stream.indirect.gather [hbm4b:s1+s12], $0x80, s30, s12, $0xb8;
	[tilespmem:$0x1D6C0] =	vst v63  }
0x90: {  	s30 =	sadd.s32 $0xCB0, s0  }
0x91: {  	[tilespmem:s17], [sflag:$0x5] =	stream.indirect.gather [hbm4b:s1+s12], $0x80, s30, s12, $0xb8;
	[tilespmem:$0x1D6C0] =	vst v63  }
0x92: {  	s30 =	sadd.s32 $0x49F0, s0  }
0x93: {  	[tilespmem:s18], [sflag:$0x6] =	stream.indirect.gather [hbm4b:s1+s12], $0x80, s30, s12, $0xb8;
	[tilespmem:$0x1D6C0] =	vst v63  }
0x94: {  	_ =	swait.ge [sflag:s19], $0x3800  }
0x95: {  	[sflag:s19] =	ssyncset.done $0x0  }
0x96: {  	s30 =	sadd.s32 $0x1880, s0;
	[sflag:s19] =	ssyncadd.s32 $0xFFFFC800  }
0x97: {  	[tilespmem:s15], [sflag:$0x3] =	stream.indirect.gather.add.f32 [hbm:s1], $0x80, s30, s12, $0xb8;
	[tilespmem:$0x1D6C0] =	vst v63  }
0x98: {  	_ =	swait.ge [sflag:s20], $0x3800  }
0x99: {  	[sflag:s20] =	ssyncset.done $0x0  }
0x9a: {  	s30 =	sadd.s32 $0x55C0, s0;
	[sflag:s20] =	ssyncadd.s32 $0xFFFFC800  }
0x9b: {  	[tilespmem:s16], [sflag:$0x4] =	stream.indirect.gather.add.f32 [hbm:s1], $0x80, s30, s12, $0xb8;
	[tilespmem:$0x1D6C0] =	vst v63  }
0x9c: {  	_ =	swait.ge [sflag:s21], $0x3800  }
0x9d: {  	[sflag:s21] =	ssyncset.done $0x0  }
0x9e: {  	s30 =	sadd.s32 $0x18F0, s0;
	[sflag:s21] =	ssyncadd.s32 $0xFFFFC800  }
0x9f: {  	[tilespmem:s17], [sflag:$0x5] =	stream.indirect.gather.add.f32 [hbm:s1], $0x80, s30, s12, $0xb8;
	[tilespmem:$0x1D6C0] =	vst v63  }
0xa0: {  	_ =	swait.ge [sflag:s22], $0x3800  }
0xa1: {  	[sflag:s22] =	ssyncset.done $0x0  }
0xa2: {  	s30 =	sadd.s32 $0x5630, s0;
	[sflag:s22] =	ssyncadd.s32 $0xFFFFC800  }
0xa3: {  	[tilespmem:s18], [sflag:$0x6] =	stream.indirect.gather.add.f32 [hbm:s1], $0x80, s30, s12, $0xb8;
	[tilespmem:$0x1D6C0] =	vst v63  }
0xa4: {  	_ =	swait.ge [sflag:s19], $0x3800  }
0xa5: {  	[sflag:s19] =	ssyncset.done $0x0  }
0xa6: {  	s30 =	sadd.s32 $0x24C0, s0;
	[sflag:s19] =	ssyncadd.s32 $0xFFFFC800  }
0xa7: {  	[tilespmem:s15], [sflag:$0x3] =	stream.indirect.gather.add.f32 [hbm:s1], $0x80, s30, s12, $0xb8;
	[tilespmem:$0x1D6C0] =	vst v63  }
0xa8: {  	_ =	swait.ge [sflag:s20], $0x3800  }
0xa9: {  	[sflag:s20] =	ssyncset.done $0x0  }
0xaa: {  	s30 =	sadd.s32 $0x6200, s0;
	[sflag:s20] =	ssyncadd.s32 $0xFFFFC800  }
0xab: {  	[tilespmem:s16], [sflag:$0x4] =	stream.indirect.gather.add.f32 [hbm:s1], $0x80, s30, s12, $0xb8;
	[tilespmem:$0x1D6C0] =	vst v63  }
0xac: {  	_ =	swait.ge [sflag:s21], $0x3800  }
0xad: {  	[sflag:s21] =	ssyncset.done $0x0  }
0xae: {  	s30 =	sadd.s32 $0x2530, s0;
	[sflag:s21] =	ssyncadd.s32 $0xFFFFC800  }
0xaf: {  	[tilespmem:s17], [sflag:$0x5] =	stream.indirect.gather.add.f32 [hbm:s1], $0x80, s30, s12, $0xb8;
	[tilespmem:$0x1D6C0] =	vst v63  }
0xb0: {  	_ =	swait.ge [sflag:s22], $0x3800  }
0xb1: {  	[sflag:s22] =	ssyncset.done $0x0  }
0xb2: {  	s30 =	sadd.s32 $0x6270, s0;
	[sflag:s22] =	ssyncadd.s32 $0xFFFFC800  }
0xb3: {  	[tilespmem:s18], [sflag:$0x6] =	stream.indirect.gather.add.f32 [hbm:s1], $0x80, s30, s12, $0xb8;
	[tilespmem:$0x1D6C0] =	vst v63  }
0xb4: {  	_ =	swait.ge [sflag:s19], $0x3800  }
0xb5: {  	[sflag:s19] =	ssyncset.done $0x0  }
0xb6: {  	s30 =	sadd.s32 $0x3100, s0;
	[sflag:s19] =	ssyncadd.s32 $0xFFFFC800  }
0xb7: {  	[tilespmem:s15], [sflag:$0x3] =	stream.indirect.gather.add.f32 [hbm:s1], $0x80, s30, s12, $0xb8;
	[tilespmem:$0x1D6C0] =	vst v63  }
0xb8: {  	_ =	swait.ge [sflag:s20], $0x3800  }
0xb9: {  	[sflag:s20] =	ssyncset.done $0x0  }
0xba: {  	s30 =	sadd.s32 $0x6E40, s0;
	[sflag:s20] =	ssyncadd.s32 $0xFFFFC800  }
0xbb: {  	[tilespmem:s16], [sflag:$0x4] =	stream.indirect.gather.add.f32 [hbm:s1], $0x80, s30, s12, $0xb8;
	[tilespmem:$0x1D6C0] =	vst v63  }
0xbc: {  	_ =	swait.ge [sflag:s21], $0x3800  }
0xbd: {  	[sflag:s21] =	ssyncset.done $0x0  }
0xbe: {  	s30 =	sadd.s32 $0x3170, s0;
	[sflag:s21] =	ssyncadd.s32 $0xFFFFC800  }
0xbf: {  	[tilespmem:s17], [sflag:$0x5] =	stream.indirect.gather.add.f32 [hbm:s1], $0x80, s30, s12, $0xb8;
	[tilespmem:$0x1D6C0] =	vst v63  }
0xc0: {  	_ =	swait.ge [sflag:s22], $0x3800  }
0xc1: {  	[sflag:s22] =	ssyncset.done $0x0  }
0xc2: {  	s30 =	sadd.s32 $0x6EB0, s0;
	[sflag:s22] =	ssyncadd.s32 $0xFFFFC800  }
0xc3: {  	[tilespmem:s18], [sflag:$0x6] =	stream.indirect.gather.add.f32 [hbm:s1], $0x80, s30, s12, $0xb8;
	[tilespmem:$0x1D6C0] =	vst v63  }
0xc4: {  	_ =	swait.ge [sflag:s19], $0x3800  }
0xc5: {  	[sflag:s19] =	ssyncset.done $0x0  }
0xc6: {  	s30 =	sadd.s32 $0x3D40, s0;
	[sflag:s19] =	ssyncadd.s32 $0xFFFFC800  }
0xc7: {  	[tilespmem:s15], [sflag:$0x3] =	stream.indirect.gather.add.f32 [hbm:s1], $0x80, s30, s12, $0xb8;
	[tilespmem:$0x1D6C0] =	vst v63  }
0xc8: {  	_ =	swait.ge [sflag:s20], $0x3800  }
0xc9: {  	[sflag:s20] =	ssyncset.done $0x0  }
0xca: {  	s30 =	sadd.s32 $0x7A80, s0;
	[sflag:s20] =	ssyncadd.s32 $0xFFFFC800  }
0xcb: {  	[tilespmem:s16], [sflag:$0x4] =	stream.indirect.gather.add.f32 [hbm:s1], $0x80, s30, s12, $0xb8;
	[tilespmem:$0x1D6C0] =	vst v63  }
0xcc: {  	_ =	swait.ge [sflag:s21], $0x3800  }
0xcd: {  	[sflag:s21] =	ssyncset.done $0x0  }
0xce: {  	s30 =	sadd.s32 $0x3DB0, s0;
	[sflag:s21] =	ssyncadd.s32 $0xFFFFC800  }
0xcf: {  	[tilespmem:s17], [sflag:$0x5] =	stream.indirect.gather.add.f32 [hbm:s1], $0x80, s30, s12, $0xb8;
	[tilespmem:$0x1D6C0] =	vst v63  }
0xd0: {  	_ =	swait.ge [sflag:s22], $0x3800  }
0xd1: {  	[sflag:s22] =	ssyncset.done $0x0  }
0xd2: {  	s0 =	sadd.s32 $0x7AF0, s0;
	[sflag:s22] =	ssyncadd.s32 $0xFFFFC800  }
0xd3: {  	[tilespmem:s18], [sflag:$0x6] =	stream.indirect.gather.add.f32 [hbm:s1], $0x80, s0, s12, $0xb8;
	[tilespmem:$0x1D6C0] =	vst v63  }
0xd4: {  	_ =	swait.ge [sflag:s23], $0x3800  }
0xd5: {  	[sflag:s23] =	ssyncset.done $0x0  }
0xd6: {  	s0 =	sadd.s32 s29, s7;
	[sflag:s23] =	ssyncadd.s32 $0xFFFFC800  }
0xd7: {  	[hbm4b:s0+s3] =	stream.linear.scatter [tilespmem:s13], [sflag:$0x2], $0x3800, $0x38;
	[tilespmem:$0x1D6C0] =	vst v63  }
0xd8: {  	_ =	swait.ge [sflag:s23], $0x3800  }
0xd9: {  	[sflag:s23] =	ssyncset.done $0x0  }
0xda: {  	s0 =	sadd.s32 $0x700, s0;
	[sflag:s23] =	ssyncadd.s32 $0xFFFFC800  }
0xdb: {  	[hbm4b:s0+s3] =	stream.linear.scatter [tilespmem:s14], [sflag:$0x2], $0x3800, $0x38;
	[tilespmem:$0x1D6C0] =	vst v63  }
0xdc: {  	_ =	swait.ge [sflag:s19], $0x3800  }
0xdd: {  	[sflag:s19] =	ssyncset.done $0x0  }
0xde: {  	s0 =	sadd.s32 s28, s7;
	[sflag:s19] =	ssyncadd.s32 $0xFFFFC800  }
0xdf: {  	[hbm4b:s0+s3] =	stream.linear.scatter [tilespmem:s15], [sflag:$0x2], $0x3800, $0x38;
	[tilespmem:$0x1D6C0] =	vst v63  }
0xe0: {  	_ =	swait.ge [sflag:s20], $0x3800  }
0xe1: {  	[sflag:s20] =	ssyncset.done $0x0  }
0xe2: {  	s30 =	sadd.s32 s26, s7;
	[sflag:s20] =	ssyncadd.s32 $0xFFFFC800  }
0xe3: {  	[hbm4b:s30+s3] =	stream.linear.scatter [tilespmem:s16], [sflag:$0x2], $0x3800, $0x38;
	[tilespmem:$0x1D6C0] =	vst v63  }
0xe4: {  	_ =	swait.ge [sflag:s21], $0x3800  }
0xe5: {  	[sflag:s21] =	ssyncset.done $0x0  }
0xe6: {  	s0 =	sadd.s32 $0x700, s0;
	[sflag:s21] =	ssyncadd.s32 $0xFFFFC800  }
0xe7: {  	[hbm4b:s0+s3] =	stream.linear.scatter [tilespmem:s17], [sflag:$0x2], $0x3800, $0x38;
	[tilespmem:$0x1D6C0] =	vst v63  }
0xe8: {  	_ =	swait.ge [sflag:s22], $0x3800  }
0xe9: {  	[sflag:s22] =	ssyncset.done $0x0  }
0xea: {  	s0 =	sadd.s32 $0x700, s30;
	[sflag:s22] =	ssyncadd.s32 $0xFFFFC800  }
0xeb: {  	[hbm4b:s0+s3] =	stream.linear.scatter [tilespmem:s18], [sflag:$0x2], $0x3800, $0x38;
	[tilespmem:$0x1D6C0] =	vst v63  }
0xec: {  	_ =	swait.ge [sflag:s24], $0x3800  }
0xed: {  	[sflag:s24] =	ssyncset.done $0x0  }
0xee: {  	[sflag:s24] =	ssyncadd.s32 $0xFFFFC800  }
0xef: {  	_ =	swait.ge [sflag:s24], $0x3800  }
0xf0: {  	[sflag:s24] =	ssyncset.done $0x0  }
0xf1: {  	[sflag:s24] =	ssyncadd.s32 $0xFFFFC800  }
0xf2: {  	_ =	swait.ge [sflag:s24], $0x3800  }
0xf3: {  	[sflag:s24] =	ssyncset.done $0x0  }
0xf4: {  	[sflag:s24] =	ssyncadd.s32 $0xFFFFC800  }
0xf5: {  	_ =	swait.ge [sflag:s24], $0x3800  }
0xf6: {  	[sflag:s24] =	ssyncset.done $0x0  }
0xf7: {  	[sflag:s24] =	ssyncadd.s32 $0xFFFFC800  }
.Ltmp0:
0xf8: {  	_ =	swait.ge [sflag:s24], $0x3800;
	(pc) =	sbr.rel @p0 .LBB2_2-.Ltmp0, $4  }
0xf9: {  	[sflag:s24] =	ssyncset.done $0x0  }
0xfa: {  	s26 =	sadd.s32 $0xE00, s26;
	[sflag:s24] =	ssyncadd.s32 $0xFFFFC800  }
0xfb: {  	s29 =	sadd.s32 $0xE00, s29;
	s28 =	sadd.s32 $0xE00, s28;
	_ =	swait.ge [sflag:s24], $0x3800  }
0xfc: {  	s30 =	smov.u32 s2;
	s0 =	sshra.s32 s31, $0x2;
	[sflag:s24] =	ssyncset.done $0x0  }
0xfd: {  	s0 =	sadd.s32 s0, s4;
	[sflag:s24] =	ssyncadd.s32 $0xFFFFC800  }
0xfe: {  	[tilespmem:s13], [sflag:$0x1] =	stream.indirect.gather [hbm4b:s1+s12], $0x80, s0, s12, $0xb8;
	[tilespmem:$0x1D6C0] =	vst v63  }
0xff: {  	s2 =	sadd.s32 $0x70, s0  }
0x100: {  	[tilespmem:s14], [sflag:$0x1] =	stream.indirect.gather [hbm4b:s1+s12], $0x80, s2, s12, $0xb8;
	[tilespmem:$0x1D6C0] =	vst v63  }
0x101: {  	s31 =	sadd.s32 $0xC40, s0  }
0x102: {  	[tilespmem:s15], [sflag:$0x3] =	stream.indirect.gather [hbm4b:s1+s12], $0x80, s31, s12, $0xb8;
	[tilespmem:$0x1D6C0] =	vst v63  }
0x103: {  	s30 =	sadd.s32 $0x4980, s0  }
0x104: {  	[tilespmem:s16], [sflag:$0x4] =	stream.indirect.gather [hbm4b:s1+s12], $0x80, s30, s12, $0xb8;
	[tilespmem:$0x1D6C0] =	vst v63  }
0x105: {  	s31 =	sadd.s32 $0xCB0, s0  }
0x106: {  	[tilespmem:s17], [sflag:$0x5] =	stream.indirect.gather [hbm4b:s1+s12], $0x80, s31, s12, $0xb8;
	[tilespmem:$0x1D6C0] =	vst v63  }
0x107: {  	s30 =	sadd.s32 $0x49F0, s0  }
0x108: {  	[tilespmem:s18], [sflag:$0x6] =	stream.indirect.gather [hbm4b:s1+s12], $0x80, s30, s12, $0xb8;
	[tilespmem:$0x1D6C0] =	vst v63  }
0x109: {  	_ =	swait.ge [sflag:s19], $0x3800  }
0x10a: {  	[sflag:s19] =	ssyncset.done $0x0  }
0x10b: {  	s31 =	sadd.s32 $0x1880, s0;
	[sflag:s19] =	ssyncadd.s32 $0xFFFFC800  }
0x10c: {  	[tilespmem:s15], [sflag:$0x3] =	stream.indirect.gather.add.f32 [hbm:s1], $0x80, s31, s12, $0xb8;
	[tilespmem:$0x1D6C0] =	vst v63  }
0x10d: {  	_ =	swait.ge [sflag:s20], $0x3800  }
0x10e: {  	[sflag:s20] =	ssyncset.done $0x0  }
0x10f: {  	s30 =	sadd.s32 $0x55C0, s0;
	[sflag:s20] =	ssyncadd.s32 $0xFFFFC800  }
0x110: {  	[tilespmem:s16], [sflag:$0x4] =	stream.indirect.gather.add.f32 [hbm:s1], $0x80, s30, s12, $0xb8;
	[tilespmem:$0x1D6C0] =	vst v63  }
0x111: {  	_ =	swait.ge [sflag:s21], $0x3800  }
0x112: {  	[sflag:s21] =	ssyncset.done $0x0  }
0x113: {  	s31 =	sadd.s32 $0x18F0, s0;
	[sflag:s21] =	ssyncadd.s32 $0xFFFFC800  }
0x114: {  	[tilespmem:s17], [sflag:$0x5] =	stream.indirect.gather.add.f32 [hbm:s1], $0x80, s31, s12, $0xb8;
	[tilespmem:$0x1D6C0] =	vst v63  }
0x115: {  	_ =	swait.ge [sflag:s22], $0x3800  }
0x116: {  	[sflag:s22] =	ssyncset.done $0x0  }
0x117: {  	s30 =	sadd.s32 $0x5630, s0;
	[sflag:s22] =	ssyncadd.s32 $0xFFFFC800  }
0x118: {  	[tilespmem:s18], [sflag:$0x6] =	stream.indirect.gather.add.f32 [hbm:s1], $0x80, s30, s12, $0xb8;
	[tilespmem:$0x1D6C0] =	vst v63  }
0x119: {  	_ =	swait.ge [sflag:s19], $0x3800  }
0x11a: {  	[sflag:s19] =	ssyncset.done $0x0  }
0x11b: {  	s31 =	sadd.s32 $0x24C0, s0;
	[sflag:s19] =	ssyncadd.s32 $0xFFFFC800  }
0x11c: {  	[tilespmem:s15], [sflag:$0x3] =	stream.indirect.gather.add.f32 [hbm:s1], $0x80, s31, s12, $0xb8;
	[tilespmem:$0x1D6C0] =	vst v63  }
0x11d: {  	_ =	swait.ge [sflag:s20], $0x3800  }
0x11e: {  	[sflag:s20] =	ssyncset.done $0x0  }
0x11f: {  	s30 =	sadd.s32 $0x6200, s0;
	[sflag:s20] =	ssyncadd.s32 $0xFFFFC800  }
0x120: {  	[tilespmem:s16], [sflag:$0x4] =	stream.indirect.gather.add.f32 [hbm:s1], $0x80, s30, s12, $0xb8;
	[tilespmem:$0x1D6C0] =	vst v63  }
0x121: {  	_ =	swait.ge [sflag:s21], $0x3800  }
0x122: {  	[sflag:s21] =	ssyncset.done $0x0  }
0x123: {  	s31 =	sadd.s32 $0x2530, s0;
	[sflag:s21] =	ssyncadd.s32 $0xFFFFC800  }
0x124: {  	[tilespmem:s17], [sflag:$0x5] =	stream.indirect.gather.add.f32 [hbm:s1], $0x80, s31, s12, $0xb8;
	[tilespmem:$0x1D6C0] =	vst v63  }
0x125: {  	_ =	swait.ge [sflag:s22], $0x3800  }
0x126: {  	[sflag:s22] =	ssyncset.done $0x0  }
0x127: {  	s30 =	sadd.s32 $0x6270, s0;
	[sflag:s22] =	ssyncadd.s32 $0xFFFFC800  }
0x128: {  	[tilespmem:s18], [sflag:$0x6] =	stream.indirect.gather.add.f32 [hbm:s1], $0x80, s30, s12, $0xb8;
	[tilespmem:$0x1D6C0] =	vst v63  }
0x129: {  	_ =	swait.ge [sflag:s19], $0x3800  }
0x12a: {  	[sflag:s19] =	ssyncset.done $0x0  }
0x12b: {  	s31 =	sadd.s32 $0x3100, s0;
	[sflag:s19] =	ssyncadd.s32 $0xFFFFC800  }
0x12c: {  	[tilespmem:s15], [sflag:$0x3] =	stream.indirect.gather.add.f32 [hbm:s1], $0x80, s31, s12, $0xb8;
	[tilespmem:$0x1D6C0] =	vst v63  }
0x12d: {  	_ =	swait.ge [sflag:s20], $0x3800  }
0x12e: {  	[sflag:s20] =	ssyncset.done $0x0  }
0x12f: {  	s30 =	sadd.s32 $0x6E40, s0;
	[sflag:s20] =	ssyncadd.s32 $0xFFFFC800  }
0x130: {  	[tilespmem:s16], [sflag:$0x4] =	stream.indirect.gather.add.f32 [hbm:s1], $0x80, s30, s12, $0xb8;
	[tilespmem:$0x1D6C0] =	vst v63  }
0x131: {  	_ =	swait.ge [sflag:s21], $0x3800  }
0x132: {  	[sflag:s21] =	ssyncset.done $0x0  }
0x133: {  	s31 =	sadd.s32 $0x3170, s0;
	[sflag:s21] =	ssyncadd.s32 $0xFFFFC800  }
0x134: {  	[tilespmem:s17], [sflag:$0x5] =	stream.indirect.gather.add.f32 [hbm:s1], $0x80, s31, s12, $0xb8;
	[tilespmem:$0x1D6C0] =	vst v63  }
0x135: {  	_ =	swait.ge [sflag:s22], $0x3800  }
0x136: {  	[sflag:s22] =	ssyncset.done $0x0  }
0x137: {  	s30 =	sadd.s32 $0x6EB0, s0;
	[sflag:s22] =	ssyncadd.s32 $0xFFFFC800  }
0x138: {  	[tilespmem:s18], [sflag:$0x6] =	stream.indirect.gather.add.f32 [hbm:s1], $0x80, s30, s12, $0xb8;
	[tilespmem:$0x1D6C0] =	vst v63  }
0x139: {  	_ =	swait.ge [sflag:s19], $0x3800  }
0x13a: {  	[sflag:s19] =	ssyncset.done $0x0  }
0x13b: {  	s31 =	sadd.s32 $0x3D40, s0;
	[sflag:s19] =	ssyncadd.s32 $0xFFFFC800  }
0x13c: {  	[tilespmem:s15], [sflag:$0x3] =	stream.indirect.gather.add.f32 [hbm:s1], $0x80, s31, s12, $0xb8;
	[tilespmem:$0x1D6C0] =	vst v63  }
0x13d: {  	_ =	swait.ge [sflag:s20], $0x3800  }
0x13e: {  	[sflag:s20] =	ssyncset.done $0x0  }
0x13f: {  	s30 =	sadd.s32 $0x7A80, s0;
	[sflag:s20] =	ssyncadd.s32 $0xFFFFC800  }
0x140: {  	[tilespmem:s16], [sflag:$0x4] =	stream.indirect.gather.add.f32 [hbm:s1], $0x80, s30, s12, $0xb8;
	[tilespmem:$0x1D6C0] =	vst v63  }
0x141: {  	_ =	swait.ge [sflag:s21], $0x3800  }
0x142: {  	[sflag:s21] =	ssyncset.done $0x0  }
0x143: {  	s31 =	sadd.s32 $0x3DB0, s0;
	[sflag:s21] =	ssyncadd.s32 $0xFFFFC800  }
0x144: {  	[tilespmem:s17], [sflag:$0x5] =	stream.indirect.gather.add.f32 [hbm:s1], $0x80, s31, s12, $0xb8;
	[tilespmem:$0x1D6C0] =	vst v63  }
0x145: {  	_ =	swait.ge [sflag:s22], $0x3800  }
0x146: {  	[sflag:s22] =	ssyncset.done $0x0  }
0x147: {  	s0 =	sadd.s32 $0x7AF0, s0;
	[sflag:s22] =	ssyncadd.s32 $0xFFFFC800  }
0x148: {  	[tilespmem:s18], [sflag:$0x6] =	stream.indirect.gather.add.f32 [hbm:s1], $0x80, s0, s12, $0xb8;
	[tilespmem:$0x1D6C0] =	vst v63  }
0x149: {  	_ =	swait.ge [sflag:s23], $0x3800  }
0x14a: {  	[sflag:s23] =	ssyncset.done $0x0  }
0x14b: {  	s2 =	sadd.s32 s29, s7;
	[sflag:s23] =	ssyncadd.s32 $0xFFFFC800  }
0x14c: {  	[hbm4b:s2+s3] =	stream.linear.scatter [tilespmem:s13], [sflag:$0x2], $0x3800, $0x38;
	[tilespmem:$0x1D6C0] =	vst v63  }
0x14d: {  	_ =	swait.ge [sflag:s23], $0x3800  }
0x14e: {  	[sflag:s23] =	ssyncset.done $0x0  }
0x14f: {  	s0 =	sadd.s32 $0x700, s2;
	[sflag:s23] =	ssyncadd.s32 $0xFFFFC800  }
0x150: {  	[hbm4b:s0+s3] =	stream.linear.scatter [tilespmem:s14], [sflag:$0x2], $0x3800, $0x38;
	[tilespmem:$0x1D6C0] =	vst v63  }
0x151: {  	_ =	swait.ge [sflag:s19], $0x3800  }
0x152: {  	[sflag:s19] =	ssyncset.done $0x0  }
0x153: {  	s29 =	sadd.s32 s28, s7;
	[sflag:s19] =	ssyncadd.s32 $0xFFFFC800  }
0x154: {  	[hbm4b:s29+s3] =	stream.linear.scatter [tilespmem:s15], [sflag:$0x2], $0x3800, $0x38;
	[tilespmem:$0x1D6C0] =	vst v63  }
0x155: {  	_ =	swait.ge [sflag:s20], $0x3800  }
0x156: {  	[sflag:s20] =	ssyncset.done $0x0  }
0x157: {  	s30 =	sadd.s32 s26, s7;
	[sflag:s20] =	ssyncadd.s32 $0xFFFFC800  }
0x158: {  	[hbm4b:s30+s3] =	stream.linear.scatter [tilespmem:s16], [sflag:$0x2], $0x3800, $0x38;
	[tilespmem:$0x1D6C0] =	vst v63  }
0x159: {  	_ =	swait.ge [sflag:s21], $0x3800  }
0x15a: {  	[sflag:s21] =	ssyncset.done $0x0  }
0x15b: {  	s0 =	sadd.s32 $0x700, s29;
	[sflag:s21] =	ssyncadd.s32 $0xFFFFC800  }
0x15c: {  	[hbm4b:s0+s3] =	stream.linear.scatter [tilespmem:s17], [sflag:$0x2], $0x3800, $0x38;
	[tilespmem:$0x1D6C0] =	vst v63  }
0x15d: {  	_ =	swait.ge [sflag:s22], $0x3800  }
0x15e: {  	[sflag:s22] =	ssyncset.done $0x0  }
0x15f: {  	s31 =	sadd.s32 $0x700, s30;
	[sflag:s22] =	ssyncadd.s32 $0xFFFFC800  }
0x160: {  	[hbm4b:s31+s3] =	stream.linear.scatter [tilespmem:s18], [sflag:$0x2], $0x3800, $0x38;
	[tilespmem:$0x1D6C0] =	vst v63  }
0x161: {  	_ =	swait.ge [sflag:s24], $0x3800  }
0x162: {  	[sflag:s24] =	ssyncset.done $0x0  }
0x163: {  	[sflag:s24] =	ssyncadd.s32 $0xFFFFC800  }
0x164: {  	_ =	swait.ge [sflag:s24], $0x3800  }
0x165: {  	[sflag:s24] =	ssyncset.done $0x0  }
0x166: {  	[sflag:s24] =	ssyncadd.s32 $0xFFFFC800  }
0x167: {  	_ =	swait.ge [sflag:s24], $0x3800  }
0x168: {  	[sflag:s24] =	ssyncset.done $0x0  }
0x169: {  	[sflag:s24] =	ssyncadd.s32 $0xFFFFC800  }
0x16a: {  	_ =	swait.ge [sflag:s24], $0x3800  }
0x16b: {  	[sflag:s24] =	ssyncset.done $0x0  }
0x16c: {  	s25 =	sadd.s32 $0x1, s25;
	[sflag:s24] =	ssyncadd.s32 $0xFFFFC800  }
0x16d: {  	p0 =	sne.s32 s25, s6;
	_ =	swait.ge [sflag:s24], $0x3800  }
.Ltmp1:
0x16e: {  	[sflag:s24] =	ssyncset.done $0x0;
	(pc) =	sbr.rel @p0 .LBB2_1-.Ltmp1, $4  }
0x16f: {  	[sflag:s24] =	ssyncadd.s32 $0xFFFFC800  }
0x170: {  	_ =	swait.ge [sflag:s24], $0x3800  }
0x171: {  	[sflag:s24] =	ssyncset.done $0x0  }
0x172: {  	[sflag:s24] =	ssyncadd.s32 $0xFFFFC800  }
0x173: {  	_ =	sfence.sel $0x180000  }
0x174: {  	[bflag:$0x0] =	sbarrier.arrive $0xFFFF  }
0x175: {  	_ =	strace $0x90000047  }
0x176: {  	s0 =	stileid.u32;
	[bflag:$0x2] =	sbarrier.arrive $0xFFFF  }
0x177: {  	p0 =	sne.s32 s0, $0x0;
	s0 =	rddreg [dreg:$0x3]  }
0x178: {  	s0 =	sadd.s32 @!p0 $0x100000, s0  }
0x179: {  	[sflag:s0] =	ssyncadd.tile.s32 @!p0 $0x1;
	_ =	shalt  }
.Lfunc_end2:
_tile_overlayer_lowered:
.L_overlay_start_2:
0x17a: {  	(tag) =	ssettag $0x2  }
0x17b: {  	s0 =	rddreg [dreg:$0x0];
	s2 =	stileid.u32  }
0x17c: {  	s1 =	rddreg [dreg:$0x1];
	p0 =	sne.s32 s2, $0x0  }
0x17d: {  	s3 =	rddreg [dreg:$0x2];
	[bflag:$0x3] =	sbarrier.arrive $0xFFFF;
	s2 =	simm.s32 @!p0 $0x1C07  }
0x17e: {  	[timem:s3], [sflag:s2] =	dma.local @!p0 [hbm:s0], s1  }
0x17f: {  	s0 =	simm.s32 @!p0 $0x7  }
0x180: {  	_ =	swait.ge @!p0 [sflag:s0], s1  }
0x181: {  	s1 =	ssub.s32 @!p0 $0x0, s1;
	[sflag:s0] =	ssyncset.done @!p0 $0x0  }
0x182: {  	[sflag:s0] =	ssyncadd.s32 @!p0 s1  }
0x183: {  	[bflag:$0x3] =	sbarrier.arrive $0xFFFF  }
0x184: {  	_ =	shalt  }

</sc_bundles>
